<compile_context>
chip_gen: v7x
topology: tpu7x:2x2x1
jax: 0.10.2.dev20260603
libtpu: 0.0.44.dev20260713+nightly
codegen_flags: <defaults>
</compile_context>

<pallas_src>
import functools

import jax
import jax.numpy as jnp
from jax import lax
from jax.experimental import pallas as pl
from jax.experimental.pallas import tpu as pltpu
from jax.experimental.pallas import tpu_sc as plsc

NC = 2
NS = 16
L = 16
NW = NC * NS

CHUNK = 256
SUB = CHUNK // L
CCHUNK = 512


def _sc_body(M, D, B, R, LCAP, idx_hbm, upd_hbm, in_hbm, out_hbm,
             idx_v, win_v, ridx_v, pidx_v, buf0, buf1,
             lsem, wsem, gsem, ssem):
    wid = lax.axis_index("s") * NC + lax.axis_index("c")
    base = wid * R
    r_last = M - (NW - 1) * R
    is_last = wid == NW - 1

    pltpu.sync_copy(idx_hbm, idx_v)

    zeros = jnp.zeros((L,), jnp.int32)

    def init_body(k, _):
        win_v[pl.ds(k * L, L)] = zeros
        return 0

    lax.fori_loop(0, R // L, init_body, 0)

    lane = lax.iota(jnp.int32, L)

    def scan_body(i, _):
        v = idx_v[pl.ds(i * L, L)]
        local = v - base
        m = (local >= 0) & (local < R)
        addr = jnp.where(m, local, 0)
        pos = i * L + lane + 1
        plsc.store_scatter(win_v, [addr], pos, mask=m)
        return 0

    lax.fori_loop(0, B // L, scan_body, 0)

    cap = LCAP - CHUNK - L

    def compact_body(k, cnt):
        w = win_v[pl.ds(k * L, L)]
        m = w > 0
        r = base + k * L + lane
        c = jnp.minimum(cnt, cap)
        plsc.store_compressed(ridx_v.at[pl.ds(c, L)], r, mask=m)
        plsc.store_compressed(pidx_v.at[pl.ds(c, L)], w - 1, mask=m)
        return cnt + jnp.sum(m.astype(jnp.int32))

    n = lax.fori_loop(0, R // L, compact_body, jnp.int32(0))
    n = jnp.minimum(n, cap)

    bufs = (buf0, buf1)
    GROUP = 2 * CCHUNK
    ngroups = min(R, M - (NW - 1) * R) // GROUP

    def copy_group(g, _):
        s = base + g * GROUP
        loads = [
            pltpu.async_copy(in_hbm.at[pl.ds(s + u * CCHUNK, CCHUNK)],
                             bufs[u], lsem)
            for u in range(2)
        ]
        stores = []
        for u in range(2):
            loads[u].wait()
            stores.append(
                pltpu.async_copy(bufs[u],
                                 out_hbm.at[pl.ds(s + u * CCHUNK, CCHUNK)],
                                 wsem))
        for st in stores:
            st.wait()
        return 0

    lax.fori_loop(0, ngroups, copy_group, 0)

    t_nom = R - ngroups * GROUP
    t_last = r_last - ngroups * GROUP

    def _tail(rows_total):
        s0 = base + ngroups * GROUP
        off = 0
        while rows_total:
            rows = min(rows_total, CCHUNK)
            pltpu.sync_copy(in_hbm.at[pl.ds(s0 + off, rows)],
                            buf0.at[pl.ds(0, rows)])
            pltpu.sync_copy(buf0.at[pl.ds(0, rows)],
                            out_hbm.at[pl.ds(s0 + off, rows)])
            off += rows
            rows_total -= rows

    if t_nom == t_last:
        if t_nom:
            _tail(t_nom)
    else:
        @pl.when(~is_last)
        def _():
            if t_nom:
                _tail(t_nom)

        @pl.when(is_last)
        def _():
            if t_last:
                _tail(t_last)

    @pl.when(n > 0)
    def _():
        r16 = ridx_v[pl.ds(0, L)]
        p16 = pidx_v[pl.ds(0, L)]
        lane2 = lax.iota(jnp.int32, L)
        validm = lane2 < jnp.minimum(n, L)
        comb = jnp.where(validm, (r16 - base) * B + p16, -1)
        mx = jnp.max(comb)
        pad_r = jnp.broadcast_to(base + mx // B, (L,))
        pad_p = jnp.broadcast_to(mx % B, (L,))
        for j in range(SUB):
            ridx_v[pl.ds(n + j * L, L)] = pad_r
            pidx_v[pl.ds(n + j * L, L)] = pad_p

        nch = (n + CHUNK - 1) // CHUNK

        def chunk_body(c, _):
            s = c * CHUNK
            gathers = []
            for j in range(SUB):
                pv = pidx_v[pl.ds(s + j * L, L)]
                gathers.append(
                    pltpu.async_copy(upd_hbm.at[pv],
                                     buf0.at[pl.ds(j * L, L)], gsem))
            for g in gathers:
                g.wait()
            scatters = []
            for j in range(SUB):
                rv = ridx_v[pl.ds(s + j * L, L)]
                scatters.append(
                    pltpu.async_copy(buf0.at[pl.ds(j * L, L)],
                                     out_hbm.at[rv], ssem))
            for t in scatters:
                t.wait()
            return 0

        lax.fori_loop(0, nch, chunk_body, 0)


def kernel(inputs, indices, updates):
    M, D = inputs.shape
    B = updates.shape[0]
    R = ((M // NW + L - 1) // L) * L
    LCAP = min(B, 8192) + CHUNK + L

    idx = indices.reshape(B).astype(jnp.int32)

    mesh = plsc.VectorSubcoreMesh(core_axis_name="c", subcore_axis_name="s")
    f = pl.kernel(
        functools.partial(_sc_body, M, D, B, R, LCAP),
        out_type=jax.ShapeDtypeStruct((M, D), jnp.float32),
        mesh=mesh,
        compiler_params=pltpu.CompilerParams(
            needs_layout_passes=False, use_tc_tiling_on_sc=False),
        scratch_types=[
            pltpu.VMEM((B,), jnp.int32),
            pltpu.VMEM((R,), jnp.int32),
            pltpu.VMEM((LCAP,), jnp.int32),
            pltpu.VMEM((LCAP,), jnp.int32),
            pltpu.VMEM((CCHUNK, D), jnp.float32),
            pltpu.VMEM((CCHUNK, D), jnp.float32),
            pltpu.SemaphoreType.DMA,
            pltpu.SemaphoreType.DMA,
            pltpu.SemaphoreType.DMA,
            pltpu.SemaphoreType.DMA,
        ],
    )
    return f(idx, updates, inputs)

# --- scband reference (transcript-rebuilt; emitter-appended) ---
"""Pipeline reference for scband-tfscatter-nd-16484084483725 (READ-ONLY COPY).

The authoritative reference and input builder live on the scoring server;
editing this copy changes nothing except your own understanding.
"""

import jax, jax.numpy as jnp
import numpy as np

M = 1000000
D = 64
B = 16384

def setup_inputs(seed: int = 0) -> dict:
    key = jax.random.key(seed)
    k1, k2, k3 = jax.random.split(key, 3)
    inputs = jax.random.normal(k1, (M, D), dtype=jnp.float32)
    indices = jax.random.randint(k2, (B, 1), 0, M, dtype=jnp.int64)
    updates = jax.random.normal(k3, (B, D), dtype=jnp.float32)
    return {"inputs": inputs, "indices": indices, "updates": updates}

def reference(inputs, indices, updates):
    # tf.tensor_scatter_nd_update with indices of shape [B, 1] overwrites rows of inputs
    idx = indices[:, 0]
    return inputs.at[idx].set(updates)

if __name__ == "__main__":
    import jax
    _d = setup_inputs()
    print(jax.jit(kernel)(*tuple(_d.values())))

</pallas_src>

<mosaic_0001>
#map = affine_map<(d0, d1) -> (0)>
#map1 = affine_map<(d0, d1) -> (0, 0)>
module attributes {stable_mosaic.version = 14 : i64} {
  func.func @_sc_body(%arg0: i32, %arg1: i32, %arg2: memref<16384xi32, #tpu.memory_space<hbm>>, %arg3: memref<16384x64xf32, #tpu.memory_space<hbm>>, %arg4: memref<1000000x64xf32, #tpu.memory_space<hbm>>, %arg5: memref<1000000x64xf32, #tpu.memory_space<hbm>>, %arg6: memref<16384xi32, #tpu.memory_space<vmem>>, %arg7: memref<31264xi32, #tpu.memory_space<vmem>>, %arg8: memref<8464xi32, #tpu.memory_space<vmem>>, %arg9: memref<8464xi32, #tpu.memory_space<vmem>>, %arg10: memref<512x64xf32, #tpu.memory_space<vmem>>, %arg11: memref<512x64xf32, #tpu.memory_space<vmem>>, %arg12: memref<!tpu.dma_semaphore, #tpu.memory_space<semaphore_mem>>, %arg13: memref<!tpu.dma_semaphore, #tpu.memory_space<semaphore_mem>>, %arg14: memref<!tpu.dma_semaphore, #tpu.memory_space<semaphore_mem>>, %arg15: memref<!tpu.dma_semaphore, #tpu.memory_space<semaphore_mem>>) attributes {dimension_semantics = [#tpu.dimension_semantics<core_parallel>, #tpu.dimension_semantics<subcore_parallel>], iteration_bounds = array<i64: 2, 16>, scalar_prefetch = 0 : i64, scratch_operands = 10 : i64, tpu.core_type = #tpu.core_type<sc_vector_subcore>, window_params = [{transform_indices = #map}, {transform_indices = #map1}, {transform_indices = #map1}, {transform_indices = #map1}]} {
    %mul3A = arith.constant 2 : i32
    %mul3A_0 = arith.muli %arg1, %mul3A : i32
    %add3A = arith.addi %mul3A_0, %arg0 : i32
    %mul3A_1 = arith.constant 31264 : i32
    %mul3A_2 = arith.muli %add3A, %mul3A_1 : i32
    %eq3A = arith.constant 31 : i32
    %eq3A_3 = arith.cmpi eq, %add3A, %eq3A : i32
    "tpu.region"() ({
      %run_scoped3A = tpu.sem_alloc : memref<!tpu.dma_semaphore, #tpu.memory_space<semaphore_mem>>
      tpu.enqueue_dma source(%arg2 : memref<16384xi32, #tpu.memory_space<hbm>>) target(%arg6 : memref<16384xi32, #tpu.memory_space<vmem>>) target_semaphore(%run_scoped3A : memref<!tpu.dma_semaphore, #tpu.memory_space<semaphore_mem>>)
      tpu.wait_dma2 semaphore(%run_scoped3A : memref<!tpu.dma_semaphore, #tpu.memory_space<semaphore_mem>>) src(%arg2 : memref<16384xi32, #tpu.memory_space<hbm>>) dst(%arg6 : memref<16384xi32, #tpu.memory_space<vmem>>)
      tpu.yield
    }) : () -> ()
    %broadcast_in_dim3A = arith.constant 0 : i32
    %broadcast_in_dim3A_4 = vector.broadcast %broadcast_in_dim3A : i32 to vector<16xi32>
    %scan3A = arith.constant 0 : i32
    %scan3A_5 = arith.constant 0 : i32
    %scan3A_6 = arith.constant 1954 : i32
    %scan3A_7 = arith.addi %scan3A_5, %scan3A_6 : i32
    %scan3A_8 = arith.constant 1 : i32
    %scan3A_9 = scf.for %scan3A_42 = %scan3A_5 to %scan3A_7 step %scan3A_8 iter_args(%scan3A_43 = %scan3A) -> (i32)  : i32 {
      %mul3A_44 = arith.constant 16 : i32
      %mul3A_45 = arith.muli %scan3A_42, %mul3A_44 : i32
      %swap3A = arith.index_cast %mul3A_45 : i32 to index
      %swap3A_46 = tpu.vector_load %arg7[%swap3A] {strides = array<i32>} : memref<31264xi32, #tpu.memory_space<vmem>>, vector<16xi32>,
      tpu.vector_store %arg7[%swap3A], %broadcast_in_dim3A_4 {strides = array<i32>} : memref<31264xi32, #tpu.memory_space<vmem>>, vector<16xi32>,
      %scan3A_47 = arith.constant 0 : i32
      scf.yield %scan3A_47 : i32
    }
    %scan3A_10 = arith.constant 1954 : i32
    %iota3A = tpu.iota {dimensions = array<i32: 0>} : vector<16xi32>
    %scan3A_11 = arith.constant 0 : i32
    %scan3A_12 = arith.constant 0 : i32
    %scan3A_13 = arith.constant 1024 : i32
    %scan3A_14 = arith.addi %scan3A_12, %scan3A_13 : i32
    %scan3A_15 = arith.constant 1 : i32
    %scan3A_16 = scf.for %scan3A_42 = %scan3A_12 to %scan3A_14 step %scan3A_15 iter_args(%scan3A_43 = %scan3A_11) -> (i32)  : i32 {
      %mul3A_44 = arith.constant 16 : i32
      %mul3A_45 = arith.muli %scan3A_42, %mul3A_44 : i32
      %get3A = arith.index_cast %mul3A_45 : i32 to index
      %get3A_46 = tpu.vector_load %arg6[%get3A] {strides = array<i32>} : memref<16384xi32, #tpu.memory_space<vmem>>, vector<16xi32>,
      %sub3A = vector.broadcast %mul3A_2 : i32 to vector<16xi32>
      %sub3A_47 = arith.subi %get3A_46, %sub3A : vector<16xi32>
      %ge3A = arith.constant 0 : i32
      %ge3A_48 = vector.broadcast %ge3A : i32 to vector<16xi32>
      %ge3A_49 = arith.cmpi sge, %sub3A_47, %ge3A_48 : vector<16xi32>
      %lt3A = arith.constant 31264 : i32
      %lt3A_50 = vector.broadcast %lt3A : i32 to vector<16xi32>
      %lt3A_51 = arith.cmpi slt, %sub3A_47, %lt3A_50 : vector<16xi32>
      %and3A = arith.andi %ge3A_49, %lt3A_51 : vector<16xi1>
      %jit3A = arith.constant 0 : i32
      %broadcast_in_dim3A_52 = vector.broadcast %jit3A : i32 to vector<16xi32>
      %select_n3A = arith.select %and3A, %sub3A_47, %broadcast_in_dim3A_52 : vector<16xi1>, vector<16xi32>
      %mul3A_53 = arith.constant 16 : i32
      %mul3A_54 = arith.muli %scan3A_42, %mul3A_53 : i32
      %add3A_55 = vector.broadcast %mul3A_54 : i32 to vector<16xi32>
      %add3A_56 = arith.addi %add3A_55, %iota3A : vector<16xi32>
      %add3A_57 = arith.constant 1 : i32
      %add3A_58 = vector.broadcast %add3A_57 : i32 to vector<16xi32>
      %add3A_59 = arith.addi %add3A_56, %add3A_58 : vector<16xi32>
      tpu.vector_store_idx %arg7[%select_n3A], %add3A_59 masked %and3A : memref<31264xi32, #tpu.memory_space<vmem>>[vector<16xi32>], vector<16xi32>, vector<16xi1>
      %scan3A_60 = arith.constant 0 : i32
      scf.yield %scan3A_60 : i32
    }
    %scan3A_17 = arith.constant 1024 : i32
    %scan3A_18 = arith.constant 0 : i32
    %scan3A_19 = arith.constant 0 : i32
    %scan3A_20 = arith.constant 1954 : i32
    %scan3A_21 = arith.addi %scan3A_19, %scan3A_20 : i32
    %scan3A_22 = arith.constant 1 : i32
    %scan3A_23 = scf.for %scan3A_42 = %scan3A_19 to %scan3A_21 step %scan3A_22 iter_args(%scan3A_43 = %scan3A_18) -> (i32)  : i32 {
      %mul3A_44 = arith.constant 16 : i32
      %mul3A_45 = arith.muli %scan3A_42, %mul3A_44 : i32
      %get3A = arith.index_cast %mul3A_45 : i32 to index
      %get3A_46 = tpu.vector_load %arg7[%get3A] {strides = array<i32>} : memref<31264xi32, #tpu.memory_space<vmem>>, vector<16xi32>,
      %gt3A_47 = arith.constant 0 : i32
      %gt3A_48 = vector.broadcast %gt3A_47 : i32 to vector<16xi32>
      %gt3A_49 = arith.cmpi sgt, %get3A_46, %gt3A_48 : vector<16xi32>
      %mul3A_50 = arith.constant 16 : i32
      %mul3A_51 = arith.muli %scan3A_42, %mul3A_50 : i32
      %add3A_52 = arith.addi %mul3A_2, %mul3A_51 : i32
      %add3A_53 = vector.broadcast %add3A_52 : i32 to vector<16xi32>
      %add3A_54 = arith.addi %add3A_53, %iota3A : vector<16xi32>
      %min3A_55 = arith.constant 8192 : i32
      %min3A_56 = arith.minsi %scan3A_43, %min3A_55 : i32
      %swap3A = arith.index_cast %min3A_56 : i32 to index
      %swap3A_57 = tpu.vector_load %arg8[%swap3A] masked %gt3A_49 {strides = array<i32>} : memref<8464xi32, #tpu.memory_space<vmem>>, vector<16xi32>, vector<16xi1>
      tpu.vector_store %arg8[%swap3A], %add3A_54 masked %gt3A_49 {strides = array<i32>} : memref<8464xi32, #tpu.memory_space<vmem>>, vector<16xi32>, vector<16xi1>
      %sub3A = arith.constant 1 : i32
      %sub3A_58 = vector.broadcast %sub3A : i32 to vector<16xi32>
      %sub3A_59 = arith.subi %get3A_46, %sub3A_58 : vector<16xi32>
      %swap3A_60 = arith.index_cast %min3A_56 : i32 to index
      %swap3A_61 = tpu.vector_load %arg9[%swap3A_60] masked %gt3A_49 {strides = array<i32>} : memref<8464xi32, #tpu.memory_space<vmem>>, vector<16xi32>, vector<16xi1>
      tpu.vector_store %arg9[%swap3A_60], %sub3A_59 masked %gt3A_49 {strides = array<i32>} : memref<8464xi32, #tpu.memory_space<vmem>>, vector<16xi32>, vector<16xi1>
      %convert_element_type3A_62 = arith.extui %gt3A_49 : vector<16xi1> to vector<16xi32>
      %reduce_sum3A = arith.constant true
      %reduce_sum3A_63 = vector.broadcast %reduce_sum3A : i1 to vector<16xi1>
      %reduce_sum3A_64 = tpu.scan <sum>, %convert_element_type3A_62 masked %reduce_sum3A_63 : vector<16xi32>, vector<16xi1> -> vector<16xi32>
      %reduce_sum3A_65 = vector.extract %reduce_sum3A_64[15] : i32 from vector<16xi32>
      %add3A_66 = arith.addi %scan3A_43, %reduce_sum3A_65 : i32
      scf.yield %add3A_66 : i32
    }
    %scan3A_24 = arith.constant 1954 : i32
    %min3A = arith.constant 8192 : i32
    %min3A_25 = arith.minsi %scan3A_23, %min3A : i32
    %scan3A_26 = arith.constant 0 : i32
    %scan3A_27 = arith.constant 0 : i32
    %scan3A_28 = arith.constant 30 : i32
    %scan3A_29 = arith.addi %scan3A_27, %scan3A_28 : i32
    %scan3A_30 = arith.constant 1 : i32
    %scan3A_31 = scf.for %scan3A_42 = %scan3A_27 to %scan3A_29 step %scan3A_30 iter_args(%scan3A_43 = %scan3A_26) -> (i32)  : i32 {
      %mul3A_44 = arith.constant 1024 : i32
      %mul3A_45 = arith.muli %scan3A_42, %mul3A_44 : i32
      %add3A_46 = arith.addi %mul3A_2, %mul3A_45 : i32
      %add3A_47 = arith.constant 0 : i32
      %add3A_48 = arith.addi %add3A_46, %add3A_47 : i32
      %dma_start3A = arith.constant 0 : i32
      %dma_start3A_49 = tpu.memref_slice %arg4[%add3A_48, %dma_start3A] : memref<1000000x64xf32, #tpu.memory_space<hbm>> -> memref<512x64xf32, #tpu.memory_space<hbm>>
      %dma_start3A_50 = arith.constant 0 : i32
      %dma_start3A_51 = tpu.memref_slice %arg4[%add3A_48, %dma_start3A_50] : memref<1000000x64xf32, #tpu.memory_space<hbm>> -> memref<512x64xf32, #tpu.memory_space<hbm>>
      tpu.enqueue_dma source(%dma_start3A_51 : memref<512x64xf32, #tpu.memory_space<hbm>>) target(%arg10 : memref<512x64xf32, #tpu.memory_space<vmem>>) target_semaphore(%arg12 : memref<!tpu.dma_semaphore, #tpu.memory_space<semaphore_mem>>)
      %add3A_52 = arith.constant 512 : i32
      %add3A_53 = arith.addi %add3A_46, %add3A_52 : i32
      %dma_start3A_54 = arith.constant 0 : i32
      %dma_start3A_55 = tpu.memref_slice %arg4[%add3A_53, %dma_start3A_54] : memref<1000000x64xf32, #tpu.memory_space<hbm>> -> memref<512x64xf32, #tpu.memory_space<hbm>>
      %dma_start3A_56 = arith.constant 0 : i32
      %dma_start3A_57 = tpu.memref_slice %arg4[%add3A_53, %dma_start3A_56] : memref<1000000x64xf32, #tpu.memory_space<hbm>> -> memref<512x64xf32, #tpu.memory_space<hbm>>
      tpu.enqueue_dma source(%dma_start3A_57 : memref<512x64xf32, #tpu.memory_space<hbm>>) target(%arg11 : memref<512x64xf32, #tpu.memory_space<vmem>>) target_semaphore(%arg12 : memref<!tpu.dma_semaphore, #tpu.memory_space<semaphore_mem>>)
      %dma_wait3A = arith.constant 0 : i32
      %dma_wait3A_58 = tpu.memref_slice %arg4[%add3A_48, %dma_wait3A] : memref<1000000x64xf32, #tpu.memory_space<hbm>> -> memref<512x64xf32, #tpu.memory_space<hbm>>
      %dma_wait3A_59 = arith.constant 0 : i32
      %dma_wait3A_60 = tpu.memref_slice %arg4[%add3A_48, %dma_wait3A_59] : memref<1000000x64xf32, #tpu.memory_space<hbm>> -> memref<512x64xf32, #tpu.memory_space<hbm>>
      tpu.wait_dma2 semaphore(%arg12 : memref<!tpu.dma_semaphore, #tpu.memory_space<semaphore_mem>>) src(%dma_wait3A_60 : memref<512x64xf32, #tpu.memory_space<hbm>>) dst(%arg10 : memref<512x64xf32, #tpu.memory_space<vmem>>)
      %add3A_61 = arith.constant 0 : i32
      %add3A_62 = arith.addi %add3A_46, %add3A_61 : i32
      %dma_start3A_63 = arith.constant 0 : i32
      %dma_start3A_64 = tpu.memref_slice %arg5[%add3A_62, %dma_start3A_63] : memref<1000000x64xf32, #tpu.memory_space<hbm>> -> memref<512x64xf32, #tpu.memory_space<hbm>>
      %dma_start3A_65 = arith.constant 0 : i32
      %dma_start3A_66 = tpu.memref_slice %arg5[%add3A_62, %dma_start3A_65] : memref<1000000x64xf32, #tpu.memory_space<hbm>> -> memref<512x64xf32, #tpu.memory_space<hbm>>
      tpu.enqueue_dma source(%arg10 : memref<512x64xf32, #tpu.memory_space<vmem>>) target(%dma_start3A_66 : memref<512x64xf32, #tpu.memory_space<hbm>>) target_semaphore(%arg13 : memref<!tpu.dma_semaphore, #tpu.memory_space<semaphore_mem>>)
      %dma_wait3A_67 = arith.constant 0 : i32
      %dma_wait3A_68 = tpu.memref_slice %arg4[%add3A_53, %dma_wait3A_67] : memref<1000000x64xf32, #tpu.memory_space<hbm>> -> memref<512x64xf32, #tpu.memory_space<hbm>>
      %dma_wait3A_69 = arith.constant 0 : i32
      %dma_wait3A_70 = tpu.memref_slice %arg4[%add3A_53, %dma_wait3A_69] : memref<1000000x64xf32, #tpu.memory_space<hbm>> -> memref<512x64xf32, #tpu.memory_space<hbm>>
      tpu.wait_dma2 semaphore(%arg12 : memref<!tpu.dma_semaphore, #tpu.memory_space<semaphore_mem>>) src(%dma_wait3A_70 : memref<512x64xf32, #tpu.memory_space<hbm>>) dst(%arg11 : memref<512x64xf32, #tpu.memory_space<vmem>>)
      %add3A_71 = arith.constant 512 : i32
      %add3A_72 = arith.addi %add3A_46, %add3A_71 : i32
      %dma_start3A_73 = arith.constant 0 : i32
      %dma_start3A_74 = tpu.memref_slice %arg5[%add3A_72, %dma_start3A_73] : memref<1000000x64xf32, #tpu.memory_space<hbm>> -> memref<512x64xf32, #tpu.memory_space<hbm>>
      %dma_start3A_75 = arith.constant 0 : i32
      %dma_start3A_76 = tpu.memref_slice %arg5[%add3A_72, %dma_start3A_75] : memref<1000000x64xf32, #tpu.memory_space<hbm>> -> memref<512x64xf32, #tpu.memory_space<hbm>>
      tpu.enqueue_dma source(%arg11 : memref<512x64xf32, #tpu.memory_space<vmem>>) target(%dma_start3A_76 : memref<512x64xf32, #tpu.memory_space<hbm>>) target_semaphore(%arg13 : memref<!tpu.dma_semaphore, #tpu.memory_space<semaphore_mem>>)
      %dma_wait3A_77 = arith.constant 0 : i32
      %dma_wait3A_78 = tpu.memref_slice %arg5[%add3A_62, %dma_wait3A_77] : memref<1000000x64xf32, #tpu.memory_space<hbm>> -> memref<512x64xf32, #tpu.memory_space<hbm>>
      %dma_wait3A_79 = arith.constant 0 : i32
      %dma_wait3A_80 = tpu.memref_slice %arg5[%add3A_62, %dma_wait3A_79] : memref<1000000x64xf32, #tpu.memory_space<hbm>> -> memref<512x64xf32, #tpu.memory_space<hbm>>
      tpu.wait_dma2 semaphore(%arg13 : memref<!tpu.dma_semaphore, #tpu.memory_space<semaphore_mem>>) src(%arg10 : memref<512x64xf32, #tpu.memory_space<vmem>>) dst(%dma_wait3A_80 : memref<512x64xf32, #tpu.memory_space<hbm>>)
      %dma_wait3A_81 = arith.constant 0 : i32
      %dma_wait3A_82 = tpu.memref_slice %arg5[%add3A_72, %dma_wait3A_81] : memref<1000000x64xf32, #tpu.memory_space<hbm>> -> memref<512x64xf32, #tpu.memory_space<hbm>>
      %dma_wait3A_83 = arith.constant 0 : i32
      %dma_wait3A_84 = tpu.memref_slice %arg5[%add3A_72, %dma_wait3A_83] : memref<1000000x64xf32, #tpu.memory_space<hbm>> -> memref<512x64xf32, #tpu.memory_space<hbm>>
      tpu.wait_dma2 semaphore(%arg13 : memref<!tpu.dma_semaphore, #tpu.memory_space<semaphore_mem>>) src(%arg11 : memref<512x64xf32, #tpu.memory_space<vmem>>) dst(%dma_wait3A_84 : memref<512x64xf32, #tpu.memory_space<hbm>>)
      %scan3A_85 = arith.constant 0 : i32
      scf.yield %scan3A_85 : i32
    }
    %scan3A_32 = arith.constant 30 : i32
    %not3A = arith.constant true
    %not3A_33 = arith.xori %eq3A_3, %not3A : i1
    %convert_element_type3A = arith.extui %not3A_33 : i1 to i32
    %cond3A = arith.constant 0 : i32
    %cond3A_34 = arith.cmpi ne, %convert_element_type3A, %cond3A : i32
    scf.if %cond3A_34 {
      %add3A_42 = arith.constant 30720 : i32
      %add3A_43 = arith.addi %mul3A_2, %add3A_42 : i32
      %add3A_44 = arith.constant 0 : i32
      %add3A_45 = arith.addi %add3A_43, %add3A_44 : i32
      "tpu.region"() ({
        %run_scoped3A = tpu.sem_alloc : memref<!tpu.dma_semaphore, #tpu.memory_space<semaphore_mem>>
        %dma_start3A = arith.constant 0 : i32
        %dma_start3A_52 = arith.constant 0 : i32
        %dma_start3A_53 = tpu.memref_slice %arg10[%dma_start3A, %dma_start3A_52] : memref<512x64xf32, #tpu.memory_space<vmem>> -> memref<512x64xf32, #tpu.memory_space<vmem>>
        %dma_start3A_54 = arith.constant 0 : i32
        %dma_start3A_55 = tpu.memref_slice %arg4[%add3A_45, %dma_start3A_54] : memref<1000000x64xf32, #tpu.memory_space<hbm>> -> memref<512x64xf32, #tpu.memory_space<hbm>>
        %dma_start3A_56 = arith.constant 0 : i32
        %dma_start3A_57 = arith.constant 0 : i32
        %dma_start3A_58 = tpu.memref_slice %arg10[%dma_start3A_56, %dma_start3A_57] : memref<512x64xf32, #tpu.memory_space<vmem>> -> memref<512x64xf32, #tpu.memory_space<vmem>>
        %dma_start3A_59 = arith.constant 0 : i32
        %dma_start3A_60 = tpu.memref_slice %arg4[%add3A_45, %dma_start3A_59] : memref<1000000x64xf32, #tpu.memory_space<hbm>> -> memref<512x64xf32, #tpu.memory_space<hbm>>
        tpu.enqueue_dma source(%dma_start3A_60 : memref<512x64xf32, #tpu.memory_space<hbm>>) target(%dma_start3A_58 : memref<512x64xf32, #tpu.memory_space<vmem>>) target_semaphore(%run_scoped3A : memref<!tpu.dma_semaphore, #tpu.memory_space<semaphore_mem>>)
        %dma_wait3A = arith.constant 0 : i32
        %dma_wait3A_61 = arith.constant 0 : i32
        %dma_wait3A_62 = tpu.memref_slice %arg10[%dma_wait3A, %dma_wait3A_61] : memref<512x64xf32, #tpu.memory_space<vmem>> -> memref<512x64xf32, #tpu.memory_space<vmem>>
        %dma_wait3A_63 = arith.constant 0 : i32
        %dma_wait3A_64 = tpu.memref_slice %arg4[%add3A_45, %dma_wait3A_63] : memref<1000000x64xf32, #tpu.memory_space<hbm>> -> memref<512x64xf32, #tpu.memory_space<hbm>>
        %dma_wait3A_65 = arith.constant 0 : i32
        %dma_wait3A_66 = arith.constant 0 : i32
        %dma_wait3A_67 = tpu.memref_slice %arg10[%dma_wait3A_65, %dma_wait3A_66] : memref<512x64xf32, #tpu.memory_space<vmem>> -> memref<512x64xf32, #tpu.memory_space<vmem>>
        %dma_wait3A_68 = arith.constant 0 : i32
        %dma_wait3A_69 = tpu.memref_slice %arg4[%add3A_45, %dma_wait3A_68] : memref<1000000x64xf32, #tpu.memory_space<hbm>> -> memref<512x64xf32, #tpu.memory_space<hbm>>
        tpu.wait_dma2 semaphore(%run_scoped3A : memref<!tpu.dma_semaphore, #tpu.memory_space<semaphore_mem>>) src(%dma_wait3A_69 : memref<512x64xf32, #tpu.memory_space<hbm>>) dst(%dma_wait3A_67 : memref<512x64xf32, #tpu.memory_space<vmem>>)
        tpu.yield
      }) : () -> ()
      %add3A_46 = arith.constant 0 : i32
      %add3A_47 = arith.addi %add3A_43, %add3A_46 : i32
      "tpu.region"() ({
        %run_scoped3A = tpu.sem_alloc : memref<!tpu.dma_semaphore, #tpu.memory_space<semaphore_mem>>
        %dma_start3A = arith.constant 0 : i32
        %dma_start3A_52 = arith.constant 0 : i32
        %dma_start3A_53 = tpu.memref_slice %arg10[%dma_start3A, %dma_start3A_52] : memref<512x64xf32, #tpu.memory_space<vmem>> -> memref<512x64xf32, #tpu.memory_space<vmem>>
        %dma_start3A_54 = arith.constant 0 : i32
        %dma_start3A_55 = tpu.memref_slice %arg5[%add3A_47, %dma_start3A_54] : memref<1000000x64xf32, #tpu.memory_space<hbm>> -> memref<512x64xf32, #tpu.memory_space<hbm>>
        %dma_start3A_56 = arith.constant 0 : i32
        %dma_start3A_57 = tpu.memref_slice %arg5[%add3A_47, %dma_start3A_56] : memref<1000000x64xf32, #tpu.memory_space<hbm>> -> memref<512x64xf32, #tpu.memory_space<hbm>>
        %dma_start3A_58 = arith.constant 0 : i32
        %dma_start3A_59 = arith.constant 0 : i32
        %dma_start3A_60 = tpu.memref_slice %arg10[%dma_start3A_58, %dma_start3A_59] : memref<512x64xf32, #tpu.memory_space<vmem>> -> memref<512x64xf32, #tpu.memory_space<vmem>>
        tpu.enqueue_dma source(%dma_start3A_60 : memref<512x64xf32, #tpu.memory_space<vmem>>) target(%dma_start3A_57 : memref<512x64xf32, #tpu.memory_space<hbm>>) target_semaphore(%run_scoped3A : memref<!tpu.dma_semaphore, #tpu.memory_space<semaphore_mem>>)
        %dma_wait3A = arith.constant 0 : i32
        %dma_wait3A_61 = arith.constant 0 : i32
        %dma_wait3A_62 = tpu.memref_slice %arg10[%dma_wait3A, %dma_wait3A_61] : memref<512x64xf32, #tpu.memory_space<vmem>> -> memref<512x64xf32, #tpu.memory_space<vmem>>
        %dma_wait3A_63 = arith.constant 0 : i32
        %dma_wait3A_64 = tpu.memref_slice %arg5[%add3A_47, %dma_wait3A_63] : memref<1000000x64xf32, #tpu.memory_space<hbm>> -> memref<512x64xf32, #tpu.memory_space<hbm>>
        %dma_wait3A_65 = arith.constant 0 : i32
        %dma_wait3A_66 = tpu.memref_slice %arg5[%add3A_47, %dma_wait3A_65] : memref<1000000x64xf32, #tpu.memory_space<hbm>> -> memref<512x64xf32, #tpu.memory_space<hbm>>
        %dma_wait3A_67 = arith.constant 0 : i32
        %dma_wait3A_68 = arith.constant 0 : i32
        %dma_wait3A_69 = tpu.memref_slice %arg10[%dma_wait3A_67, %dma_wait3A_68] : memref<512x64xf32, #tpu.memory_space<vmem>> -> memref<512x64xf32, #tpu.memory_space<vmem>>
        tpu.wait_dma2 semaphore(%run_scoped3A : memref<!tpu.dma_semaphore, #tpu.memory_space<semaphore_mem>>) src(%dma_wait3A_69 : memref<512x64xf32, #tpu.memory_space<vmem>>) dst(%dma_wait3A_66 : memref<512x64xf32, #tpu.memory_space<hbm>>)
        tpu.yield
      }) : () -> ()
      %add3A_48 = arith.constant 512 : i32
      %add3A_49 = arith.addi %add3A_43, %add3A_48 : i32
      "tpu.region"() ({
        %run_scoped3A = tpu.sem_alloc : memref<!tpu.dma_semaphore, #tpu.memory_space<semaphore_mem>>
        %dma_start3A = arith.constant 0 : i32
        %dma_start3A_52 = arith.constant 0 : i32
        %dma_start3A_53 = tpu.memref_slice %arg10[%dma_start3A, %dma_start3A_52] : memref<512x64xf32, #tpu.memory_space<vmem>> -> memref<32x64xf32, #tpu.memory_space<vmem>>
        %dma_start3A_54 = arith.constant 0 : i32
        %dma_start3A_55 = tpu.memref_slice %arg4[%add3A_49, %dma_start3A_54] : memref<1000000x64xf32, #tpu.memory_space<hbm>> -> memref<32x64xf32, #tpu.memory_space<hbm>>
        %dma_start3A_56 = arith.constant 0 : i32
        %dma_start3A_57 = arith.constant 0 : i32
        %dma_start3A_58 = tpu.memref_slice %arg10[%dma_start3A_56, %dma_start3A_57] : memref<512x64xf32, #tpu.memory_space<vmem>> -> memref<32x64xf32, #tpu.memory_space<vmem>>
        %dma_start3A_59 = arith.constant 0 : i32
        %dma_start3A_60 = tpu.memref_slice %arg4[%add3A_49, %dma_start3A_59] : memref<1000000x64xf32, #tpu.memory_space<hbm>> -> memref<32x64xf32, #tpu.memory_space<hbm>>
        tpu.enqueue_dma source(%dma_start3A_60 : memref<32x64xf32, #tpu.memory_space<hbm>>) target(%dma_start3A_58 : memref<32x64xf32, #tpu.memory_space<vmem>>) target_semaphore(%run_scoped3A : memref<!tpu.dma_semaphore, #tpu.memory_space<semaphore_mem>>)
        %dma_wait3A = arith.constant 0 : i32
        %dma_wait3A_61 = arith.constant 0 : i32
        %dma_wait3A_62 = tpu.memref_slice %arg10[%dma_wait3A, %dma_wait3A_61] : memref<512x64xf32, #tpu.memory_space<vmem>> -> memref<32x64xf32, #tpu.memory_space<vmem>>
        %dma_wait3A_63 = arith.constant 0 : i32
        %dma_wait3A_64 = tpu.memref_slice %arg4[%add3A_49, %dma_wait3A_63] : memref<1000000x64xf32, #tpu.memory_space<hbm>> -> memref<32x64xf32, #tpu.memory_space<hbm>>
        %dma_wait3A_65 = arith.constant 0 : i32
        %dma_wait3A_66 = arith.constant 0 : i32
        %dma_wait3A_67 = tpu.memref_slice %arg10[%dma_wait3A_65, %dma_wait3A_66] : memref<512x64xf32, #tpu.memory_space<vmem>> -> memref<32x64xf32, #tpu.memory_space<vmem>>
        %dma_wait3A_68 = arith.constant 0 : i32
        %dma_wait3A_69 = tpu.memref_slice %arg4[%add3A_49, %dma_wait3A_68] : memref<1000000x64xf32, #tpu.memory_space<hbm>> -> memref<32x64xf32, #tpu.memory_space<hbm>>
        tpu.wait_dma2 semaphore(%run_scoped3A : memref<!tpu.dma_semaphore, #tpu.memory_space<semaphore_mem>>) src(%dma_wait3A_69 : memref<32x64xf32, #tpu.memory_space<hbm>>) dst(%dma_wait3A_67 : memref<32x64xf32, #tpu.memory_space<vmem>>)
        tpu.yield
      }) : () -> ()
      %add3A_50 = arith.constant 512 : i32
      %add3A_51 = arith.addi %add3A_43, %add3A_50 : i32
      "tpu.region"() ({
        %run_scoped3A = tpu.sem_alloc : memref<!tpu.dma_semaphore, #tpu.memory_space<semaphore_mem>>
        %dma_start3A = arith.constant 0 : i32
        %dma_start3A_52 = arith.constant 0 : i32
        %dma_start3A_53 = tpu.memref_slice %arg10[%dma_start3A, %dma_start3A_52] : memref<512x64xf32, #tpu.memory_space<vmem>> -> memref<32x64xf32, #tpu.memory_space<vmem>>
        %dma_start3A_54 = arith.constant 0 : i32
        %dma_start3A_55 = tpu.memref_slice %arg5[%add3A_51, %dma_start3A_54] : memref<1000000x64xf32, #tpu.memory_space<hbm>> -> memref<32x64xf32, #tpu.memory_space<hbm>>
        %dma_start3A_56 = arith.constant 0 : i32
        %dma_start3A_57 = tpu.memref_slice %arg5[%add3A_51, %dma_start3A_56] : memref<1000000x64xf32, #tpu.memory_space<hbm>> -> memref<32x64xf32, #tpu.memory_space<hbm>>
        %dma_start3A_58 = arith.constant 0 : i32
        %dma_start3A_59 = arith.constant 0 : i32
        %dma_start3A_60 = tpu.memref_slice %arg10[%dma_start3A_58, %dma_start3A_59] : memref<512x64xf32, #tpu.memory_space<vmem>> -> memref<32x64xf32, #tpu.memory_space<vmem>>
        tpu.enqueue_dma source(%dma_start3A_60 : memref<32x64xf32, #tpu.memory_space<vmem>>) target(%dma_start3A_57 : memref<32x64xf32, #tpu.memory_space<hbm>>) target_semaphore(%run_scoped3A : memref<!tpu.dma_semaphore, #tpu.memory_space<semaphore_mem>>)
        %dma_wait3A = arith.constant 0 : i32
        %dma_wait3A_61 = arith.constant 0 : i32
        %dma_wait3A_62 = tpu.memref_slice %arg10[%dma_wait3A, %dma_wait3A_61] : memref<512x64xf32, #tpu.memory_space<vmem>> -> memref<32x64xf32, #tpu.memory_space<vmem>>
        %dma_wait3A_63 = arith.constant 0 : i32
        %dma_wait3A_64 = tpu.memref_slice %arg5[%add3A_51, %dma_wait3A_63] : memref<1000000x64xf32, #tpu.memory_space<hbm>> -> memref<32x64xf32, #tpu.memory_space<hbm>>
        %dma_wait3A_65 = arith.constant 0 : i32
        %dma_wait3A_66 = tpu.memref_slice %arg5[%add3A_51, %dma_wait3A_65] : memref<1000000x64xf32, #tpu.memory_space<hbm>> -> memref<32x64xf32, #tpu.memory_space<hbm>>
        %dma_wait3A_67 = arith.constant 0 : i32
        %dma_wait3A_68 = arith.constant 0 : i32
        %dma_wait3A_69 = tpu.memref_slice %arg10[%dma_wait3A_67, %dma_wait3A_68] : memref<512x64xf32, #tpu.memory_space<vmem>> -> memref<32x64xf32, #tpu.memory_space<vmem>>
        tpu.wait_dma2 semaphore(%run_scoped3A : memref<!tpu.dma_semaphore, #tpu.memory_space<semaphore_mem>>) src(%dma_wait3A_69 : memref<32x64xf32, #tpu.memory_space<vmem>>) dst(%dma_wait3A_66 : memref<32x64xf32, #tpu.memory_space<hbm>>)
        tpu.yield
      }) : () -> ()
    } else {
    }
    %convert_element_type3A_35 = arith.extui %eq3A_3 : i1 to i32
    %cond3A_36 = arith.constant 0 : i32
    %cond3A_37 = arith.cmpi ne, %convert_element_type3A_35, %cond3A_36 : i32
    scf.if %cond3A_37 {
      %add3A_42 = arith.constant 30720 : i32
      %add3A_43 = arith.addi %mul3A_2, %add3A_42 : i32
      %add3A_44 = arith.constant 0 : i32
      %add3A_45 = arith.addi %add3A_43, %add3A_44 : i32
      "tpu.region"() ({
        %run_scoped3A = tpu.sem_alloc : memref<!tpu.dma_semaphore, #tpu.memory_space<semaphore_mem>>
        %dma_start3A = arith.constant 0 : i32
        %dma_start3A_48 = arith.constant 0 : i32
        %dma_start3A_49 = tpu.memref_slice %arg10[%dma_start3A, %dma_start3A_48] : memref<512x64xf32, #tpu.memory_space<vmem>> -> memref<96x64xf32, #tpu.memory_space<vmem>>
        %dma_start3A_50 = arith.constant 0 : i32
        %dma_start3A_51 = tpu.memref_slice %arg4[%add3A_45, %dma_start3A_50] : memref<1000000x64xf32, #tpu.memory_space<hbm>> -> memref<96x64xf32, #tpu.memory_space<hbm>>
        %dma_start3A_52 = arith.constant 0 : i32
        %dma_start3A_53 = arith.constant 0 : i32
        %dma_start3A_54 = tpu.memref_slice %arg10[%dma_start3A_52, %dma_start3A_53] : memref<512x64xf32, #tpu.memory_space<vmem>> -> memref<96x64xf32, #tpu.memory_space<vmem>>
        %dma_start3A_55 = arith.constant 0 : i32
        %dma_start3A_56 = tpu.memref_slice %arg4[%add3A_45, %dma_start3A_55] : memref<1000000x64xf32, #tpu.memory_space<hbm>> -> memref<96x64xf32, #tpu.memory_space<hbm>>
        tpu.enqueue_dma source(%dma_start3A_56 : memref<96x64xf32, #tpu.memory_space<hbm>>) target(%dma_start3A_54 : memref<96x64xf32, #tpu.memory_space<vmem>>) target_semaphore(%run_scoped3A : memref<!tpu.dma_semaphore, #tpu.memory_space<semaphore_mem>>)
        %dma_wait3A = arith.constant 0 : i32
        %dma_wait3A_57 = arith.constant 0 : i32
        %dma_wait3A_58 = tpu.memref_slice %arg10[%dma_wait3A, %dma_wait3A_57] : memref<512x64xf32, #tpu.memory_space<vmem>> -> memref<96x64xf32, #tpu.memory_space<vmem>>
        %dma_wait3A_59 = arith.constant 0 : i32
        %dma_wait3A_60 = tpu.memref_slice %arg4[%add3A_45, %dma_wait3A_59] : memref<1000000x64xf32, #tpu.memory_space<hbm>> -> memref<96x64xf32, #tpu.memory_space<hbm>>
        %dma_wait3A_61 = arith.constant 0 : i32
        %dma_wait3A_62 = arith.constant 0 : i32
        %dma_wait3A_63 = tpu.memref_slice %arg10[%dma_wait3A_61, %dma_wait3A_62] : memref<512x64xf32, #tpu.memory_space<vmem>> -> memref<96x64xf32, #tpu.memory_space<vmem>>
        %dma_wait3A_64 = arith.constant 0 : i32
        %dma_wait3A_65 = tpu.memref_slice %arg4[%add3A_45, %dma_wait3A_64] : memref<1000000x64xf32, #tpu.memory_space<hbm>> -> memref<96x64xf32, #tpu.memory_space<hbm>>
        tpu.wait_dma2 semaphore(%run_scoped3A : memref<!tpu.dma_semaphore, #tpu.memory_space<semaphore_mem>>) src(%dma_wait3A_65 : memref<96x64xf32, #tpu.memory_space<hbm>>) dst(%dma_wait3A_63 : memref<96x64xf32, #tpu.memory_space<vmem>>)
        tpu.yield
      }) : () -> ()
      %add3A_46 = arith.constant 0 : i32
      %add3A_47 = arith.addi %add3A_43, %add3A_46 : i32
      "tpu.region"() ({
        %run_scoped3A = tpu.sem_alloc : memref<!tpu.dma_semaphore, #tpu.memory_space<semaphore_mem>>
        %dma_start3A = arith.constant 0 : i32
        %dma_start3A_48 = arith.constant 0 : i32
        %dma_start3A_49 = tpu.memref_slice %arg10[%dma_start3A, %dma_start3A_48] : memref<512x64xf32, #tpu.memory_space<vmem>> -> memref<96x64xf32, #tpu.memory_space<vmem>>
        %dma_start3A_50 = arith.constant 0 : i32
        %dma_start3A_51 = tpu.memref_slice %arg5[%add3A_47, %dma_start3A_50] : memref<1000000x64xf32, #tpu.memory_space<hbm>> -> memref<96x64xf32, #tpu.memory_space<hbm>>
        %dma_start3A_52 = arith.constant 0 : i32
        %dma_start3A_53 = tpu.memref_slice %arg5[%add3A_47, %dma_start3A_52] : memref<1000000x64xf32, #tpu.memory_space<hbm>> -> memref<96x64xf32, #tpu.memory_space<hbm>>
        %dma_start3A_54 = arith.constant 0 : i32
        %dma_start3A_55 = arith.constant 0 : i32
        %dma_start3A_56 = tpu.memref_slice %arg10[%dma_start3A_54, %dma_start3A_55] : memref<512x64xf32, #tpu.memory_space<vmem>> -> memref<96x64xf32, #tpu.memory_space<vmem>>
        tpu.enqueue_dma source(%dma_start3A_56 : memref<96x64xf32, #tpu.memory_space<vmem>>) target(%dma_start3A_53 : memref<96x64xf32, #tpu.memory_space<hbm>>) target_semaphore(%run_scoped3A : memref<!tpu.dma_semaphore, #tpu.memory_space<semaphore_mem>>)
        %dma_wait3A = arith.constant 0 : i32
        %dma_wait3A_57 = arith.constant 0 : i32
        %dma_wait3A_58 = tpu.memref_slice %arg10[%dma_wait3A, %dma_wait3A_57] : memref<512x64xf32, #tpu.memory_space<vmem>> -> memref<96x64xf32, #tpu.memory_space<vmem>>
        %dma_wait3A_59 = arith.constant 0 : i32
        %dma_wait3A_60 = tpu.memref_slice %arg5[%add3A_47, %dma_wait3A_59] : memref<1000000x64xf32, #tpu.memory_space<hbm>> -> memref<96x64xf32, #tpu.memory_space<hbm>>
        %dma_wait3A_61 = arith.constant 0 : i32
        %dma_wait3A_62 = tpu.memref_slice %arg5[%add3A_47, %dma_wait3A_61] : memref<1000000x64xf32, #tpu.memory_space<hbm>> -> memref<96x64xf32, #tpu.memory_space<hbm>>
        %dma_wait3A_63 = arith.constant 0 : i32
        %dma_wait3A_64 = arith.constant 0 : i32
        %dma_wait3A_65 = tpu.memref_slice %arg10[%dma_wait3A_63, %dma_wait3A_64] : memref<512x64xf32, #tpu.memory_space<vmem>> -> memref<96x64xf32, #tpu.memory_space<vmem>>
        tpu.wait_dma2 semaphore(%run_scoped3A : memref<!tpu.dma_semaphore, #tpu.memory_space<semaphore_mem>>) src(%dma_wait3A_65 : memref<96x64xf32, #tpu.memory_space<vmem>>) dst(%dma_wait3A_62 : memref<96x64xf32, #tpu.memory_space<hbm>>)
        tpu.yield
      }) : () -> ()
    } else {
    }
    %gt3A = arith.constant 0 : i32
    %gt3A_38 = arith.cmpi sgt, %min3A_25, %gt3A : i32
    %convert_element_type3A_39 = arith.extui %gt3A_38 : i1 to i32
    %cond3A_40 = arith.constant 0 : i32
    %cond3A_41 = arith.cmpi ne, %convert_element_type3A_39, %cond3A_40 : i32
    scf.if %cond3A_41 {
      %get3A = arith.constant 0 : index
      %get3A_42 = tpu.vector_load %arg8[%get3A] {strides = array<i32>} : memref<8464xi32, #tpu.memory_space<vmem>>, vector<16xi32>,
      %get3A_43 = arith.constant 0 : index
      %get3A_44 = tpu.vector_load %arg9[%get3A_43] {strides = array<i32>} : memref<8464xi32, #tpu.memory_space<vmem>>, vector<16xi32>,
      %iota3A_45 = tpu.iota {dimensions = array<i32: 0>} : vector<16xi32>
      %min3A_46 = arith.constant 16 : i32
      %min3A_47 = arith.minsi %min3A_25, %min3A_46 : i32
      %lt3A = vector.broadcast %min3A_47 : i32 to vector<16xi32>
      %lt3A_48 = arith.cmpi slt, %iota3A_45, %lt3A : vector<16xi32>
      %sub3A = vector.broadcast %mul3A_2 : i32 to vector<16xi32>
      %sub3A_49 = arith.subi %get3A_42, %sub3A : vector<16xi32>
      %mul3A_50 = arith.constant 16384 : i32
      %mul3A_51 = vector.broadcast %mul3A_50 : i32 to vector<16xi32>
      %mul3A_52 = arith.muli %sub3A_49, %mul3A_51 : vector<16xi32>
      %add3A_53 = arith.addi %mul3A_52, %get3A_44 : vector<16xi32>
      %jit3A = arith.constant -1 : i32
      %broadcast_in_dim3A_54 = vector.broadcast %jit3A : i32 to vector<16xi32>
      %select_n3A = arith.select %lt3A_48, %add3A_53, %broadcast_in_dim3A_54 : vector<16xi1>, vector<16xi32>
      %reduce_max3A = arith.constant true
      %reduce_max3A_55 = vector.broadcast %reduce_max3A : i1 to vector<16xi1>
      %reduce_max3A_56 = arith.constant -2147483648 : i32
      %reduce_max3A_57 = vector.broadcast %reduce_max3A_56 : i32 to vector<16xi32>
      %reduce_max3A_58 = arith.xori %select_n3A, %reduce_max3A_57 : vector<16xi32>
      %reduce_max3A_59 = tpu.scan <max>, %reduce_max3A_58 masked %reduce_max3A_55 : vector<16xi32>, vector<16xi1> -> vector<16xi32>
      %reduce_max3A_60 = arith.xori %reduce_max3A_59, %reduce_max3A_57 : vector<16xi32>
      %reduce_max3A_61 = vector.extract %reduce_max3A_60[15] : i32 from vector<16xi32>
      %jit3A_62 = arith.constant 16384 : i32
      %div3A = arith.divsi %reduce_max3A_61, %jit3A_62 : i32
      %sign3A = arith.constant 0 : i32
      %sign3A_63 = arith.cmpi sgt, %reduce_max3A_61, %sign3A : i32
      %sign3A_64 = arith.extui %sign3A_63 : i1 to i32
      %sign3A_65 = arith.constant 0 : i32
      %sign3A_66 = arith.cmpi slt, %reduce_max3A_61, %sign3A_65 : i32
      %sign3A_67 = arith.extui %sign3A_66 : i1 to i32
      %sign3A_68 = arith.subi %sign3A_64, %sign3A_67 : i32
      %sign3A_69 = arith.constant 0 : i32
      %sign3A_70 = arith.cmpi sgt, %jit3A_62, %sign3A_69 : i32
      %sign3A_71 = arith.extui %sign3A_70 : i1 to i32
      %sign3A_72 = arith.constant 0 : i32
      %sign3A_73 = arith.cmpi slt, %jit3A_62, %sign3A_72 : i32
      %sign3A_74 = arith.extui %sign3A_73 : i1 to i32
      %sign3A_75 = arith.subi %sign3A_71, %sign3A_74 : i32
      %ne3A = arith.cmpi ne, %sign3A_68, %sign3A_75 : i32
      %rem3A = arith.remsi %reduce_max3A_61, %jit3A_62 : i32
      %ne3A_76 = arith.constant 0 : i32
      %ne3A_77 = arith.cmpi ne, %rem3A, %ne3A_76 : i32
      %and3A = arith.andi %ne3A, %ne3A_77 : i1
      %sub3A_78 = arith.constant 1 : i32
      %sub3A_79 = arith.subi %div3A, %sub3A_78 : i32
      %select_n3A_80 = arith.select %and3A, %sub3A_79, %div3A : i32
      %add3A_81 = arith.addi %mul3A_2, %select_n3A_80 : i32
      %broadcast_in_dim3A_82 = vector.broadcast %add3A_81 : i32 to vector<16xi32>
      %jit3A_83 = arith.constant 16384 : i32
      %eq3A_84 = arith.constant 0 : i32
      %eq3A_85 = arith.cmpi eq, %jit3A_83, %eq3A_84 : i32
      %jit3A_86 = arith.constant 1 : i32
      %select_n3A_87 = arith.select %eq3A_85, %jit3A_86, %jit3A_83 : i32
      %rem3A_88 = arith.remsi %reduce_max3A_61, %select_n3A_87 : i32
      %ne3A_89 = arith.constant 0 : i32
      %ne3A_90 = arith.cmpi ne, %rem3A_88, %ne3A_89 : i32
      %lt3A_91 = arith.constant 0 : i32
      %lt3A_92 = arith.cmpi slt, %rem3A_88, %lt3A_91 : i32
      %lt3A_93 = arith.constant 0 : i32
      %lt3A_94 = arith.cmpi slt, %select_n3A_87, %lt3A_93 : i32
      %ne3A_95 = arith.xori %lt3A_92, %lt3A_94 : i1
      %and3A_96 = arith.andi %ne3A_95, %ne3A_90 : i1
      %add3A_97 = arith.addi %rem3A_88, %select_n3A_87 : i32
      %select_n3A_98 = arith.select %and3A_96, %add3A_97, %rem3A_88 : i32
      %broadcast_in_dim3A_99 = vector.broadcast %select_n3A_98 : i32 to vector<16xi32>
      %add3A_100 = arith.constant 0 : i32
      %add3A_101 = arith.addi %min3A_25, %add3A_100 : i32
      %swap3A = arith.index_cast %add3A_101 : i32 to index
      %swap3A_102 = tpu.vector_load %arg8[%swap3A] {strides = array<i32>} : memref<8464xi32, #tpu.memory_space<vmem>>, vector<16xi32>,
      tpu.vector_store %arg8[%swap3A], %broadcast_in_dim3A_82 {strides = array<i32>} : memref<8464xi32, #tpu.memory_space<vmem>>, vector<16xi32>,
      %add3A_103 = arith.constant 0 : i32
      %add3A_104 = arith.addi %min3A_25, %add3A_103 : i32
      %swap3A_105 = arith.index_cast %add3A_104 : i32 to index
      %swap3A_106 = tpu.vector_load %arg9[%swap3A_105] {strides = array<i32>} : memref<8464xi32, #tpu.memory_space<vmem>>, vector<16xi32>,
      tpu.vector_store %arg9[%swap3A_105], %broadcast_in_dim3A_99 {strides = array<i32>} : memref<8464xi32, #tpu.memory_space<vmem>>, vector<16xi32>,
      %add3A_107 = arith.constant 16 : i32
      %add3A_108 = arith.addi %min3A_25, %add3A_107 : i32
      %swap3A_109 = arith.index_cast %add3A_108 : i32 to index
      %swap3A_110 = tpu.vector_load %arg8[%swap3A_109] {strides = array<i32>} : memref<8464xi32, #tpu.memory_space<vmem>>, vector<16xi32>,
      tpu.vector_store %arg8[%swap3A_109], %broadcast_in_dim3A_82 {strides = array<i32>} : memref<8464xi32, #tpu.memory_space<vmem>>, vector<16xi32>,
      %add3A_111 = arith.constant 16 : i32
      %add3A_112 = arith.addi %min3A_25, %add3A_111 : i32
      %swap3A_113 = arith.index_cast %add3A_112 : i32 to index
      %swap3A_114 = tpu.vector_load %arg9[%swap3A_113] {strides = array<i32>} : memref<8464xi32, #tpu.memory_space<vmem>>, vector<16xi32>,
      tpu.vector_store %arg9[%swap3A_113], %broadcast_in_dim3A_99 {strides = array<i32>} : memref<8464xi32, #tpu.memory_space<vmem>>, vector<16xi32>,
      %add3A_115 = arith.constant 32 : i32
      %add3A_116 = arith.addi %min3A_25, %add3A_115 : i32
      %swap3A_117 = arith.index_cast %add3A_116 : i32 to index
      %swap3A_118 = tpu.vector_load %arg8[%swap3A_117] {strides = array<i32>} : memref<8464xi32, #tpu.memory_space<vmem>>, vector<16xi32>,
      tpu.vector_store %arg8[%swap3A_117], %broadcast_in_dim3A_82 {strides = array<i32>} : memref<8464xi32, #tpu.memory_space<vmem>>, vector<16xi32>,
      %add3A_119 = arith.constant 32 : i32
      %add3A_120 = arith.addi %min3A_25, %add3A_119 : i32
      %swap3A_121 = arith.index_cast %add3A_120 : i32 to index
      %swap3A_122 = tpu.vector_load %arg9[%swap3A_121] {strides = array<i32>} : memref<8464xi32, #tpu.memory_space<vmem>>, vector<16xi32>,
      tpu.vector_store %arg9[%swap3A_121], %broadcast_in_dim3A_99 {strides = array<i32>} : memref<8464xi32, #tpu.memory_space<vmem>>, vector<16xi32>,
      %add3A_123 = arith.constant 48 : i32
      %add3A_124 = arith.addi %min3A_25, %add3A_123 : i32
      %swap3A_125 = arith.index_cast %add3A_124 : i32 to index
      %swap3A_126 = tpu.vector_load %arg8[%swap3A_125] {strides = array<i32>} : memref<8464xi32, #tpu.memory_space<vmem>>, vector<16xi32>,
      tpu.vector_store %arg8[%swap3A_125], %broadcast_in_dim3A_82 {strides = array<i32>} : memref<8464xi32, #tpu.memory_space<vmem>>, vector<16xi32>,
      %add3A_127 = arith.constant 48 : i32
      %add3A_128 = arith.addi %min3A_25, %add3A_127 : i32
      %swap3A_129 = arith.index_cast %add3A_128 : i32 to index
      %swap3A_130 = tpu.vector_load %arg9[%swap3A_129] {strides = array<i32>} : memref<8464xi32, #tpu.memory_space<vmem>>, vector<16xi32>,
      tpu.vector_store %arg9[%swap3A_129], %broadcast_in_dim3A_99 {strides = array<i32>} : memref<8464xi32, #tpu.memory_space<vmem>>, vector<16xi32>,
      %add3A_131 = arith.constant 64 : i32
      %add3A_132 = arith.addi %min3A_25, %add3A_131 : i32
      %swap3A_133 = arith.index_cast %add3A_132 : i32 to index
      %swap3A_134 = tpu.vector_load %arg8[%swap3A_133] {strides = array<i32>} : memref<8464xi32, #tpu.memory_space<vmem>>, vector<16xi32>,
      tpu.vector_store %arg8[%swap3A_133], %broadcast_in_dim3A_82 {strides = array<i32>} : memref<8464xi32, #tpu.memory_space<vmem>>, vector<16xi32>,
      %add3A_135 = arith.constant 64 : i32
      %add3A_136 = arith.addi %min3A_25, %add3A_135 : i32
      %swap3A_137 = arith.index_cast %add3A_136 : i32 to index
      %swap3A_138 = tpu.vector_load %arg9[%swap3A_137] {strides = array<i32>} : memref<8464xi32, #tpu.memory_space<vmem>>, vector<16xi32>,
      tpu.vector_store %arg9[%swap3A_137], %broadcast_in_dim3A_99 {strides = array<i32>} : memref<8464xi32, #tpu.memory_space<vmem>>, vector<16xi32>,
      %add3A_139 = arith.constant 80 : i32
      %add3A_140 = arith.addi %min3A_25, %add3A_139 : i32
      %swap3A_141 = arith.index_cast %add3A_140 : i32 to index
      %swap3A_142 = tpu.vector_load %arg8[%swap3A_141] {strides = array<i32>} : memref<8464xi32, #tpu.memory_space<vmem>>, vector<16xi32>,
      tpu.vector_store %arg8[%swap3A_141], %broadcast_in_dim3A_82 {strides = array<i32>} : memref<8464xi32, #tpu.memory_space<vmem>>, vector<16xi32>,
      %add3A_143 = arith.constant 80 : i32
      %add3A_144 = arith.addi %min3A_25, %add3A_143 : i32
      %swap3A_145 = arith.index_cast %add3A_144 : i32 to index
      %swap3A_146 = tpu.vector_load %arg9[%swap3A_145] {strides = array<i32>} : memref<8464xi32, #tpu.memory_space<vmem>>, vector<16xi32>,
      tpu.vector_store %arg9[%swap3A_145], %broadcast_in_dim3A_99 {strides = array<i32>} : memref<8464xi32, #tpu.memory_space<vmem>>, vector<16xi32>,
      %add3A_147 = arith.constant 96 : i32
      %add3A_148 = arith.addi %min3A_25, %add3A_147 : i32
      %swap3A_149 = arith.index_cast %add3A_148 : i32 to index
      %swap3A_150 = tpu.vector_load %arg8[%swap3A_149] {strides = array<i32>} : memref<8464xi32, #tpu.memory_space<vmem>>, vector<16xi32>,
      tpu.vector_store %arg8[%swap3A_149], %broadcast_in_dim3A_82 {strides = array<i32>} : memref<8464xi32, #tpu.memory_space<vmem>>, vector<16xi32>,
      %add3A_151 = arith.constant 96 : i32
      %add3A_152 = arith.addi %min3A_25, %add3A_151 : i32
      %swap3A_153 = arith.index_cast %add3A_152 : i32 to index
      %swap3A_154 = tpu.vector_load %arg9[%swap3A_153] {strides = array<i32>} : memref<8464xi32, #tpu.memory_space<vmem>>, vector<16xi32>,
      tpu.vector_store %arg9[%swap3A_153], %broadcast_in_dim3A_99 {strides = array<i32>} : memref<8464xi32, #tpu.memory_space<vmem>>, vector<16xi32>,
      %add3A_155 = arith.constant 112 : i32
      %add3A_156 = arith.addi %min3A_25, %add3A_155 : i32
      %swap3A_157 = arith.index_cast %add3A_156 : i32 to index
      %swap3A_158 = tpu.vector_load %arg8[%swap3A_157] {strides = array<i32>} : memref<8464xi32, #tpu.memory_space<vmem>>, vector<16xi32>,
      tpu.vector_store %arg8[%swap3A_157], %broadcast_in_dim3A_82 {strides = array<i32>} : memref<8464xi32, #tpu.memory_space<vmem>>, vector<16xi32>,
      %add3A_159 = arith.constant 112 : i32
      %add3A_160 = arith.addi %min3A_25, %add3A_159 : i32
      %swap3A_161 = arith.index_cast %add3A_160 : i32 to index
      %swap3A_162 = tpu.vector_load %arg9[%swap3A_161] {strides = array<i32>} : memref<8464xi32, #tpu.memory_space<vmem>>, vector<16xi32>,
      tpu.vector_store %arg9[%swap3A_161], %broadcast_in_dim3A_99 {strides = array<i32>} : memref<8464xi32, #tpu.memory_space<vmem>>, vector<16xi32>,
      %add3A_163 = arith.constant 128 : i32
      %add3A_164 = arith.addi %min3A_25, %add3A_163 : i32
      %swap3A_165 = arith.index_cast %add3A_164 : i32 to index
      %swap3A_166 = tpu.vector_load %arg8[%swap3A_165] {strides = array<i32>} : memref<8464xi32, #tpu.memory_space<vmem>>, vector<16xi32>,
      tpu.vector_store %arg8[%swap3A_165], %broadcast_in_dim3A_82 {strides = array<i32>} : memref<8464xi32, #tpu.memory_space<vmem>>, vector<16xi32>,
      %add3A_167 = arith.constant 128 : i32
      %add3A_168 = arith.addi %min3A_25, %add3A_167 : i32
      %swap3A_169 = arith.index_cast %add3A_168 : i32 to index
      %swap3A_170 = tpu.vector_load %arg9[%swap3A_169] {strides = array<i32>} : memref<8464xi32, #tpu.memory_space<vmem>>, vector<16xi32>,
      tpu.vector_store %arg9[%swap3A_169], %broadcast_in_dim3A_99 {strides = array<i32>} : memref<8464xi32, #tpu.memory_space<vmem>>, vector<16xi32>,
      %add3A_171 = arith.constant 144 : i32
      %add3A_172 = arith.addi %min3A_25, %add3A_171 : i32
      %swap3A_173 = arith.index_cast %add3A_172 : i32 to index
      %swap3A_174 = tpu.vector_load %arg8[%swap3A_173] {strides = array<i32>} : memref<8464xi32, #tpu.memory_space<vmem>>, vector<16xi32>,
      tpu.vector_store %arg8[%swap3A_173], %broadcast_in_dim3A_82 {strides = array<i32>} : memref<8464xi32, #tpu.memory_space<vmem>>, vector<16xi32>,
      %add3A_175 = arith.constant 144 : i32
      %add3A_176 = arith.addi %min3A_25, %add3A_175 : i32
      %swap3A_177 = arith.index_cast %add3A_176 : i32 to index
      %swap3A_178 = tpu.vector_load %arg9[%swap3A_177] {strides = array<i32>} : memref<8464xi32, #tpu.memory_space<vmem>>, vector<16xi32>,
      tpu.vector_store %arg9[%swap3A_177], %broadcast_in_dim3A_99 {strides = array<i32>} : memref<8464xi32, #tpu.memory_space<vmem>>, vector<16xi32>,
      %add3A_179 = arith.constant 160 : i32
      %add3A_180 = arith.addi %min3A_25, %add3A_179 : i32
      %swap3A_181 = arith.index_cast %add3A_180 : i32 to index
      %swap3A_182 = tpu.vector_load %arg8[%swap3A_181] {strides = array<i32>} : memref<8464xi32, #tpu.memory_space<vmem>>, vector<16xi32>,
      tpu.vector_store %arg8[%swap3A_181], %broadcast_in_dim3A_82 {strides = array<i32>} : memref<8464xi32, #tpu.memory_space<vmem>>, vector<16xi32>,
      %add3A_183 = arith.constant 160 : i32
      %add3A_184 = arith.addi %min3A_25, %add3A_183 : i32
      %swap3A_185 = arith.index_cast %add3A_184 : i32 to index
      %swap3A_186 = tpu.vector_load %arg9[%swap3A_185] {strides = array<i32>} : memref<8464xi32, #tpu.memory_space<vmem>>, vector<16xi32>,
      tpu.vector_store %arg9[%swap3A_185], %broadcast_in_dim3A_99 {strides = array<i32>} : memref<8464xi32, #tpu.memory_space<vmem>>, vector<16xi32>,
      %add3A_187 = arith.constant 176 : i32
      %add3A_188 = arith.addi %min3A_25, %add3A_187 : i32
      %swap3A_189 = arith.index_cast %add3A_188 : i32 to index
      %swap3A_190 = tpu.vector_load %arg8[%swap3A_189] {strides = array<i32>} : memref<8464xi32, #tpu.memory_space<vmem>>, vector<16xi32>,
      tpu.vector_store %arg8[%swap3A_189], %broadcast_in_dim3A_82 {strides = array<i32>} : memref<8464xi32, #tpu.memory_space<vmem>>, vector<16xi32>,
      %add3A_191 = arith.constant 176 : i32
      %add3A_192 = arith.addi %min3A_25, %add3A_191 : i32
      %swap3A_193 = arith.index_cast %add3A_192 : i32 to index
      %swap3A_194 = tpu.vector_load %arg9[%swap3A_193] {strides = array<i32>} : memref<8464xi32, #tpu.memory_space<vmem>>, vector<16xi32>,
      tpu.vector_store %arg9[%swap3A_193], %broadcast_in_dim3A_99 {strides = array<i32>} : memref<8464xi32, #tpu.memory_space<vmem>>, vector<16xi32>,
      %add3A_195 = arith.constant 192 : i32
      %add3A_196 = arith.addi %min3A_25, %add3A_195 : i32
      %swap3A_197 = arith.index_cast %add3A_196 : i32 to index
      %swap3A_198 = tpu.vector_load %arg8[%swap3A_197] {strides = array<i32>} : memref<8464xi32, #tpu.memory_space<vmem>>, vector<16xi32>,
      tpu.vector_store %arg8[%swap3A_197], %broadcast_in_dim3A_82 {strides = array<i32>} : memref<8464xi32, #tpu.memory_space<vmem>>, vector<16xi32>,
      %add3A_199 = arith.constant 192 : i32
      %add3A_200 = arith.addi %min3A_25, %add3A_199 : i32
      %swap3A_201 = arith.index_cast %add3A_200 : i32 to index
      %swap3A_202 = tpu.vector_load %arg9[%swap3A_201] {strides = array<i32>} : memref<8464xi32, #tpu.memory_space<vmem>>, vector<16xi32>,
      tpu.vector_store %arg9[%swap3A_201], %broadcast_in_dim3A_99 {strides = array<i32>} : memref<8464xi32, #tpu.memory_space<vmem>>, vector<16xi32>,
      %add3A_203 = arith.constant 208 : i32
      %add3A_204 = arith.addi %min3A_25, %add3A_203 : i32
      %swap3A_205 = arith.index_cast %add3A_204 : i32 to index
      %swap3A_206 = tpu.vector_load %arg8[%swap3A_205] {strides = array<i32>} : memref<8464xi32, #tpu.memory_space<vmem>>, vector<16xi32>,
      tpu.vector_store %arg8[%swap3A_205], %broadcast_in_dim3A_82 {strides = array<i32>} : memref<8464xi32, #tpu.memory_space<vmem>>, vector<16xi32>,
      %add3A_207 = arith.constant 208 : i32
      %add3A_208 = arith.addi %min3A_25, %add3A_207 : i32
      %swap3A_209 = arith.index_cast %add3A_208 : i32 to index
      %swap3A_210 = tpu.vector_load %arg9[%swap3A_209] {strides = array<i32>} : memref<8464xi32, #tpu.memory_space<vmem>>, vector<16xi32>,
      tpu.vector_store %arg9[%swap3A_209], %broadcast_in_dim3A_99 {strides = array<i32>} : memref<8464xi32, #tpu.memory_space<vmem>>, vector<16xi32>,
      %add3A_211 = arith.constant 224 : i32
      %add3A_212 = arith.addi %min3A_25, %add3A_211 : i32
      %swap3A_213 = arith.index_cast %add3A_212 : i32 to index
      %swap3A_214 = tpu.vector_load %arg8[%swap3A_213] {strides = array<i32>} : memref<8464xi32, #tpu.memory_space<vmem>>, vector<16xi32>,
      tpu.vector_store %arg8[%swap3A_213], %broadcast_in_dim3A_82 {strides = array<i32>} : memref<8464xi32, #tpu.memory_space<vmem>>, vector<16xi32>,
      %add3A_215 = arith.constant 224 : i32
      %add3A_216 = arith.addi %min3A_25, %add3A_215 : i32
      %swap3A_217 = arith.index_cast %add3A_216 : i32 to index
      %swap3A_218 = tpu.vector_load %arg9[%swap3A_217] {strides = array<i32>} : memref<8464xi32, #tpu.memory_space<vmem>>, vector<16xi32>,
      tpu.vector_store %arg9[%swap3A_217], %broadcast_in_dim3A_99 {strides = array<i32>} : memref<8464xi32, #tpu.memory_space<vmem>>, vector<16xi32>,
      %add3A_219 = arith.constant 240 : i32
      %add3A_220 = arith.addi %min3A_25, %add3A_219 : i32
      %swap3A_221 = arith.index_cast %add3A_220 : i32 to index
      %swap3A_222 = tpu.vector_load %arg8[%swap3A_221] {strides = array<i32>} : memref<8464xi32, #tpu.memory_space<vmem>>, vector<16xi32>,
      tpu.vector_store %arg8[%swap3A_221], %broadcast_in_dim3A_82 {strides = array<i32>} : memref<8464xi32, #tpu.memory_space<vmem>>, vector<16xi32>,
      %add3A_223 = arith.constant 240 : i32
      %add3A_224 = arith.addi %min3A_25, %add3A_223 : i32
      %swap3A_225 = arith.index_cast %add3A_224 : i32 to index
      %swap3A_226 = tpu.vector_load %arg9[%swap3A_225] {strides = array<i32>} : memref<8464xi32, #tpu.memory_space<vmem>>, vector<16xi32>,
      tpu.vector_store %arg9[%swap3A_225], %broadcast_in_dim3A_99 {strides = array<i32>} : memref<8464xi32, #tpu.memory_space<vmem>>, vector<16xi32>,
      %add3A_227 = arith.constant 256 : i32
      %add3A_228 = arith.addi %min3A_25, %add3A_227 : i32
      %sub3A_229 = arith.constant 1 : i32
      %sub3A_230 = arith.subi %add3A_228, %sub3A_229 : i32
      %jit3A_231 = arith.constant 256 : i32
      %div3A_232 = arith.divsi %sub3A_230, %jit3A_231 : i32
      %sign3A_233 = arith.constant 0 : i32
      %sign3A_234 = arith.cmpi sgt, %sub3A_230, %sign3A_233 : i32
      %sign3A_235 = arith.extui %sign3A_234 : i1 to i32
      %sign3A_236 = arith.constant 0 : i32
      %sign3A_237 = arith.cmpi slt, %sub3A_230, %sign3A_236 : i32
      %sign3A_238 = arith.extui %sign3A_237 : i1 to i32
      %sign3A_239 = arith.subi %sign3A_235, %sign3A_238 : i32
      %sign3A_240 = arith.constant 0 : i32
      %sign3A_241 = arith.cmpi sgt, %jit3A_231, %sign3A_240 : i32
      %sign3A_242 = arith.extui %sign3A_241 : i1 to i32
      %sign3A_243 = arith.constant 0 : i32
      %sign3A_244 = arith.cmpi slt, %jit3A_231, %sign3A_243 : i32
      %sign3A_245 = arith.extui %sign3A_244 : i1 to i32
      %sign3A_246 = arith.subi %sign3A_242, %sign3A_245 : i32
      %ne3A_247 = arith.cmpi ne, %sign3A_239, %sign3A_246 : i32
      %rem3A_248 = arith.remsi %sub3A_230, %jit3A_231 : i32
      %ne3A_249 = arith.constant 0 : i32
      %ne3A_250 = arith.cmpi ne, %rem3A_248, %ne3A_249 : i32
      %and3A_251 = arith.andi %ne3A_247, %ne3A_250 : i1
      %sub3A_252 = arith.constant 1 : i32
      %sub3A_253 = arith.subi %div3A_232, %sub3A_252 : i32
      %select_n3A_254 = arith.select %and3A_251, %sub3A_253, %div3A_232 : i32
      %while3A = arith.constant 0 : i32
      %while3A_255 = arith.constant 0 : i32
      %while3A_256 = arith.subi %select_n3A_254, %while3A : i32
      %while3A_257 = arith.addi %while3A, %while3A_256 : i32
      %while3A_258 = arith.constant 1 : i32
      %while3A_259 = arith.divsi %while3A_256, %while3A_258 : i32
      %while3A_260 = arith.muli %while3A_259, %while3A_258 : i32
      %while3A_261 = arith.addi %while3A, %while3A_260 : i32
      %while3A_262 = arith.constant 1 : i32
      %while3A_263 = scf.for %while3A_266 = %while3A to %while3A_261 step %while3A_262 iter_args(%while3A_267 = %while3A_255) -> (i32)  : i32 {
        %mul3A_268 = arith.constant 256 : i32
        %mul3A_269 = arith.muli %while3A_266, %mul3A_268 : i32
        %add3A_270 = arith.constant 0 : i32
        %add3A_271 = arith.addi %mul3A_269, %add3A_270 : i32
        %get3A_272 = arith.index_cast %add3A_271 : i32 to index
        %get3A_273 = tpu.vector_load %arg9[%get3A_272] {strides = array<i32>} : memref<8464xi32, #tpu.memory_space<vmem>>, vector<16xi32>,
        %dma_start3A = arith.constant 0 : i32
        %dma_start3A_274 = arith.constant 0 : i32
        %dma_start3A_275 = tpu.memref_slice %arg10[%dma_start3A, %dma_start3A_274] : memref<512x64xf32, #tpu.memory_space<vmem>> -> memref<16x64xf32, #tpu.memory_space<vmem>>
        %dma_start3A_276 = arith.constant 0 : i32
        %dma_start3A_277 = arith.constant 0 : i32
        %dma_start3A_278 = tpu.memref_slice %arg3[%dma_start3A_276, %dma_start3A_277] : memref<16384x64xf32, #tpu.memory_space<hbm>> -> memref<16384x64xf32, #tpu.memory_space<hbm>>
        tpu.enqueue_indirect_dma source(%dma_start3A_278 : memref<16384x64xf32, #tpu.memory_space<hbm>>) target(%dma_start3A_275 : memref<16x64xf32, #tpu.memory_space<vmem>>) offsets(%get3A_273 : vector<16xi32>) semaphore(%arg14 : memref<!tpu.dma_semaphore, #tpu.memory_space<semaphore_mem>>)
        %add3A_279 = arith.constant 16 : i32
        %add3A_280 = arith.addi %mul3A_269, %add3A_279 : i32
        %get3A_281 = arith.index_cast %add3A_280 : i32 to index
        %get3A_282 = tpu.vector_load %arg9[%get3A_281] {strides = array<i32>} : memref<8464xi32, #tpu.memory_space<vmem>>, vector<16xi32>,
        %dma_start3A_283 = arith.constant 16 : i32
        %dma_start3A_284 = arith.constant 0 : i32
        %dma_start3A_285 = tpu.memref_slice %arg10[%dma_start3A_283, %dma_start3A_284] : memref<512x64xf32, #tpu.memory_space<vmem>> -> memref<16x64xf32, #tpu.memory_space<vmem>>
        %dma_start3A_286 = arith.constant 0 : i32
        %dma_start3A_287 = arith.constant 0 : i32
        %dma_start3A_288 = tpu.memref_slice %arg3[%dma_start3A_286, %dma_start3A_287] : memref<16384x64xf32, #tpu.memory_space<hbm>> -> memref<16384x64xf32, #tpu.memory_space<hbm>>
        tpu.enqueue_indirect_dma source(%dma_start3A_288 : memref<16384x64xf32, #tpu.memory_space<hbm>>) target(%dma_start3A_285 : memref<16x64xf32, #tpu.memory_space<vmem>>) offsets(%get3A_282 : vector<16xi32>) semaphore(%arg14 : memref<!tpu.dma_semaphore, #tpu.memory_space<semaphore_mem>>)
        %add3A_289 = arith.constant 32 : i32
        %add3A_290 = arith.addi %mul3A_269, %add3A_289 : i32
        %get3A_291 = arith.index_cast %add3A_290 : i32 to index
        %get3A_292 = tpu.vector_load %arg9[%get3A_291] {strides = array<i32>} : memref<8464xi32, #tpu.memory_space<vmem>>, vector<16xi32>,
        %dma_start3A_293 = arith.constant 32 : i32
        %dma_start3A_294 = arith.constant 0 : i32
        %dma_start3A_295 = tpu.memref_slice %arg10[%dma_start3A_293, %dma_start3A_294] : memref<512x64xf32, #tpu.memory_space<vmem>> -> memref<16x64xf32, #tpu.memory_space<vmem>>
        %dma_start3A_296 = arith.constant 0 : i32
        %dma_start3A_297 = arith.constant 0 : i32
        %dma_start3A_298 = tpu.memref_slice %arg3[%dma_start3A_296, %dma_start3A_297] : memref<16384x64xf32, #tpu.memory_space<hbm>> -> memref<16384x64xf32, #tpu.memory_space<hbm>>
        tpu.enqueue_indirect_dma source(%dma_start3A_298 : memref<16384x64xf32, #tpu.memory_space<hbm>>) target(%dma_start3A_295 : memref<16x64xf32, #tpu.memory_space<vmem>>) offsets(%get3A_292 : vector<16xi32>) semaphore(%arg14 : memref<!tpu.dma_semaphore, #tpu.memory_space<semaphore_mem>>)
        %add3A_299 = arith.constant 48 : i32
        %add3A_300 = arith.addi %mul3A_269, %add3A_299 : i32
        %get3A_301 = arith.index_cast %add3A_300 : i32 to index
        %get3A_302 = tpu.vector_load %arg9[%get3A_301] {strides = array<i32>} : memref<8464xi32, #tpu.memory_space<vmem>>, vector<16xi32>,
        %dma_start3A_303 = arith.constant 48 : i32
        %dma_start3A_304 = arith.constant 0 : i32
        %dma_start3A_305 = tpu.memref_slice %arg10[%dma_start3A_303, %dma_start3A_304] : memref<512x64xf32, #tpu.memory_space<vmem>> -> memref<16x64xf32, #tpu.memory_space<vmem>>
        %dma_start3A_306 = arith.constant 0 : i32
        %dma_start3A_307 = arith.constant 0 : i32
        %dma_start3A_308 = tpu.memref_slice %arg3[%dma_start3A_306, %dma_start3A_307] : memref<16384x64xf32, #tpu.memory_space<hbm>> -> memref<16384x64xf32, #tpu.memory_space<hbm>>
        tpu.enqueue_indirect_dma source(%dma_start3A_308 : memref<16384x64xf32, #tpu.memory_space<hbm>>) target(%dma_start3A_305 : memref<16x64xf32, #tpu.memory_space<vmem>>) offsets(%get3A_302 : vector<16xi32>) semaphore(%arg14 : memref<!tpu.dma_semaphore, #tpu.memory_space<semaphore_mem>>)
        %add3A_309 = arith.constant 64 : i32
        %add3A_310 = arith.addi %mul3A_269, %add3A_309 : i32
        %get3A_311 = arith.index_cast %add3A_310 : i32 to index
        %get3A_312 = tpu.vector_load %arg9[%get3A_311] {strides = array<i32>} : memref<8464xi32, #tpu.memory_space<vmem>>, vector<16xi32>,
        %dma_start3A_313 = arith.constant 64 : i32
        %dma_start3A_314 = arith.constant 0 : i32
        %dma_start3A_315 = tpu.memref_slice %arg10[%dma_start3A_313, %dma_start3A_314] : memref<512x64xf32, #tpu.memory_space<vmem>> -> memref<16x64xf32, #tpu.memory_space<vmem>>
        %dma_start3A_316 = arith.constant 0 : i32
        %dma_start3A_317 = arith.constant 0 : i32
        %dma_start3A_318 = tpu.memref_slice %arg3[%dma_start3A_316, %dma_start3A_317] : memref<16384x64xf32, #tpu.memory_space<hbm>> -> memref<16384x64xf32, #tpu.memory_space<hbm>>
        tpu.enqueue_indirect_dma source(%dma_start3A_318 : memref<16384x64xf32, #tpu.memory_space<hbm>>) target(%dma_start3A_315 : memref<16x64xf32, #tpu.memory_space<vmem>>) offsets(%get3A_312 : vector<16xi32>) semaphore(%arg14 : memref<!tpu.dma_semaphore, #tpu.memory_space<semaphore_mem>>)
        %add3A_319 = arith.constant 80 : i32
        %add3A_320 = arith.addi %mul3A_269, %add3A_319 : i32
        %get3A_321 = arith.index_cast %add3A_320 : i32 to index
        %get3A_322 = tpu.vector_load %arg9[%get3A_321] {strides = array<i32>} : memref<8464xi32, #tpu.memory_space<vmem>>, vector<16xi32>,
        %dma_start3A_323 = arith.constant 80 : i32
        %dma_start3A_324 = arith.constant 0 : i32
        %dma_start3A_325 = tpu.memref_slice %arg10[%dma_start3A_323, %dma_start3A_324] : memref<512x64xf32, #tpu.memory_space<vmem>> -> memref<16x64xf32, #tpu.memory_space<vmem>>
        %dma_start3A_326 = arith.constant 0 : i32
        %dma_start3A_327 = arith.constant 0 : i32
        %dma_start3A_328 = tpu.memref_slice %arg3[%dma_start3A_326, %dma_start3A_327] : memref<16384x64xf32, #tpu.memory_space<hbm>> -> memref<16384x64xf32, #tpu.memory_space<hbm>>
        tpu.enqueue_indirect_dma source(%dma_start3A_328 : memref<16384x64xf32, #tpu.memory_space<hbm>>) target(%dma_start3A_325 : memref<16x64xf32, #tpu.memory_space<vmem>>) offsets(%get3A_322 : vector<16xi32>) semaphore(%arg14 : memref<!tpu.dma_semaphore, #tpu.memory_space<semaphore_mem>>)
        %add3A_329 = arith.constant 96 : i32
        %add3A_330 = arith.addi %mul3A_269, %add3A_329 : i32
        %get3A_331 = arith.index_cast %add3A_330 : i32 to index
        %get3A_332 = tpu.vector_load %arg9[%get3A_331] {strides = array<i32>} : memref<8464xi32, #tpu.memory_space<vmem>>, vector<16xi32>,
        %dma_start3A_333 = arith.constant 96 : i32
        %dma_start3A_334 = arith.constant 0 : i32
        %dma_start3A_335 = tpu.memref_slice %arg10[%dma_start3A_333, %dma_start3A_334] : memref<512x64xf32, #tpu.memory_space<vmem>> -> memref<16x64xf32, #tpu.memory_space<vmem>>
        %dma_start3A_336 = arith.constant 0 : i32
        %dma_start3A_337 = arith.constant 0 : i32
        %dma_start3A_338 = tpu.memref_slice %arg3[%dma_start3A_336, %dma_start3A_337] : memref<16384x64xf32, #tpu.memory_space<hbm>> -> memref<16384x64xf32, #tpu.memory_space<hbm>>
        tpu.enqueue_indirect_dma source(%dma_start3A_338 : memref<16384x64xf32, #tpu.memory_space<hbm>>) target(%dma_start3A_335 : memref<16x64xf32, #tpu.memory_space<vmem>>) offsets(%get3A_332 : vector<16xi32>) semaphore(%arg14 : memref<!tpu.dma_semaphore, #tpu.memory_space<semaphore_mem>>)
        %add3A_339 = arith.constant 112 : i32
        %add3A_340 = arith.addi %mul3A_269, %add3A_339 : i32
        %get3A_341 = arith.index_cast %add3A_340 : i32 to index
        %get3A_342 = tpu.vector_load %arg9[%get3A_341] {strides = array<i32>} : memref<8464xi32, #tpu.memory_space<vmem>>, vector<16xi32>,
        %dma_start3A_343 = arith.constant 112 : i32
        %dma_start3A_344 = arith.constant 0 : i32
        %dma_start3A_345 = tpu.memref_slice %arg10[%dma_start3A_343, %dma_start3A_344] : memref<512x64xf32, #tpu.memory_space<vmem>> -> memref<16x64xf32, #tpu.memory_space<vmem>>
        %dma_start3A_346 = arith.constant 0 : i32
        %dma_start3A_347 = arith.constant 0 : i32
        %dma_start3A_348 = tpu.memref_slice %arg3[%dma_start3A_346, %dma_start3A_347] : memref<16384x64xf32, #tpu.memory_space<hbm>> -> memref<16384x64xf32, #tpu.memory_space<hbm>>
        tpu.enqueue_indirect_dma source(%dma_start3A_348 : memref<16384x64xf32, #tpu.memory_space<hbm>>) target(%dma_start3A_345 : memref<16x64xf32, #tpu.memory_space<vmem>>) offsets(%get3A_342 : vector<16xi32>) semaphore(%arg14 : memref<!tpu.dma_semaphore, #tpu.memory_space<semaphore_mem>>)
        %add3A_349 = arith.constant 128 : i32
        %add3A_350 = arith.addi %mul3A_269, %add3A_349 : i32
        %get3A_351 = arith.index_cast %add3A_350 : i32 to index
        %get3A_352 = tpu.vector_load %arg9[%get3A_351] {strides = array<i32>} : memref<8464xi32, #tpu.memory_space<vmem>>, vector<16xi32>,
        %dma_start3A_353 = arith.constant 128 : i32
        %dma_start3A_354 = arith.constant 0 : i32
        %dma_start3A_355 = tpu.memref_slice %arg10[%dma_start3A_353, %dma_start3A_354] : memref<512x64xf32, #tpu.memory_space<vmem>> -> memref<16x64xf32, #tpu.memory_space<vmem>>
        %dma_start3A_356 = arith.constant 0 : i32
        %dma_start3A_357 = arith.constant 0 : i32
        %dma_start3A_358 = tpu.memref_slice %arg3[%dma_start3A_356, %dma_start3A_357] : memref<16384x64xf32, #tpu.memory_space<hbm>> -> memref<16384x64xf32, #tpu.memory_space<hbm>>
        tpu.enqueue_indirect_dma source(%dma_start3A_358 : memref<16384x64xf32, #tpu.memory_space<hbm>>) target(%dma_start3A_355 : memref<16x64xf32, #tpu.memory_space<vmem>>) offsets(%get3A_352 : vector<16xi32>) semaphore(%arg14 : memref<!tpu.dma_semaphore, #tpu.memory_space<semaphore_mem>>)
        %add3A_359 = arith.constant 144 : i32
        %add3A_360 = arith.addi %mul3A_269, %add3A_359 : i32
        %get3A_361 = arith.index_cast %add3A_360 : i32 to index
        %get3A_362 = tpu.vector_load %arg9[%get3A_361] {strides = array<i32>} : memref<8464xi32, #tpu.memory_space<vmem>>, vector<16xi32>,
        %dma_start3A_363 = arith.constant 144 : i32
        %dma_start3A_364 = arith.constant 0 : i32
        %dma_start3A_365 = tpu.memref_slice %arg10[%dma_start3A_363, %dma_start3A_364] : memref<512x64xf32, #tpu.memory_space<vmem>> -> memref<16x64xf32, #tpu.memory_space<vmem>>
        %dma_start3A_366 = arith.constant 0 : i32
        %dma_start3A_367 = arith.constant 0 : i32
        %dma_start3A_368 = tpu.memref_slice %arg3[%dma_start3A_366, %dma_start3A_367] : memref<16384x64xf32, #tpu.memory_space<hbm>> -> memref<16384x64xf32, #tpu.memory_space<hbm>>
        tpu.enqueue_indirect_dma source(%dma_start3A_368 : memref<16384x64xf32, #tpu.memory_space<hbm>>) target(%dma_start3A_365 : memref<16x64xf32, #tpu.memory_space<vmem>>) offsets(%get3A_362 : vector<16xi32>) semaphore(%arg14 : memref<!tpu.dma_semaphore, #tpu.memory_space<semaphore_mem>>)
        %add3A_369 = arith.constant 160 : i32
        %add3A_370 = arith.addi %mul3A_269, %add3A_369 : i32
        %get3A_371 = arith.index_cast %add3A_370 : i32 to index
        %get3A_372 = tpu.vector_load %arg9[%get3A_371] {strides = array<i32>} : memref<8464xi32, #tpu.memory_space<vmem>>, vector<16xi32>,
        %dma_start3A_373 = arith.constant 160 : i32
        %dma_start3A_374 = arith.constant 0 : i32
        %dma_start3A_375 = tpu.memref_slice %arg10[%dma_start3A_373, %dma_start3A_374] : memref<512x64xf32, #tpu.memory_space<vmem>> -> memref<16x64xf32, #tpu.memory_space<vmem>>
        %dma_start3A_376 = arith.constant 0 : i32
        %dma_start3A_377 = arith.constant 0 : i32
        %dma_start3A_378 = tpu.memref_slice %arg3[%dma_start3A_376, %dma_start3A_377] : memref<16384x64xf32, #tpu.memory_space<hbm>> -> memref<16384x64xf32, #tpu.memory_space<hbm>>
        tpu.enqueue_indirect_dma source(%dma_start3A_378 : memref<16384x64xf32, #tpu.memory_space<hbm>>) target(%dma_start3A_375 : memref<16x64xf32, #tpu.memory_space<vmem>>) offsets(%get3A_372 : vector<16xi32>) semaphore(%arg14 : memref<!tpu.dma_semaphore, #tpu.memory_space<semaphore_mem>>)
        %add3A_379 = arith.constant 176 : i32
        %add3A_380 = arith.addi %mul3A_269, %add3A_379 : i32
        %get3A_381 = arith.index_cast %add3A_380 : i32 to index
        %get3A_382 = tpu.vector_load %arg9[%get3A_381] {strides = array<i32>} : memref<8464xi32, #tpu.memory_space<vmem>>, vector<16xi32>,
        %dma_start3A_383 = arith.constant 176 : i32
        %dma_start3A_384 = arith.constant 0 : i32
        %dma_start3A_385 = tpu.memref_slice %arg10[%dma_start3A_383, %dma_start3A_384] : memref<512x64xf32, #tpu.memory_space<vmem>> -> memref<16x64xf32, #tpu.memory_space<vmem>>
        %dma_start3A_386 = arith.constant 0 : i32
        %dma_start3A_387 = arith.constant 0 : i32
        %dma_start3A_388 = tpu.memref_slice %arg3[%dma_start3A_386, %dma_start3A_387] : memref<16384x64xf32, #tpu.memory_space<hbm>> -> memref<16384x64xf32, #tpu.memory_space<hbm>>
        tpu.enqueue_indirect_dma source(%dma_start3A_388 : memref<16384x64xf32, #tpu.memory_space<hbm>>) target(%dma_start3A_385 : memref<16x64xf32, #tpu.memory_space<vmem>>) offsets(%get3A_382 : vector<16xi32>) semaphore(%arg14 : memref<!tpu.dma_semaphore, #tpu.memory_space<semaphore_mem>>)
        %add3A_389 = arith.constant 192 : i32
        %add3A_390 = arith.addi %mul3A_269, %add3A_389 : i32
        %get3A_391 = arith.index_cast %add3A_390 : i32 to index
        %get3A_392 = tpu.vector_load %arg9[%get3A_391] {strides = array<i32>} : memref<8464xi32, #tpu.memory_space<vmem>>, vector<16xi32>,
        %dma_start3A_393 = arith.constant 192 : i32
        %dma_start3A_394 = arith.constant 0 : i32
        %dma_start3A_395 = tpu.memref_slice %arg10[%dma_start3A_393, %dma_start3A_394] : memref<512x64xf32, #tpu.memory_space<vmem>> -> memref<16x64xf32, #tpu.memory_space<vmem>>
        %dma_start3A_396 = arith.constant 0 : i32
        %dma_start3A_397 = arith.constant 0 : i32
        %dma_start3A_398 = tpu.memref_slice %arg3[%dma_start3A_396, %dma_start3A_397] : memref<16384x64xf32, #tpu.memory_space<hbm>> -> memref<16384x64xf32, #tpu.memory_space<hbm>>
        tpu.enqueue_indirect_dma source(%dma_start3A_398 : memref<16384x64xf32, #tpu.memory_space<hbm>>) target(%dma_start3A_395 : memref<16x64xf32, #tpu.memory_space<vmem>>) offsets(%get3A_392 : vector<16xi32>) semaphore(%arg14 : memref<!tpu.dma_semaphore, #tpu.memory_space<semaphore_mem>>)
        %add3A_399 = arith.constant 208 : i32
        %add3A_400 = arith.addi %mul3A_269, %add3A_399 : i32
        %get3A_401 = arith.index_cast %add3A_400 : i32 to index
        %get3A_402 = tpu.vector_load %arg9[%get3A_401] {strides = array<i32>} : memref<8464xi32, #tpu.memory_space<vmem>>, vector<16xi32>,
        %dma_start3A_403 = arith.constant 208 : i32
        %dma_start3A_404 = arith.constant 0 : i32
        %dma_start3A_405 = tpu.memref_slice %arg10[%dma_start3A_403, %dma_start3A_404] : memref<512x64xf32, #tpu.memory_space<vmem>> -> memref<16x64xf32, #tpu.memory_space<vmem>>
        %dma_start3A_406 = arith.constant 0 : i32
        %dma_start3A_407 = arith.constant 0 : i32
        %dma_start3A_408 = tpu.memref_slice %arg3[%dma_start3A_406, %dma_start3A_407] : memref<16384x64xf32, #tpu.memory_space<hbm>> -> memref<16384x64xf32, #tpu.memory_space<hbm>>
        tpu.enqueue_indirect_dma source(%dma_start3A_408 : memref<16384x64xf32, #tpu.memory_space<hbm>>) target(%dma_start3A_405 : memref<16x64xf32, #tpu.memory_space<vmem>>) offsets(%get3A_402 : vector<16xi32>) semaphore(%arg14 : memref<!tpu.dma_semaphore, #tpu.memory_space<semaphore_mem>>)
        %add3A_409 = arith.constant 224 : i32
        %add3A_410 = arith.addi %mul3A_269, %add3A_409 : i32
        %get3A_411 = arith.index_cast %add3A_410 : i32 to index
        %get3A_412 = tpu.vector_load %arg9[%get3A_411] {strides = array<i32>} : memref<8464xi32, #tpu.memory_space<vmem>>, vector<16xi32>,
        %dma_start3A_413 = arith.constant 224 : i32
        %dma_start3A_414 = arith.constant 0 : i32
        %dma_start3A_415 = tpu.memref_slice %arg10[%dma_start3A_413, %dma_start3A_414] : memref<512x64xf32, #tpu.memory_space<vmem>> -> memref<16x64xf32, #tpu.memory_space<vmem>>
        %dma_start3A_416 = arith.constant 0 : i32
        %dma_start3A_417 = arith.constant 0 : i32
        %dma_start3A_418 = tpu.memref_slice %arg3[%dma_start3A_416, %dma_start3A_417] : memref<16384x64xf32, #tpu.memory_space<hbm>> -> memref<16384x64xf32, #tpu.memory_space<hbm>>
        tpu.enqueue_indirect_dma source(%dma_start3A_418 : memref<16384x64xf32, #tpu.memory_space<hbm>>) target(%dma_start3A_415 : memref<16x64xf32, #tpu.memory_space<vmem>>) offsets(%get3A_412 : vector<16xi32>) semaphore(%arg14 : memref<!tpu.dma_semaphore, #tpu.memory_space<semaphore_mem>>)
        %add3A_419 = arith.constant 240 : i32
        %add3A_420 = arith.addi %mul3A_269, %add3A_419 : i32
        %get3A_421 = arith.index_cast %add3A_420 : i32 to index
        %get3A_422 = tpu.vector_load %arg9[%get3A_421] {strides = array<i32>} : memref<8464xi32, #tpu.memory_space<vmem>>, vector<16xi32>,
        %dma_start3A_423 = arith.constant 240 : i32
        %dma_start3A_424 = arith.constant 0 : i32
        %dma_start3A_425 = tpu.memref_slice %arg10[%dma_start3A_423, %dma_start3A_424] : memref<512x64xf32, #tpu.memory_space<vmem>> -> memref<16x64xf32, #tpu.memory_space<vmem>>
        %dma_start3A_426 = arith.constant 0 : i32
        %dma_start3A_427 = arith.constant 0 : i32
        %dma_start3A_428 = tpu.memref_slice %arg3[%dma_start3A_426, %dma_start3A_427] : memref<16384x64xf32, #tpu.memory_space<hbm>> -> memref<16384x64xf32, #tpu.memory_space<hbm>>
        tpu.enqueue_indirect_dma source(%dma_start3A_428 : memref<16384x64xf32, #tpu.memory_space<hbm>>) target(%dma_start3A_425 : memref<16x64xf32, #tpu.memory_space<vmem>>) offsets(%get3A_422 : vector<16xi32>) semaphore(%arg14 : memref<!tpu.dma_semaphore, #tpu.memory_space<semaphore_mem>>)
        %dma_wait3A = arith.constant 0 : i32
        %dma_wait3A_429 = arith.constant 0 : i32
        %dma_wait3A_430 = tpu.memref_slice %arg10[%dma_wait3A, %dma_wait3A_429] : memref<512x64xf32, #tpu.memory_space<vmem>> -> memref<16x64xf32, #tpu.memory_space<vmem>>
        %dma_wait3A_431 = arith.constant 0 : i32
        %dma_wait3A_432 = arith.constant 0 : i32
        %dma_wait3A_433 = tpu.memref_slice %arg3[%dma_wait3A_431, %dma_wait3A_432] : memref<16384x64xf32, #tpu.memory_space<hbm>> -> memref<16384x64xf32, #tpu.memory_space<hbm>>
        tpu.wait_indirect_dma semaphore(%arg14 : memref<!tpu.dma_semaphore, #tpu.memory_space<semaphore_mem>>) src(%dma_wait3A_433 : memref<16384x64xf32, #tpu.memory_space<hbm>>) dst(%dma_wait3A_430 : memref<16x64xf32, #tpu.memory_space<vmem>>)
        %dma_wait3A_434 = arith.constant 16 : i32
        %dma_wait3A_435 = arith.constant 0 : i32
        %dma_wait3A_436 = tpu.memref_slice %arg10[%dma_wait3A_434, %dma_wait3A_435] : memref<512x64xf32, #tpu.memory_space<vmem>> -> memref<16x64xf32, #tpu.memory_space<vmem>>
        %dma_wait3A_437 = arith.constant 0 : i32
        %dma_wait3A_438 = arith.constant 0 : i32
        %dma_wait3A_439 = tpu.memref_slice %arg3[%dma_wait3A_437, %dma_wait3A_438] : memref<16384x64xf32, #tpu.memory_space<hbm>> -> memref<16384x64xf32, #tpu.memory_space<hbm>>
        tpu.wait_indirect_dma semaphore(%arg14 : memref<!tpu.dma_semaphore, #tpu.memory_space<semaphore_mem>>) src(%dma_wait3A_439 : memref<16384x64xf32, #tpu.memory_space<hbm>>) dst(%dma_wait3A_436 : memref<16x64xf32, #tpu.memory_space<vmem>>)
        %dma_wait3A_440 = arith.constant 32 : i32
        %dma_wait3A_441 = arith.constant 0 : i32
        %dma_wait3A_442 = tpu.memref_slice %arg10[%dma_wait3A_440, %dma_wait3A_441] : memref<512x64xf32, #tpu.memory_space<vmem>> -> memref<16x64xf32, #tpu.memory_space<vmem>>
        %dma_wait3A_443 = arith.constant 0 : i32
        %dma_wait3A_444 = arith.constant 0 : i32
        %dma_wait3A_445 = tpu.memref_slice %arg3[%dma_wait3A_443, %dma_wait3A_444] : memref<16384x64xf32, #tpu.memory_space<hbm>> -> memref<16384x64xf32, #tpu.memory_space<hbm>>
        tpu.wait_indirect_dma semaphore(%arg14 : memref<!tpu.dma_semaphore, #tpu.memory_space<semaphore_mem>>) src(%dma_wait3A_445 : memref<16384x64xf32, #tpu.memory_space<hbm>>) dst(%dma_wait3A_442 : memref<16x64xf32, #tpu.memory_space<vmem>>)
        %dma_wait3A_446 = arith.constant 48 : i32
        %dma_wait3A_447 = arith.constant 0 : i32
        %dma_wait3A_448 = tpu.memref_slice %arg10[%dma_wait3A_446, %dma_wait3A_447] : memref<512x64xf32, #tpu.memory_space<vmem>> -> memref<16x64xf32, #tpu.memory_space<vmem>>
        %dma_wait3A_449 = arith.constant 0 : i32
        %dma_wait3A_450 = arith.constant 0 : i32
        %dma_wait3A_451 = tpu.memref_slice %arg3[%dma_wait3A_449, %dma_wait3A_450] : memref<16384x64xf32, #tpu.memory_space<hbm>> -> memref<16384x64xf32, #tpu.memory_space<hbm>>
        tpu.wait_indirect_dma semaphore(%arg14 : memref<!tpu.dma_semaphore, #tpu.memory_space<semaphore_mem>>) src(%dma_wait3A_451 : memref<16384x64xf32, #tpu.memory_space<hbm>>) dst(%dma_wait3A_448 : memref<16x64xf32, #tpu.memory_space<vmem>>)
        %dma_wait3A_452 = arith.constant 64 : i32
        %dma_wait3A_453 = arith.constant 0 : i32
        %dma_wait3A_454 = tpu.memref_slice %arg10[%dma_wait3A_452, %dma_wait3A_453] : memref<512x64xf32, #tpu.memory_space<vmem>> -> memref<16x64xf32, #tpu.memory_space<vmem>>
        %dma_wait3A_455 = arith.constant 0 : i32
        %dma_wait3A_456 = arith.constant 0 : i32
        %dma_wait3A_457 = tpu.memref_slice %arg3[%dma_wait3A_455, %dma_wait3A_456] : memref<16384x64xf32, #tpu.memory_space<hbm>> -> memref<16384x64xf32, #tpu.memory_space<hbm>>
        tpu.wait_indirect_dma semaphore(%arg14 : memref<!tpu.dma_semaphore, #tpu.memory_space<semaphore_mem>>) src(%dma_wait3A_457 : memref<16384x64xf32, #tpu.memory_space<hbm>>) dst(%dma_wait3A_454 : memref<16x64xf32, #tpu.memory_space<vmem>>)
        %dma_wait3A_458 = arith.constant 80 : i32
        %dma_wait3A_459 = arith.constant 0 : i32
        %dma_wait3A_460 = tpu.memref_slice %arg10[%dma_wait3A_458, %dma_wait3A_459] : memref<512x64xf32, #tpu.memory_space<vmem>> -> memref<16x64xf32, #tpu.memory_space<vmem>>
        %dma_wait3A_461 = arith.constant 0 : i32
        %dma_wait3A_462 = arith.constant 0 : i32
        %dma_wait3A_463 = tpu.memref_slice %arg3[%dma_wait3A_461, %dma_wait3A_462] : memref<16384x64xf32, #tpu.memory_space<hbm>> -> memref<16384x64xf32, #tpu.memory_space<hbm>>
        tpu.wait_indirect_dma semaphore(%arg14 : memref<!tpu.dma_semaphore, #tpu.memory_space<semaphore_mem>>) src(%dma_wait3A_463 : memref<16384x64xf32, #tpu.memory_space<hbm>>) dst(%dma_wait3A_460 : memref<16x64xf32, #tpu.memory_space<vmem>>)
        %dma_wait3A_464 = arith.constant 96 : i32
        %dma_wait3A_465 = arith.constant 0 : i32
        %dma_wait3A_466 = tpu.memref_slice %arg10[%dma_wait3A_464, %dma_wait3A_465] : memref<512x64xf32, #tpu.memory_space<vmem>> -> memref<16x64xf32, #tpu.memory_space<vmem>>
        %dma_wait3A_467 = arith.constant 0 : i32
        %dma_wait3A_468 = arith.constant 0 : i32
        %dma_wait3A_469 = tpu.memref_slice %arg3[%dma_wait3A_467, %dma_wait3A_468] : memref<16384x64xf32, #tpu.memory_space<hbm>> -> memref<16384x64xf32, #tpu.memory_space<hbm>>
        tpu.wait_indirect_dma semaphore(%arg14 : memref<!tpu.dma_semaphore, #tpu.memory_space<semaphore_mem>>) src(%dma_wait3A_469 : memref<16384x64xf32, #tpu.memory_space<hbm>>) dst(%dma_wait3A_466 : memref<16x64xf32, #tpu.memory_space<vmem>>)
        %dma_wait3A_470 = arith.constant 112 : i32
        %dma_wait3A_471 = arith.constant 0 : i32
        %dma_wait3A_472 = tpu.memref_slice %arg10[%dma_wait3A_470, %dma_wait3A_471] : memref<512x64xf32, #tpu.memory_space<vmem>> -> memref<16x64xf32, #tpu.memory_space<vmem>>
        %dma_wait3A_473 = arith.constant 0 : i32
        %dma_wait3A_474 = arith.constant 0 : i32
        %dma_wait3A_475 = tpu.memref_slice %arg3[%dma_wait3A_473, %dma_wait3A_474] : memref<16384x64xf32, #tpu.memory_space<hbm>> -> memref<16384x64xf32, #tpu.memory_space<hbm>>
        tpu.wait_indirect_dma semaphore(%arg14 : memref<!tpu.dma_semaphore, #tpu.memory_space<semaphore_mem>>) src(%dma_wait3A_475 : memref<16384x64xf32, #tpu.memory_space<hbm>>) dst(%dma_wait3A_472 : memref<16x64xf32, #tpu.memory_space<vmem>>)
        %dma_wait3A_476 = arith.constant 128 : i32
        %dma_wait3A_477 = arith.constant 0 : i32
        %dma_wait3A_478 = tpu.memref_slice %arg10[%dma_wait3A_476, %dma_wait3A_477] : memref<512x64xf32, #tpu.memory_space<vmem>> -> memref<16x64xf32, #tpu.memory_space<vmem>>
        %dma_wait3A_479 = arith.constant 0 : i32
        %dma_wait3A_480 = arith.constant 0 : i32
        %dma_wait3A_481 = tpu.memref_slice %arg3[%dma_wait3A_479, %dma_wait3A_480] : memref<16384x64xf32, #tpu.memory_space<hbm>> -> memref<16384x64xf32, #tpu.memory_space<hbm>>
        tpu.wait_indirect_dma semaphore(%arg14 : memref<!tpu.dma_semaphore, #tpu.memory_space<semaphore_mem>>) src(%dma_wait3A_481 : memref<16384x64xf32, #tpu.memory_space<hbm>>) dst(%dma_wait3A_478 : memref<16x64xf32, #tpu.memory_space<vmem>>)
        %dma_wait3A_482 = arith.constant 144 : i32
        %dma_wait3A_483 = arith.constant 0 : i32
        %dma_wait3A_484 = tpu.memref_slice %arg10[%dma_wait3A_482, %dma_wait3A_483] : memref<512x64xf32, #tpu.memory_space<vmem>> -> memref<16x64xf32, #tpu.memory_space<vmem>>
        %dma_wait3A_485 = arith.constant 0 : i32
        %dma_wait3A_486 = arith.constant 0 : i32
        %dma_wait3A_487 = tpu.memref_slice %arg3[%dma_wait3A_485, %dma_wait3A_486] : memref<16384x64xf32, #tpu.memory_space<hbm>> -> memref<16384x64xf32, #tpu.memory_space<hbm>>
        tpu.wait_indirect_dma semaphore(%arg14 : memref<!tpu.dma_semaphore, #tpu.memory_space<semaphore_mem>>) src(%dma_wait3A_487 : memref<16384x64xf32, #tpu.memory_space<hbm>>) dst(%dma_wait3A_484 : memref<16x64xf32, #tpu.memory_space<vmem>>)
        %dma_wait3A_488 = arith.constant 160 : i32
        %dma_wait3A_489 = arith.constant 0 : i32
        %dma_wait3A_490 = tpu.memref_slice %arg10[%dma_wait3A_488, %dma_wait3A_489] : memref<512x64xf32, #tpu.memory_space<vmem>> -> memref<16x64xf32, #tpu.memory_space<vmem>>
        %dma_wait3A_491 = arith.constant 0 : i32
        %dma_wait3A_492 = arith.constant 0 : i32
        %dma_wait3A_493 = tpu.memref_slice %arg3[%dma_wait3A_491, %dma_wait3A_492] : memref<16384x64xf32, #tpu.memory_space<hbm>> -> memref<16384x64xf32, #tpu.memory_space<hbm>>
        tpu.wait_indirect_dma semaphore(%arg14 : memref<!tpu.dma_semaphore, #tpu.memory_space<semaphore_mem>>) src(%dma_wait3A_493 : memref<16384x64xf32, #tpu.memory_space<hbm>>) dst(%dma_wait3A_490 : memref<16x64xf32, #tpu.memory_space<vmem>>)
        %dma_wait3A_494 = arith.constant 176 : i32
        %dma_wait3A_495 = arith.constant 0 : i32
        %dma_wait3A_496 = tpu.memref_slice %arg10[%dma_wait3A_494, %dma_wait3A_495] : memref<512x64xf32, #tpu.memory_space<vmem>> -> memref<16x64xf32, #tpu.memory_space<vmem>>
        %dma_wait3A_497 = arith.constant 0 : i32
        %dma_wait3A_498 = arith.constant 0 : i32
        %dma_wait3A_499 = tpu.memref_slice %arg3[%dma_wait3A_497, %dma_wait3A_498] : memref<16384x64xf32, #tpu.memory_space<hbm>> -> memref<16384x64xf32, #tpu.memory_space<hbm>>
        tpu.wait_indirect_dma semaphore(%arg14 : memref<!tpu.dma_semaphore, #tpu.memory_space<semaphore_mem>>) src(%dma_wait3A_499 : memref<16384x64xf32, #tpu.memory_space<hbm>>) dst(%dma_wait3A_496 : memref<16x64xf32, #tpu.memory_space<vmem>>)
        %dma_wait3A_500 = arith.constant 192 : i32
        %dma_wait3A_501 = arith.constant 0 : i32
        %dma_wait3A_502 = tpu.memref_slice %arg10[%dma_wait3A_500, %dma_wait3A_501] : memref<512x64xf32, #tpu.memory_space<vmem>> -> memref<16x64xf32, #tpu.memory_space<vmem>>
        %dma_wait3A_503 = arith.constant 0 : i32
        %dma_wait3A_504 = arith.constant 0 : i32
        %dma_wait3A_505 = tpu.memref_slice %arg3[%dma_wait3A_503, %dma_wait3A_504] : memref<16384x64xf32, #tpu.memory_space<hbm>> -> memref<16384x64xf32, #tpu.memory_space<hbm>>
        tpu.wait_indirect_dma semaphore(%arg14 : memref<!tpu.dma_semaphore, #tpu.memory_space<semaphore_mem>>) src(%dma_wait3A_505 : memref<16384x64xf32, #tpu.memory_space<hbm>>) dst(%dma_wait3A_502 : memref<16x64xf32, #tpu.memory_space<vmem>>)
        %dma_wait3A_506 = arith.constant 208 : i32
        %dma_wait3A_507 = arith.constant 0 : i32
        %dma_wait3A_508 = tpu.memref_slice %arg10[%dma_wait3A_506, %dma_wait3A_507] : memref<512x64xf32, #tpu.memory_space<vmem>> -> memref<16x64xf32, #tpu.memory_space<vmem>>
        %dma_wait3A_509 = arith.constant 0 : i32
        %dma_wait3A_510 = arith.constant 0 : i32
        %dma_wait3A_511 = tpu.memref_slice %arg3[%dma_wait3A_509, %dma_wait3A_510] : memref<16384x64xf32, #tpu.memory_space<hbm>> -> memref<16384x64xf32, #tpu.memory_space<hbm>>
        tpu.wait_indirect_dma semaphore(%arg14 : memref<!tpu.dma_semaphore, #tpu.memory_space<semaphore_mem>>) src(%dma_wait3A_511 : memref<16384x64xf32, #tpu.memory_space<hbm>>) dst(%dma_wait3A_508 : memref<16x64xf32, #tpu.memory_space<vmem>>)
        %dma_wait3A_512 = arith.constant 224 : i32
        %dma_wait3A_513 = arith.constant 0 : i32
        %dma_wait3A_514 = tpu.memref_slice %arg10[%dma_wait3A_512, %dma_wait3A_513] : memref<512x64xf32, #tpu.memory_space<vmem>> -> memref<16x64xf32, #tpu.memory_space<vmem>>
        %dma_wait3A_515 = arith.constant 0 : i32
        %dma_wait3A_516 = arith.constant 0 : i32
        %dma_wait3A_517 = tpu.memref_slice %arg3[%dma_wait3A_515, %dma_wait3A_516] : memref<16384x64xf32, #tpu.memory_space<hbm>> -> memref<16384x64xf32, #tpu.memory_space<hbm>>
        tpu.wait_indirect_dma semaphore(%arg14 : memref<!tpu.dma_semaphore, #tpu.memory_space<semaphore_mem>>) src(%dma_wait3A_517 : memref<16384x64xf32, #tpu.memory_space<hbm>>) dst(%dma_wait3A_514 : memref<16x64xf32, #tpu.memory_space<vmem>>)
        %dma_wait3A_518 = arith.constant 240 : i32
        %dma_wait3A_519 = arith.constant 0 : i32
        %dma_wait3A_520 = tpu.memref_slice %arg10[%dma_wait3A_518, %dma_wait3A_519] : memref<512x64xf32, #tpu.memory_space<vmem>> -> memref<16x64xf32, #tpu.memory_space<vmem>>
        %dma_wait3A_521 = arith.constant 0 : i32
        %dma_wait3A_522 = arith.constant 0 : i32
        %dma_wait3A_523 = tpu.memref_slice %arg3[%dma_wait3A_521, %dma_wait3A_522] : memref<16384x64xf32, #tpu.memory_space<hbm>> -> memref<16384x64xf32, #tpu.memory_space<hbm>>
        tpu.wait_indirect_dma semaphore(%arg14 : memref<!tpu.dma_semaphore, #tpu.memory_space<semaphore_mem>>) src(%dma_wait3A_523 : memref<16384x64xf32, #tpu.memory_space<hbm>>) dst(%dma_wait3A_520 : memref<16x64xf32, #tpu.memory_space<vmem>>)
        %add3A_524 = arith.constant 0 : i32
        %add3A_525 = arith.addi %mul3A_269, %add3A_524 : i32
        %get3A_526 = arith.index_cast %add3A_525 : i32 to index
        %get3A_527 = tpu.vector_load %arg8[%get3A_526] {strides = array<i32>} : memref<8464xi32, #tpu.memory_space<vmem>>, vector<16xi32>,
        %dma_start3A_528 = arith.constant 0 : i32
        %dma_start3A_529 = arith.constant 0 : i32
        %dma_start3A_530 = tpu.memref_slice %arg10[%dma_start3A_528, %dma_start3A_529] : memref<512x64xf32, #tpu.memory_space<vmem>> -> memref<16x64xf32, #tpu.memory_space<vmem>>
        %dma_start3A_531 = arith.constant 0 : i32
        %dma_start3A_532 = arith.constant 0 : i32
        %dma_start3A_533 = tpu.memref_slice %arg5[%dma_start3A_531, %dma_start3A_532] : memref<1000000x64xf32, #tpu.memory_space<hbm>> -> memref<1000000x64xf32, #tpu.memory_space<hbm>>
        tpu.enqueue_indirect_dma source(%dma_start3A_530 : memref<16x64xf32, #tpu.memory_space<vmem>>) target(%dma_start3A_533 : memref<1000000x64xf32, #tpu.memory_space<hbm>>) offsets(%get3A_527 : vector<16xi32>) semaphore(%arg15 : memref<!tpu.dma_semaphore, #tpu.memory_space<semaphore_mem>>)
        %add3A_534 = arith.constant 16 : i32
        %add3A_535 = arith.addi %mul3A_269, %add3A_534 : i32
        %get3A_536 = arith.index_cast %add3A_535 : i32 to index
        %get3A_537 = tpu.vector_load %arg8[%get3A_536] {strides = array<i32>} : memref<8464xi32, #tpu.memory_space<vmem>>, vector<16xi32>,
        %dma_start3A_538 = arith.constant 16 : i32
        %dma_start3A_539 = arith.constant 0 : i32
        %dma_start3A_540 = tpu.memref_slice %arg10[%dma_start3A_538, %dma_start3A_539] : memref<512x64xf32, #tpu.memory_space<vmem>> -> memref<16x64xf32, #tpu.memory_space<vmem>>
        %dma_start3A_541 = arith.constant 0 : i32
        %dma_start3A_542 = arith.constant 0 : i32
        %dma_start3A_543 = tpu.memref_slice %arg5[%dma_start3A_541, %dma_start3A_542] : memref<1000000x64xf32, #tpu.memory_space<hbm>> -> memref<1000000x64xf32, #tpu.memory_space<hbm>>
        tpu.enqueue_indirect_dma source(%dma_start3A_540 : memref<16x64xf32, #tpu.memory_space<vmem>>) target(%dma_start3A_543 : memref<1000000x64xf32, #tpu.memory_space<hbm>>) offsets(%get3A_537 : vector<16xi32>) semaphore(%arg15 : memref<!tpu.dma_semaphore, #tpu.memory_space<semaphore_mem>>)
        %add3A_544 = arith.constant 32 : i32
        %add3A_545 = arith.addi %mul3A_269, %add3A_544 : i32
        %get3A_546 = arith.index_cast %add3A_545 : i32 to index
        %get3A_547 = tpu.vector_load %arg8[%get3A_546] {strides = array<i32>} : memref<8464xi32, #tpu.memory_space<vmem>>, vector<16xi32>,
        %dma_start3A_548 = arith.constant 32 : i32
        %dma_start3A_549 = arith.constant 0 : i32
        %dma_start3A_550 = tpu.memref_slice %arg10[%dma_start3A_548, %dma_start3A_549] : memref<512x64xf32, #tpu.memory_space<vmem>> -> memref<16x64xf32, #tpu.memory_space<vmem>>
        %dma_start3A_551 = arith.constant 0 : i32
        %dma_start3A_552 = arith.constant 0 : i32
        %dma_start3A_553 = tpu.memref_slice %arg5[%dma_start3A_551, %dma_start3A_552] : memref<1000000x64xf32, #tpu.memory_space<hbm>> -> memref<1000000x64xf32, #tpu.memory_space<hbm>>
        tpu.enqueue_indirect_dma source(%dma_start3A_550 : memref<16x64xf32, #tpu.memory_space<vmem>>) target(%dma_start3A_553 : memref<1000000x64xf32, #tpu.memory_space<hbm>>) offsets(%get3A_547 : vector<16xi32>) semaphore(%arg15 : memref<!tpu.dma_semaphore, #tpu.memory_space<semaphore_mem>>)
        %add3A_554 = arith.constant 48 : i32
        %add3A_555 = arith.addi %mul3A_269, %add3A_554 : i32
        %get3A_556 = arith.index_cast %add3A_555 : i32 to index
        %get3A_557 = tpu.vector_load %arg8[%get3A_556] {strides = array<i32>} : memref<8464xi32, #tpu.memory_space<vmem>>, vector<16xi32>,
        %dma_start3A_558 = arith.constant 48 : i32
        %dma_start3A_559 = arith.constant 0 : i32
        %dma_start3A_560 = tpu.memref_slice %arg10[%dma_start3A_558, %dma_start3A_559] : memref<512x64xf32, #tpu.memory_space<vmem>> -> memref<16x64xf32, #tpu.memory_space<vmem>>
        %dma_start3A_561 = arith.constant 0 : i32
        %dma_start3A_562 = arith.constant 0 : i32
        %dma_start3A_563 = tpu.memref_slice %arg5[%dma_start3A_561, %dma_start3A_562] : memref<1000000x64xf32, #tpu.memory_space<hbm>> -> memref<1000000x64xf32, #tpu.memory_space<hbm>>
        tpu.enqueue_indirect_dma source(%dma_start3A_560 : memref<16x64xf32, #tpu.memory_space<vmem>>) target(%dma_start3A_563 : memref<1000000x64xf32, #tpu.memory_space<hbm>>) offsets(%get3A_557 : vector<16xi32>) semaphore(%arg15 : memref<!tpu.dma_semaphore, #tpu.memory_space<semaphore_mem>>)
        %add3A_564 = arith.constant 64 : i32
        %add3A_565 = arith.addi %mul3A_269, %add3A_564 : i32
        %get3A_566 = arith.index_cast %add3A_565 : i32 to index
        %get3A_567 = tpu.vector_load %arg8[%get3A_566] {strides = array<i32>} : memref<8464xi32, #tpu.memory_space<vmem>>, vector<16xi32>,
        %dma_start3A_568 = arith.constant 64 : i32
        %dma_start3A_569 = arith.constant 0 : i32
        %dma_start3A_570 = tpu.memref_slice %arg10[%dma_start3A_568, %dma_start3A_569] : memref<512x64xf32, #tpu.memory_space<vmem>> -> memref<16x64xf32, #tpu.memory_space<vmem>>
        %dma_start3A_571 = arith.constant 0 : i32
        %dma_start3A_572 = arith.constant 0 : i32
        %dma_start3A_573 = tpu.memref_slice %arg5[%dma_start3A_571, %dma_start3A_572] : memref<1000000x64xf32, #tpu.memory_space<hbm>> -> memref<1000000x64xf32, #tpu.memory_space<hbm>>
        tpu.enqueue_indirect_dma source(%dma_start3A_570 : memref<16x64xf32, #tpu.memory_space<vmem>>) target(%dma_start3A_573 : memref<1000000x64xf32, #tpu.memory_space<hbm>>) offsets(%get3A_567 : vector<16xi32>) semaphore(%arg15 : memref<!tpu.dma_semaphore, #tpu.memory_space<semaphore_mem>>)
        %add3A_574 = arith.constant 80 : i32
        %add3A_575 = arith.addi %mul3A_269, %add3A_574 : i32
        %get3A_576 = arith.index_cast %add3A_575 : i32 to index
        %get3A_577 = tpu.vector_load %arg8[%get3A_576] {strides = array<i32>} : memref<8464xi32, #tpu.memory_space<vmem>>, vector<16xi32>,
        %dma_start3A_578 = arith.constant 80 : i32
        %dma_start3A_579 = arith.constant 0 : i32
        %dma_start3A_580 = tpu.memref_slice %arg10[%dma_start3A_578, %dma_start3A_579] : memref<512x64xf32, #tpu.memory_space<vmem>> -> memref<16x64xf32, #tpu.memory_space<vmem>>
        %dma_start3A_581 = arith.constant 0 : i32
        %dma_start3A_582 = arith.constant 0 : i32
        %dma_start3A_583 = tpu.memref_slice %arg5[%dma_start3A_581, %dma_start3A_582] : memref<1000000x64xf32, #tpu.memory_space<hbm>> -> memref<1000000x64xf32, #tpu.memory_space<hbm>>
        tpu.enqueue_indirect_dma source(%dma_start3A_580 : memref<16x64xf32, #tpu.memory_space<vmem>>) target(%dma_start3A_583 : memref<1000000x64xf32, #tpu.memory_space<hbm>>) offsets(%get3A_577 : vector<16xi32>) semaphore(%arg15 : memref<!tpu.dma_semaphore, #tpu.memory_space<semaphore_mem>>)
        %add3A_584 = arith.constant 96 : i32
        %add3A_585 = arith.addi %mul3A_269, %add3A_584 : i32
        %get3A_586 = arith.index_cast %add3A_585 : i32 to index
        %get3A_587 = tpu.vector_load %arg8[%get3A_586] {strides = array<i32>} : memref<8464xi32, #tpu.memory_space<vmem>>, vector<16xi32>,
        %dma_start3A_588 = arith.constant 96 : i32
        %dma_start3A_589 = arith.constant 0 : i32
        %dma_start3A_590 = tpu.memref_slice %arg10[%dma_start3A_588, %dma_start3A_589] : memref<512x64xf32, #tpu.memory_space<vmem>> -> memref<16x64xf32, #tpu.memory_space<vmem>>
        %dma_start3A_591 = arith.constant 0 : i32
        %dma_start3A_592 = arith.constant 0 : i32
        %dma_start3A_593 = tpu.memref_slice %arg5[%dma_start3A_591, %dma_start3A_592] : memref<1000000x64xf32, #tpu.memory_space<hbm>> -> memref<1000000x64xf32, #tpu.memory_space<hbm>>
        tpu.enqueue_indirect_dma source(%dma_start3A_590 : memref<16x64xf32, #tpu.memory_space<vmem>>) target(%dma_start3A_593 : memref<1000000x64xf32, #tpu.memory_space<hbm>>) offsets(%get3A_587 : vector<16xi32>) semaphore(%arg15 : memref<!tpu.dma_semaphore, #tpu.memory_space<semaphore_mem>>)
        %add3A_594 = arith.constant 112 : i32
        %add3A_595 = arith.addi %mul3A_269, %add3A_594 : i32
        %get3A_596 = arith.index_cast %add3A_595 : i32 to index
        %get3A_597 = tpu.vector_load %arg8[%get3A_596] {strides = array<i32>} : memref<8464xi32, #tpu.memory_space<vmem>>, vector<16xi32>,
        %dma_start3A_598 = arith.constant 112 : i32
        %dma_start3A_599 = arith.constant 0 : i32
        %dma_start3A_600 = tpu.memref_slice %arg10[%dma_start3A_598, %dma_start3A_599] : memref<512x64xf32, #tpu.memory_space<vmem>> -> memref<16x64xf32, #tpu.memory_space<vmem>>
        %dma_start3A_601 = arith.constant 0 : i32
        %dma_start3A_602 = arith.constant 0 : i32
        %dma_start3A_603 = tpu.memref_slice %arg5[%dma_start3A_601, %dma_start3A_602] : memref<1000000x64xf32, #tpu.memory_space<hbm>> -> memref<1000000x64xf32, #tpu.memory_space<hbm>>
        tpu.enqueue_indirect_dma source(%dma_start3A_600 : memref<16x64xf32, #tpu.memory_space<vmem>>) target(%dma_start3A_603 : memref<1000000x64xf32, #tpu.memory_space<hbm>>) offsets(%get3A_597 : vector<16xi32>) semaphore(%arg15 : memref<!tpu.dma_semaphore, #tpu.memory_space<semaphore_mem>>)
        %add3A_604 = arith.constant 128 : i32
        %add3A_605 = arith.addi %mul3A_269, %add3A_604 : i32
        %get3A_606 = arith.index_cast %add3A_605 : i32 to index
        %get3A_607 = tpu.vector_load %arg8[%get3A_606] {strides = array<i32>} : memref<8464xi32, #tpu.memory_space<vmem>>, vector<16xi32>,
        %dma_start3A_608 = arith.constant 128 : i32
        %dma_start3A_609 = arith.constant 0 : i32
        %dma_start3A_610 = tpu.memref_slice %arg10[%dma_start3A_608, %dma_start3A_609] : memref<512x64xf32, #tpu.memory_space<vmem>> -> memref<16x64xf32, #tpu.memory_space<vmem>>
        %dma_start3A_611 = arith.constant 0 : i32
        %dma_start3A_612 = arith.constant 0 : i32
        %dma_start3A_613 = tpu.memref_slice %arg5[%dma_start3A_611, %dma_start3A_612] : memref<1000000x64xf32, #tpu.memory_space<hbm>> -> memref<1000000x64xf32, #tpu.memory_space<hbm>>
        tpu.enqueue_indirect_dma source(%dma_start3A_610 : memref<16x64xf32, #tpu.memory_space<vmem>>) target(%dma_start3A_613 : memref<1000000x64xf32, #tpu.memory_space<hbm>>) offsets(%get3A_607 : vector<16xi32>) semaphore(%arg15 : memref<!tpu.dma_semaphore, #tpu.memory_space<semaphore_mem>>)
        %add3A_614 = arith.constant 144 : i32
        %add3A_615 = arith.addi %mul3A_269, %add3A_614 : i32
        %get3A_616 = arith.index_cast %add3A_615 : i32 to index
        %get3A_617 = tpu.vector_load %arg8[%get3A_616] {strides = array<i32>} : memref<8464xi32, #tpu.memory_space<vmem>>, vector<16xi32>,
        %dma_start3A_618 = arith.constant 144 : i32
        %dma_start3A_619 = arith.constant 0 : i32
        %dma_start3A_620 = tpu.memref_slice %arg10[%dma_start3A_618, %dma_start3A_619] : memref<512x64xf32, #tpu.memory_space<vmem>> -> memref<16x64xf32, #tpu.memory_space<vmem>>
        %dma_start3A_621 = arith.constant 0 : i32
        %dma_start3A_622 = arith.constant 0 : i32
        %dma_start3A_623 = tpu.memref_slice %arg5[%dma_start3A_621, %dma_start3A_622] : memref<1000000x64xf32, #tpu.memory_space<hbm>> -> memref<1000000x64xf32, #tpu.memory_space<hbm>>
        tpu.enqueue_indirect_dma source(%dma_start3A_620 : memref<16x64xf32, #tpu.memory_space<vmem>>) target(%dma_start3A_623 : memref<1000000x64xf32, #tpu.memory_space<hbm>>) offsets(%get3A_617 : vector<16xi32>) semaphore(%arg15 : memref<!tpu.dma_semaphore, #tpu.memory_space<semaphore_mem>>)
        %add3A_624 = arith.constant 160 : i32
        %add3A_625 = arith.addi %mul3A_269, %add3A_624 : i32
        %get3A_626 = arith.index_cast %add3A_625 : i32 to index
        %get3A_627 = tpu.vector_load %arg8[%get3A_626] {strides = array<i32>} : memref<8464xi32, #tpu.memory_space<vmem>>, vector<16xi32>,
        %dma_start3A_628 = arith.constant 160 : i32
        %dma_start3A_629 = arith.constant 0 : i32
        %dma_start3A_630 = tpu.memref_slice %arg10[%dma_start3A_628, %dma_start3A_629] : memref<512x64xf32, #tpu.memory_space<vmem>> -> memref<16x64xf32, #tpu.memory_space<vmem>>
        %dma_start3A_631 = arith.constant 0 : i32
        %dma_start3A_632 = arith.constant 0 : i32
        %dma_start3A_633 = tpu.memref_slice %arg5[%dma_start3A_631, %dma_start3A_632] : memref<1000000x64xf32, #tpu.memory_space<hbm>> -> memref<1000000x64xf32, #tpu.memory_space<hbm>>
        tpu.enqueue_indirect_dma source(%dma_start3A_630 : memref<16x64xf32, #tpu.memory_space<vmem>>) target(%dma_start3A_633 : memref<1000000x64xf32, #tpu.memory_space<hbm>>) offsets(%get3A_627 : vector<16xi32>) semaphore(%arg15 : memref<!tpu.dma_semaphore, #tpu.memory_space<semaphore_mem>>)
        %add3A_634 = arith.constant 176 : i32
        %add3A_635 = arith.addi %mul3A_269, %add3A_634 : i32
        %get3A_636 = arith.index_cast %add3A_635 : i32 to index
        %get3A_637 = tpu.vector_load %arg8[%get3A_636] {strides = array<i32>} : memref<8464xi32, #tpu.memory_space<vmem>>, vector<16xi32>,
        %dma_start3A_638 = arith.constant 176 : i32
        %dma_start3A_639 = arith.constant 0 : i32
        %dma_start3A_640 = tpu.memref_slice %arg10[%dma_start3A_638, %dma_start3A_639] : memref<512x64xf32, #tpu.memory_space<vmem>> -> memref<16x64xf32, #tpu.memory_space<vmem>>
        %dma_start3A_641 = arith.constant 0 : i32
        %dma_start3A_642 = arith.constant 0 : i32
        %dma_start3A_643 = tpu.memref_slice %arg5[%dma_start3A_641, %dma_start3A_642] : memref<1000000x64xf32, #tpu.memory_space<hbm>> -> memref<1000000x64xf32, #tpu.memory_space<hbm>>
        tpu.enqueue_indirect_dma source(%dma_start3A_640 : memref<16x64xf32, #tpu.memory_space<vmem>>) target(%dma_start3A_643 : memref<1000000x64xf32, #tpu.memory_space<hbm>>) offsets(%get3A_637 : vector<16xi32>) semaphore(%arg15 : memref<!tpu.dma_semaphore, #tpu.memory_space<semaphore_mem>>)
        %add3A_644 = arith.constant 192 : i32
        %add3A_645 = arith.addi %mul3A_269, %add3A_644 : i32
        %get3A_646 = arith.index_cast %add3A_645 : i32 to index
        %get3A_647 = tpu.vector_load %arg8[%get3A_646] {strides = array<i32>} : memref<8464xi32, #tpu.memory_space<vmem>>, vector<16xi32>,
        %dma_start3A_648 = arith.constant 192 : i32
        %dma_start3A_649 = arith.constant 0 : i32
        %dma_start3A_650 = tpu.memref_slice %arg10[%dma_start3A_648, %dma_start3A_649] : memref<512x64xf32, #tpu.memory_space<vmem>> -> memref<16x64xf32, #tpu.memory_space<vmem>>
        %dma_start3A_651 = arith.constant 0 : i32
        %dma_start3A_652 = arith.constant 0 : i32
        %dma_start3A_653 = tpu.memref_slice %arg5[%dma_start3A_651, %dma_start3A_652] : memref<1000000x64xf32, #tpu.memory_space<hbm>> -> memref<1000000x64xf32, #tpu.memory_space<hbm>>
        tpu.enqueue_indirect_dma source(%dma_start3A_650 : memref<16x64xf32, #tpu.memory_space<vmem>>) target(%dma_start3A_653 : memref<1000000x64xf32, #tpu.memory_space<hbm>>) offsets(%get3A_647 : vector<16xi32>) semaphore(%arg15 : memref<!tpu.dma_semaphore, #tpu.memory_space<semaphore_mem>>)
        %add3A_654 = arith.constant 208 : i32
        %add3A_655 = arith.addi %mul3A_269, %add3A_654 : i32
        %get3A_656 = arith.index_cast %add3A_655 : i32 to index
        %get3A_657 = tpu.vector_load %arg8[%get3A_656] {strides = array<i32>} : memref<8464xi32, #tpu.memory_space<vmem>>, vector<16xi32>,
        %dma_start3A_658 = arith.constant 208 : i32
        %dma_start3A_659 = arith.constant 0 : i32
        %dma_start3A_660 = tpu.memref_slice %arg10[%dma_start3A_658, %dma_start3A_659] : memref<512x64xf32, #tpu.memory_space<vmem>> -> memref<16x64xf32, #tpu.memory_space<vmem>>
        %dma_start3A_661 = arith.constant 0 : i32
        %dma_start3A_662 = arith.constant 0 : i32
        %dma_start3A_663 = tpu.memref_slice %arg5[%dma_start3A_661, %dma_start3A_662] : memref<1000000x64xf32, #tpu.memory_space<hbm>> -> memref<1000000x64xf32, #tpu.memory_space<hbm>>
        tpu.enqueue_indirect_dma source(%dma_start3A_660 : memref<16x64xf32, #tpu.memory_space<vmem>>) target(%dma_start3A_663 : memref<1000000x64xf32, #tpu.memory_space<hbm>>) offsets(%get3A_657 : vector<16xi32>) semaphore(%arg15 : memref<!tpu.dma_semaphore, #tpu.memory_space<semaphore_mem>>)
        %add3A_664 = arith.constant 224 : i32
        %add3A_665 = arith.addi %mul3A_269, %add3A_664 : i32
        %get3A_666 = arith.index_cast %add3A_665 : i32 to index
        %get3A_667 = tpu.vector_load %arg8[%get3A_666] {strides = array<i32>} : memref<8464xi32, #tpu.memory_space<vmem>>, vector<16xi32>,
        %dma_start3A_668 = arith.constant 224 : i32
        %dma_start3A_669 = arith.constant 0 : i32
        %dma_start3A_670 = tpu.memref_slice %arg10[%dma_start3A_668, %dma_start3A_669] : memref<512x64xf32, #tpu.memory_space<vmem>> -> memref<16x64xf32, #tpu.memory_space<vmem>>
        %dma_start3A_671 = arith.constant 0 : i32
        %dma_start3A_672 = arith.constant 0 : i32
        %dma_start3A_673 = tpu.memref_slice %arg5[%dma_start3A_671, %dma_start3A_672] : memref<1000000x64xf32, #tpu.memory_space<hbm>> -> memref<1000000x64xf32, #tpu.memory_space<hbm>>
        tpu.enqueue_indirect_dma source(%dma_start3A_670 : memref<16x64xf32, #tpu.memory_space<vmem>>) target(%dma_start3A_673 : memref<1000000x64xf32, #tpu.memory_space<hbm>>) offsets(%get3A_667 : vector<16xi32>) semaphore(%arg15 : memref<!tpu.dma_semaphore, #tpu.memory_space<semaphore_mem>>)
        %add3A_674 = arith.constant 240 : i32
        %add3A_675 = arith.addi %mul3A_269, %add3A_674 : i32
        %get3A_676 = arith.index_cast %add3A_675 : i32 to index
        %get3A_677 = tpu.vector_load %arg8[%get3A_676] {strides = array<i32>} : memref<8464xi32, #tpu.memory_space<vmem>>, vector<16xi32>,
        %dma_start3A_678 = arith.constant 240 : i32
        %dma_start3A_679 = arith.constant 0 : i32
        %dma_start3A_680 = tpu.memref_slice %arg10[%dma_start3A_678, %dma_start3A_679] : memref<512x64xf32, #tpu.memory_space<vmem>> -> memref<16x64xf32, #tpu.memory_space<vmem>>
        %dma_start3A_681 = arith.constant 0 : i32
        %dma_start3A_682 = arith.constant 0 : i32
        %dma_start3A_683 = tpu.memref_slice %arg5[%dma_start3A_681, %dma_start3A_682] : memref<1000000x64xf32, #tpu.memory_space<hbm>> -> memref<1000000x64xf32, #tpu.memory_space<hbm>>
        tpu.enqueue_indirect_dma source(%dma_start3A_680 : memref<16x64xf32, #tpu.memory_space<vmem>>) target(%dma_start3A_683 : memref<1000000x64xf32, #tpu.memory_space<hbm>>) offsets(%get3A_677 : vector<16xi32>) semaphore(%arg15 : memref<!tpu.dma_semaphore, #tpu.memory_space<semaphore_mem>>)
        %dma_wait3A_684 = arith.constant 0 : i32
        %dma_wait3A_685 = arith.constant 0 : i32
        %dma_wait3A_686 = tpu.memref_slice %arg10[%dma_wait3A_684, %dma_wait3A_685] : memref<512x64xf32, #tpu.memory_space<vmem>> -> memref<16x64xf32, #tpu.memory_space<vmem>>
        %dma_wait3A_687 = arith.constant 0 : i32
        %dma_wait3A_688 = arith.constant 0 : i32
        %dma_wait3A_689 = tpu.memref_slice %arg5[%dma_wait3A_687, %dma_wait3A_688] : memref<1000000x64xf32, #tpu.memory_space<hbm>> -> memref<1000000x64xf32, #tpu.memory_space<hbm>>
        tpu.wait_indirect_dma semaphore(%arg15 : memref<!tpu.dma_semaphore, #tpu.memory_space<semaphore_mem>>) src(%dma_wait3A_686 : memref<16x64xf32, #tpu.memory_space<vmem>>) dst(%dma_wait3A_689 : memref<1000000x64xf32, #tpu.memory_space<hbm>>)
        %dma_wait3A_690 = arith.constant 16 : i32
        %dma_wait3A_691 = arith.constant 0 : i32
        %dma_wait3A_692 = tpu.memref_slice %arg10[%dma_wait3A_690, %dma_wait3A_691] : memref<512x64xf32, #tpu.memory_space<vmem>> -> memref<16x64xf32, #tpu.memory_space<vmem>>
        %dma_wait3A_693 = arith.constant 0 : i32
        %dma_wait3A_694 = arith.constant 0 : i32
        %dma_wait3A_695 = tpu.memref_slice %arg5[%dma_wait3A_693, %dma_wait3A_694] : memref<1000000x64xf32, #tpu.memory_space<hbm>> -> memref<1000000x64xf32, #tpu.memory_space<hbm>>
        tpu.wait_indirect_dma semaphore(%arg15 : memref<!tpu.dma_semaphore, #tpu.memory_space<semaphore_mem>>) src(%dma_wait3A_692 : memref<16x64xf32, #tpu.memory_space<vmem>>) dst(%dma_wait3A_695 : memref<1000000x64xf32, #tpu.memory_space<hbm>>)
        %dma_wait3A_696 = arith.constant 32 : i32
        %dma_wait3A_697 = arith.constant 0 : i32
        %dma_wait3A_698 = tpu.memref_slice %arg10[%dma_wait3A_696, %dma_wait3A_697] : memref<512x64xf32, #tpu.memory_space<vmem>> -> memref<16x64xf32, #tpu.memory_space<vmem>>
        %dma_wait3A_699 = arith.constant 0 : i32
        %dma_wait3A_700 = arith.constant 0 : i32
        %dma_wait3A_701 = tpu.memref_slice %arg5[%dma_wait3A_699, %dma_wait3A_700] : memref<1000000x64xf32, #tpu.memory_space<hbm>> -> memref<1000000x64xf32, #tpu.memory_space<hbm>>
        tpu.wait_indirect_dma semaphore(%arg15 : memref<!tpu.dma_semaphore, #tpu.memory_space<semaphore_mem>>) src(%dma_wait3A_698 : memref<16x64xf32, #tpu.memory_space<vmem>>) dst(%dma_wait3A_701 : memref<1000000x64xf32, #tpu.memory_space<hbm>>)
        %dma_wait3A_702 = arith.constant 48 : i32
        %dma_wait3A_703 = arith.constant 0 : i32
        %dma_wait3A_704 = tpu.memref_slice %arg10[%dma_wait3A_702, %dma_wait3A_703] : memref<512x64xf32, #tpu.memory_space<vmem>> -> memref<16x64xf32, #tpu.memory_space<vmem>>
        %dma_wait3A_705 = arith.constant 0 : i32
        %dma_wait3A_706 = arith.constant 0 : i32
        %dma_wait3A_707 = tpu.memref_slice %arg5[%dma_wait3A_705, %dma_wait3A_706] : memref<1000000x64xf32, #tpu.memory_space<hbm>> -> memref<1000000x64xf32, #tpu.memory_space<hbm>>
        tpu.wait_indirect_dma semaphore(%arg15 : memref<!tpu.dma_semaphore, #tpu.memory_space<semaphore_mem>>) src(%dma_wait3A_704 : memref<16x64xf32, #tpu.memory_space<vmem>>) dst(%dma_wait3A_707 : memref<1000000x64xf32, #tpu.memory_space<hbm>>)
        %dma_wait3A_708 = arith.constant 64 : i32
        %dma_wait3A_709 = arith.constant 0 : i32
        %dma_wait3A_710 = tpu.memref_slice %arg10[%dma_wait3A_708, %dma_wait3A_709] : memref<512x64xf32, #tpu.memory_space<vmem>> -> memref<16x64xf32, #tpu.memory_space<vmem>>
        %dma_wait3A_711 = arith.constant 0 : i32
        %dma_wait3A_712 = arith.constant 0 : i32
        %dma_wait3A_713 = tpu.memref_slice %arg5[%dma_wait3A_711, %dma_wait3A_712] : memref<1000000x64xf32, #tpu.memory_space<hbm>> -> memref<1000000x64xf32, #tpu.memory_space<hbm>>
        tpu.wait_indirect_dma semaphore(%arg15 : memref<!tpu.dma_semaphore, #tpu.memory_space<semaphore_mem>>) src(%dma_wait3A_710 : memref<16x64xf32, #tpu.memory_space<vmem>>) dst(%dma_wait3A_713 : memref<1000000x64xf32, #tpu.memory_space<hbm>>)
        %dma_wait3A_714 = arith.constant 80 : i32
        %dma_wait3A_715 = arith.constant 0 : i32
        %dma_wait3A_716 = tpu.memref_slice %arg10[%dma_wait3A_714, %dma_wait3A_715] : memref<512x64xf32, #tpu.memory_space<vmem>> -> memref<16x64xf32, #tpu.memory_space<vmem>>
        %dma_wait3A_717 = arith.constant 0 : i32
        %dma_wait3A_718 = arith.constant 0 : i32
        %dma_wait3A_719 = tpu.memref_slice %arg5[%dma_wait3A_717, %dma_wait3A_718] : memref<1000000x64xf32, #tpu.memory_space<hbm>> -> memref<1000000x64xf32, #tpu.memory_space<hbm>>
        tpu.wait_indirect_dma semaphore(%arg15 : memref<!tpu.dma_semaphore, #tpu.memory_space<semaphore_mem>>) src(%dma_wait3A_716 : memref<16x64xf32, #tpu.memory_space<vmem>>) dst(%dma_wait3A_719 : memref<1000000x64xf32, #tpu.memory_space<hbm>>)
        %dma_wait3A_720 = arith.constant 96 : i32
        %dma_wait3A_721 = arith.constant 0 : i32
        %dma_wait3A_722 = tpu.memref_slice %arg10[%dma_wait3A_720, %dma_wait3A_721] : memref<512x64xf32, #tpu.memory_space<vmem>> -> memref<16x64xf32, #tpu.memory_space<vmem>>
        %dma_wait3A_723 = arith.constant 0 : i32
        %dma_wait3A_724 = arith.constant 0 : i32
        %dma_wait3A_725 = tpu.memref_slice %arg5[%dma_wait3A_723, %dma_wait3A_724] : memref<1000000x64xf32, #tpu.memory_space<hbm>> -> memref<1000000x64xf32, #tpu.memory_space<hbm>>
        tpu.wait_indirect_dma semaphore(%arg15 : memref<!tpu.dma_semaphore, #tpu.memory_space<semaphore_mem>>) src(%dma_wait3A_722 : memref<16x64xf32, #tpu.memory_space<vmem>>) dst(%dma_wait3A_725 : memref<1000000x64xf32, #tpu.memory_space<hbm>>)
        %dma_wait3A_726 = arith.constant 112 : i32
        %dma_wait3A_727 = arith.constant 0 : i32
        %dma_wait3A_728 = tpu.memref_slice %arg10[%dma_wait3A_726, %dma_wait3A_727] : memref<512x64xf32, #tpu.memory_space<vmem>> -> memref<16x64xf32, #tpu.memory_space<vmem>>
        %dma_wait3A_729 = arith.constant 0 : i32
        %dma_wait3A_730 = arith.constant 0 : i32
        %dma_wait3A_731 = tpu.memref_slice %arg5[%dma_wait3A_729, %dma_wait3A_730] : memref<1000000x64xf32, #tpu.memory_space<hbm>> -> memref<1000000x64xf32, #tpu.memory_space<hbm>>
        tpu.wait_indirect_dma semaphore(%arg15 : memref<!tpu.dma_semaphore, #tpu.memory_space<semaphore_mem>>) src(%dma_wait3A_728 : memref<16x64xf32, #tpu.memory_space<vmem>>) dst(%dma_wait3A_731 : memref<1000000x64xf32, #tpu.memory_space<hbm>>)
        %dma_wait3A_732 = arith.constant 128 : i32
        %dma_wait3A_733 = arith.constant 0 : i32
        %dma_wait3A_734 = tpu.memref_slice %arg10[%dma_wait3A_732, %dma_wait3A_733] : memref<512x64xf32, #tpu.memory_space<vmem>> -> memref<16x64xf32, #tpu.memory_space<vmem>>
        %dma_wait3A_735 = arith.constant 0 : i32
        %dma_wait3A_736 = arith.constant 0 : i32
        %dma_wait3A_737 = tpu.memref_slice %arg5[%dma_wait3A_735, %dma_wait3A_736] : memref<1000000x64xf32, #tpu.memory_space<hbm>> -> memref<1000000x64xf32, #tpu.memory_space<hbm>>
        tpu.wait_indirect_dma semaphore(%arg15 : memref<!tpu.dma_semaphore, #tpu.memory_space<semaphore_mem>>) src(%dma_wait3A_734 : memref<16x64xf32, #tpu.memory_space<vmem>>) dst(%dma_wait3A_737 : memref<1000000x64xf32, #tpu.memory_space<hbm>>)
        %dma_wait3A_738 = arith.constant 144 : i32
        %dma_wait3A_739 = arith.constant 0 : i32
        %dma_wait3A_740 = tpu.memref_slice %arg10[%dma_wait3A_738, %dma_wait3A_739] : memref<512x64xf32, #tpu.memory_space<vmem>> -> memref<16x64xf32, #tpu.memory_space<vmem>>
        %dma_wait3A_741 = arith.constant 0 : i32
        %dma_wait3A_742 = arith.constant 0 : i32
        %dma_wait3A_743 = tpu.memref_slice %arg5[%dma_wait3A_741, %dma_wait3A_742] : memref<1000000x64xf32, #tpu.memory_space<hbm>> -> memref<1000000x64xf32, #tpu.memory_space<hbm>>
        tpu.wait_indirect_dma semaphore(%arg15 : memref<!tpu.dma_semaphore, #tpu.memory_space<semaphore_mem>>) src(%dma_wait3A_740 : memref<16x64xf32, #tpu.memory_space<vmem>>) dst(%dma_wait3A_743 : memref<1000000x64xf32, #tpu.memory_space<hbm>>)
        %dma_wait3A_744 = arith.constant 160 : i32
        %dma_wait3A_745 = arith.constant 0 : i32
        %dma_wait3A_746 = tpu.memref_slice %arg10[%dma_wait3A_744, %dma_wait3A_745] : memref<512x64xf32, #tpu.memory_space<vmem>> -> memref<16x64xf32, #tpu.memory_space<vmem>>
        %dma_wait3A_747 = arith.constant 0 : i32
        %dma_wait3A_748 = arith.constant 0 : i32
        %dma_wait3A_749 = tpu.memref_slice %arg5[%dma_wait3A_747, %dma_wait3A_748] : memref<1000000x64xf32, #tpu.memory_space<hbm>> -> memref<1000000x64xf32, #tpu.memory_space<hbm>>
        tpu.wait_indirect_dma semaphore(%arg15 : memref<!tpu.dma_semaphore, #tpu.memory_space<semaphore_mem>>) src(%dma_wait3A_746 : memref<16x64xf32, #tpu.memory_space<vmem>>) dst(%dma_wait3A_749 : memref<1000000x64xf32, #tpu.memory_space<hbm>>)
        %dma_wait3A_750 = arith.constant 176 : i32
        %dma_wait3A_751 = arith.constant 0 : i32
        %dma_wait3A_752 = tpu.memref_slice %arg10[%dma_wait3A_750, %dma_wait3A_751] : memref<512x64xf32, #tpu.memory_space<vmem>> -> memref<16x64xf32, #tpu.memory_space<vmem>>
        %dma_wait3A_753 = arith.constant 0 : i32
        %dma_wait3A_754 = arith.constant 0 : i32
        %dma_wait3A_755 = tpu.memref_slice %arg5[%dma_wait3A_753, %dma_wait3A_754] : memref<1000000x64xf32, #tpu.memory_space<hbm>> -> memref<1000000x64xf32, #tpu.memory_space<hbm>>
        tpu.wait_indirect_dma semaphore(%arg15 : memref<!tpu.dma_semaphore, #tpu.memory_space<semaphore_mem>>) src(%dma_wait3A_752 : memref<16x64xf32, #tpu.memory_space<vmem>>) dst(%dma_wait3A_755 : memref<1000000x64xf32, #tpu.memory_space<hbm>>)
        %dma_wait3A_756 = arith.constant 192 : i32
        %dma_wait3A_757 = arith.constant 0 : i32
        %dma_wait3A_758 = tpu.memref_slice %arg10[%dma_wait3A_756, %dma_wait3A_757] : memref<512x64xf32, #tpu.memory_space<vmem>> -> memref<16x64xf32, #tpu.memory_space<vmem>>
        %dma_wait3A_759 = arith.constant 0 : i32
        %dma_wait3A_760 = arith.constant 0 : i32
        %dma_wait3A_761 = tpu.memref_slice %arg5[%dma_wait3A_759, %dma_wait3A_760] : memref<1000000x64xf32, #tpu.memory_space<hbm>> -> memref<1000000x64xf32, #tpu.memory_space<hbm>>
        tpu.wait_indirect_dma semaphore(%arg15 : memref<!tpu.dma_semaphore, #tpu.memory_space<semaphore_mem>>) src(%dma_wait3A_758 : memref<16x64xf32, #tpu.memory_space<vmem>>) dst(%dma_wait3A_761 : memref<1000000x64xf32, #tpu.memory_space<hbm>>)
        %dma_wait3A_762 = arith.constant 208 : i32
        %dma_wait3A_763 = arith.constant 0 : i32
        %dma_wait3A_764 = tpu.memref_slice %arg10[%dma_wait3A_762, %dma_wait3A_763] : memref<512x64xf32, #tpu.memory_space<vmem>> -> memref<16x64xf32, #tpu.memory_space<vmem>>
        %dma_wait3A_765 = arith.constant 0 : i32
        %dma_wait3A_766 = arith.constant 0 : i32
        %dma_wait3A_767 = tpu.memref_slice %arg5[%dma_wait3A_765, %dma_wait3A_766] : memref<1000000x64xf32, #tpu.memory_space<hbm>> -> memref<1000000x64xf32, #tpu.memory_space<hbm>>
        tpu.wait_indirect_dma semaphore(%arg15 : memref<!tpu.dma_semaphore, #tpu.memory_space<semaphore_mem>>) src(%dma_wait3A_764 : memref<16x64xf32, #tpu.memory_space<vmem>>) dst(%dma_wait3A_767 : memref<1000000x64xf32, #tpu.memory_space<hbm>>)
        %dma_wait3A_768 = arith.constant 224 : i32
        %dma_wait3A_769 = arith.constant 0 : i32
        %dma_wait3A_770 = tpu.memref_slice %arg10[%dma_wait3A_768, %dma_wait3A_769] : memref<512x64xf32, #tpu.memory_space<vmem>> -> memref<16x64xf32, #tpu.memory_space<vmem>>
        %dma_wait3A_771 = arith.constant 0 : i32
        %dma_wait3A_772 = arith.constant 0 : i32
        %dma_wait3A_773 = tpu.memref_slice %arg5[%dma_wait3A_771, %dma_wait3A_772] : memref<1000000x64xf32, #tpu.memory_space<hbm>> -> memref<1000000x64xf32, #tpu.memory_space<hbm>>
        tpu.wait_indirect_dma semaphore(%arg15 : memref<!tpu.dma_semaphore, #tpu.memory_space<semaphore_mem>>) src(%dma_wait3A_770 : memref<16x64xf32, #tpu.memory_space<vmem>>) dst(%dma_wait3A_773 : memref<1000000x64xf32, #tpu.memory_space<hbm>>)
        %dma_wait3A_774 = arith.constant 240 : i32
        %dma_wait3A_775 = arith.constant 0 : i32
        %dma_wait3A_776 = tpu.memref_slice %arg10[%dma_wait3A_774, %dma_wait3A_775] : memref<512x64xf32, #tpu.memory_space<vmem>> -> memref<16x64xf32, #tpu.memory_space<vmem>>
        %dma_wait3A_777 = arith.constant 0 : i32
        %dma_wait3A_778 = arith.constant 0 : i32
        %dma_wait3A_779 = tpu.memref_slice %arg5[%dma_wait3A_777, %dma_wait3A_778] : memref<1000000x64xf32, #tpu.memory_space<hbm>> -> memref<1000000x64xf32, #tpu.memory_space<hbm>>
        tpu.wait_indirect_dma semaphore(%arg15 : memref<!tpu.dma_semaphore, #tpu.memory_space<semaphore_mem>>) src(%dma_wait3A_776 : memref<16x64xf32, #tpu.memory_space<vmem>>) dst(%dma_wait3A_779 : memref<1000000x64xf32, #tpu.memory_space<hbm>>)
        %while3A_780 = arith.constant 0 : i32
        scf.yield %while3A_780 : i32
      }
      %while3A_264 = arith.constant 1 : i32
      %while3A_265 = scf.for %while3A_266 = %while3A_261 to %while3A_257 step %while3A_264 iter_args(%while3A_267 = %while3A_263) -> (i32)  : i32 {
        %mul3A_268 = arith.constant 256 : i32
        %mul3A_269 = arith.muli %while3A_266, %mul3A_268 : i32
        %add3A_270 = arith.constant 0 : i32
        %add3A_271 = arith.addi %mul3A_269, %add3A_270 : i32
        %get3A_272 = arith.index_cast %add3A_271 : i32 to index
        %get3A_273 = tpu.vector_load %arg9[%get3A_272] {strides = array<i32>} : memref<8464xi32, #tpu.memory_space<vmem>>, vector<16xi32>,
        %dma_start3A = arith.constant 0 : i32
        %dma_start3A_274 = arith.constant 0 : i32
        %dma_start3A_275 = tpu.memref_slice %arg10[%dma_start3A, %dma_start3A_274] : memref<512x64xf32, #tpu.memory_space<vmem>> -> memref<16x64xf32, #tpu.memory_space<vmem>>
        %dma_start3A_276 = arith.constant 0 : i32
        %dma_start3A_277 = arith.constant 0 : i32
        %dma_start3A_278 = tpu.memref_slice %arg3[%dma_start3A_276, %dma_start3A_277] : memref<16384x64xf32, #tpu.memory_space<hbm>> -> memref<16384x64xf32, #tpu.memory_space<hbm>>
        tpu.enqueue_indirect_dma source(%dma_start3A_278 : memref<16384x64xf32, #tpu.memory_space<hbm>>) target(%dma_start3A_275 : memref<16x64xf32, #tpu.memory_space<vmem>>) offsets(%get3A_273 : vector<16xi32>) semaphore(%arg14 : memref<!tpu.dma_semaphore, #tpu.memory_space<semaphore_mem>>)
        %add3A_279 = arith.constant 16 : i32
        %add3A_280 = arith.addi %mul3A_269, %add3A_279 : i32
        %get3A_281 = arith.index_cast %add3A_280 : i32 to index
        %get3A_282 = tpu.vector_load %arg9[%get3A_281] {strides = array<i32>} : memref<8464xi32, #tpu.memory_space<vmem>>, vector<16xi32>,
        %dma_start3A_283 = arith.constant 16 : i32
        %dma_start3A_284 = arith.constant 0 : i32
        %dma_start3A_285 = tpu.memref_slice %arg10[%dma_start3A_283, %dma_start3A_284] : memref<512x64xf32, #tpu.memory_space<vmem>> -> memref<16x64xf32, #tpu.memory_space<vmem>>
        %dma_start3A_286 = arith.constant 0 : i32
        %dma_start3A_287 = arith.constant 0 : i32
        %dma_start3A_288 = tpu.memref_slice %arg3[%dma_start3A_286, %dma_start3A_287] : memref<16384x64xf32, #tpu.memory_space<hbm>> -> memref<16384x64xf32, #tpu.memory_space<hbm>>
        tpu.enqueue_indirect_dma source(%dma_start3A_288 : memref<16384x64xf32, #tpu.memory_space<hbm>>) target(%dma_start3A_285 : memref<16x64xf32, #tpu.memory_space<vmem>>) offsets(%get3A_282 : vector<16xi32>) semaphore(%arg14 : memref<!tpu.dma_semaphore, #tpu.memory_space<semaphore_mem>>)
        %add3A_289 = arith.constant 32 : i32
        %add3A_290 = arith.addi %mul3A_269, %add3A_289 : i32
        %get3A_291 = arith.index_cast %add3A_290 : i32 to index
        %get3A_292 = tpu.vector_load %arg9[%get3A_291] {strides = array<i32>} : memref<8464xi32, #tpu.memory_space<vmem>>, vector<16xi32>,
        %dma_start3A_293 = arith.constant 32 : i32
        %dma_start3A_294 = arith.constant 0 : i32
        %dma_start3A_295 = tpu.memref_slice %arg10[%dma_start3A_293, %dma_start3A_294] : memref<512x64xf32, #tpu.memory_space<vmem>> -> memref<16x64xf32, #tpu.memory_space<vmem>>
        %dma_start3A_296 = arith.constant 0 : i32
        %dma_start3A_297 = arith.constant 0 : i32
        %dma_start3A_298 = tpu.memref_slice %arg3[%dma_start3A_296, %dma_start3A_297] : memref<16384x64xf32, #tpu.memory_space<hbm>> -> memref<16384x64xf32, #tpu.memory_space<hbm>>
        tpu.enqueue_indirect_dma source(%dma_start3A_298 : memref<16384x64xf32, #tpu.memory_space<hbm>>) target(%dma_start3A_295 : memref<16x64xf32, #tpu.memory_space<vmem>>) offsets(%get3A_292 : vector<16xi32>) semaphore(%arg14 : memref<!tpu.dma_semaphore, #tpu.memory_space<semaphore_mem>>)
        %add3A_299 = arith.constant 48 : i32
        %add3A_300 = arith.addi %mul3A_269, %add3A_299 : i32
        %get3A_301 = arith.index_cast %add3A_300 : i32 to index
        %get3A_302 = tpu.vector_load %arg9[%get3A_301] {strides = array<i32>} : memref<8464xi32, #tpu.memory_space<vmem>>, vector<16xi32>,
        %dma_start3A_303 = arith.constant 48 : i32
        %dma_start3A_304 = arith.constant 0 : i32
        %dma_start3A_305 = tpu.memref_slice %arg10[%dma_start3A_303, %dma_start3A_304] : memref<512x64xf32, #tpu.memory_space<vmem>> -> memref<16x64xf32, #tpu.memory_space<vmem>>
        %dma_start3A_306 = arith.constant 0 : i32
        %dma_start3A_307 = arith.constant 0 : i32
        %dma_start3A_308 = tpu.memref_slice %arg3[%dma_start3A_306, %dma_start3A_307] : memref<16384x64xf32, #tpu.memory_space<hbm>> -> memref<16384x64xf32, #tpu.memory_space<hbm>>
        tpu.enqueue_indirect_dma source(%dma_start3A_308 : memref<16384x64xf32, #tpu.memory_space<hbm>>) target(%dma_start3A_305 : memref<16x64xf32, #tpu.memory_space<vmem>>) offsets(%get3A_302 : vector<16xi32>) semaphore(%arg14 : memref<!tpu.dma_semaphore, #tpu.memory_space<semaphore_mem>>)
        %add3A_309 = arith.constant 64 : i32
        %add3A_310 = arith.addi %mul3A_269, %add3A_309 : i32
        %get3A_311 = arith.index_cast %add3A_310 : i32 to index
        %get3A_312 = tpu.vector_load %arg9[%get3A_311] {strides = array<i32>} : memref<8464xi32, #tpu.memory_space<vmem>>, vector<16xi32>,
        %dma_start3A_313 = arith.constant 64 : i32
        %dma_start3A_314 = arith.constant 0 : i32
        %dma_start3A_315 = tpu.memref_slice %arg10[%dma_start3A_313, %dma_start3A_314] : memref<512x64xf32, #tpu.memory_space<vmem>> -> memref<16x64xf32, #tpu.memory_space<vmem>>
        %dma_start3A_316 = arith.constant 0 : i32
        %dma_start3A_317 = arith.constant 0 : i32
        %dma_start3A_318 = tpu.memref_slice %arg3[%dma_start3A_316, %dma_start3A_317] : memref<16384x64xf32, #tpu.memory_space<hbm>> -> memref<16384x64xf32, #tpu.memory_space<hbm>>
        tpu.enqueue_indirect_dma source(%dma_start3A_318 : memref<16384x64xf32, #tpu.memory_space<hbm>>) target(%dma_start3A_315 : memref<16x64xf32, #tpu.memory_space<vmem>>) offsets(%get3A_312 : vector<16xi32>) semaphore(%arg14 : memref<!tpu.dma_semaphore, #tpu.memory_space<semaphore_mem>>)
        %add3A_319 = arith.constant 80 : i32
        %add3A_320 = arith.addi %mul3A_269, %add3A_319 : i32
        %get3A_321 = arith.index_cast %add3A_320 : i32 to index
        %get3A_322 = tpu.vector_load %arg9[%get3A_321] {strides = array<i32>} : memref<8464xi32, #tpu.memory_space<vmem>>, vector<16xi32>,
        %dma_start3A_323 = arith.constant 80 : i32
        %dma_start3A_324 = arith.constant 0 : i32
        %dma_start3A_325 = tpu.memref_slice %arg10[%dma_start3A_323, %dma_start3A_324] : memref<512x64xf32, #tpu.memory_space<vmem>> -> memref<16x64xf32, #tpu.memory_space<vmem>>
        %dma_start3A_326 = arith.constant 0 : i32
        %dma_start3A_327 = arith.constant 0 : i32
        %dma_start3A_328 = tpu.memref_slice %arg3[%dma_start3A_326, %dma_start3A_327] : memref<16384x64xf32, #tpu.memory_space<hbm>> -> memref<16384x64xf32, #tpu.memory_space<hbm>>
        tpu.enqueue_indirect_dma source(%dma_start3A_328 : memref<16384x64xf32, #tpu.memory_space<hbm>>) target(%dma_start3A_325 : memref<16x64xf32, #tpu.memory_space<vmem>>) offsets(%get3A_322 : vector<16xi32>) semaphore(%arg14 : memref<!tpu.dma_semaphore, #tpu.memory_space<semaphore_mem>>)
        %add3A_329 = arith.constant 96 : i32
        %add3A_330 = arith.addi %mul3A_269, %add3A_329 : i32
        %get3A_331 = arith.index_cast %add3A_330 : i32 to index
        %get3A_332 = tpu.vector_load %arg9[%get3A_331] {strides = array<i32>} : memref<8464xi32, #tpu.memory_space<vmem>>, vector<16xi32>,
        %dma_start3A_333 = arith.constant 96 : i32
        %dma_start3A_334 = arith.constant 0 : i32
        %dma_start3A_335 = tpu.memref_slice %arg10[%dma_start3A_333, %dma_start3A_334] : memref<512x64xf32, #tpu.memory_space<vmem>> -> memref<16x64xf32, #tpu.memory_space<vmem>>
        %dma_start3A_336 = arith.constant 0 : i32
        %dma_start3A_337 = arith.constant 0 : i32
        %dma_start3A_338 = tpu.memref_slice %arg3[%dma_start3A_336, %dma_start3A_337] : memref<16384x64xf32, #tpu.memory_space<hbm>> -> memref<16384x64xf32, #tpu.memory_space<hbm>>
        tpu.enqueue_indirect_dma source(%dma_start3A_338 : memref<16384x64xf32, #tpu.memory_space<hbm>>) target(%dma_start3A_335 : memref<16x64xf32, #tpu.memory_space<vmem>>) offsets(%get3A_332 : vector<16xi32>) semaphore(%arg14 : memref<!tpu.dma_semaphore, #tpu.memory_space<semaphore_mem>>)
        %add3A_339 = arith.constant 112 : i32
        %add3A_340 = arith.addi %mul3A_269, %add3A_339 : i32
        %get3A_341 = arith.index_cast %add3A_340 : i32 to index
        %get3A_342 = tpu.vector_load %arg9[%get3A_341] {strides = array<i32>} : memref<8464xi32, #tpu.memory_space<vmem>>, vector<16xi32>,
        %dma_start3A_343 = arith.constant 112 : i32
        %dma_start3A_344 = arith.constant 0 : i32
        %dma_start3A_345 = tpu.memref_slice %arg10[%dma_start3A_343, %dma_start3A_344] : memref<512x64xf32, #tpu.memory_space<vmem>> -> memref<16x64xf32, #tpu.memory_space<vmem>>
        %dma_start3A_346 = arith.constant 0 : i32
        %dma_start3A_347 = arith.constant 0 : i32
        %dma_start3A_348 = tpu.memref_slice %arg3[%dma_start3A_346, %dma_start3A_347] : memref<16384x64xf32, #tpu.memory_space<hbm>> -> memref<16384x64xf32, #tpu.memory_space<hbm>>
        tpu.enqueue_indirect_dma source(%dma_start3A_348 : memref<16384x64xf32, #tpu.memory_space<hbm>>) target(%dma_start3A_345 : memref<16x64xf32, #tpu.memory_space<vmem>>) offsets(%get3A_342 : vector<16xi32>) semaphore(%arg14 : memref<!tpu.dma_semaphore, #tpu.memory_space<semaphore_mem>>)
        %add3A_349 = arith.constant 128 : i32
        %add3A_350 = arith.addi %mul3A_269, %add3A_349 : i32
        %get3A_351 = arith.index_cast %add3A_350 : i32 to index
        %get3A_352 = tpu.vector_load %arg9[%get3A_351] {strides = array<i32>} : memref<8464xi32, #tpu.memory_space<vmem>>, vector<16xi32>,
        %dma_start3A_353 = arith.constant 128 : i32
        %dma_start3A_354 = arith.constant 0 : i32
        %dma_start3A_355 = tpu.memref_slice %arg10[%dma_start3A_353, %dma_start3A_354] : memref<512x64xf32, #tpu.memory_space<vmem>> -> memref<16x64xf32, #tpu.memory_space<vmem>>
        %dma_start3A_356 = arith.constant 0 : i32
        %dma_start3A_357 = arith.constant 0 : i32
        %dma_start3A_358 = tpu.memref_slice %arg3[%dma_start3A_356, %dma_start3A_357] : memref<16384x64xf32, #tpu.memory_space<hbm>> -> memref<16384x64xf32, #tpu.memory_space<hbm>>
        tpu.enqueue_indirect_dma source(%dma_start3A_358 : memref<16384x64xf32, #tpu.memory_space<hbm>>) target(%dma_start3A_355 : memref<16x64xf32, #tpu.memory_space<vmem>>) offsets(%get3A_352 : vector<16xi32>) semaphore(%arg14 : memref<!tpu.dma_semaphore, #tpu.memory_space<semaphore_mem>>)
        %add3A_359 = arith.constant 144 : i32
        %add3A_360 = arith.addi %mul3A_269, %add3A_359 : i32
        %get3A_361 = arith.index_cast %add3A_360 : i32 to index
        %get3A_362 = tpu.vector_load %arg9[%get3A_361] {strides = array<i32>} : memref<8464xi32, #tpu.memory_space<vmem>>, vector<16xi32>,
        %dma_start3A_363 = arith.constant 144 : i32
        %dma_start3A_364 = arith.constant 0 : i32
        %dma_start3A_365 = tpu.memref_slice %arg10[%dma_start3A_363, %dma_start3A_364] : memref<512x64xf32, #tpu.memory_space<vmem>> -> memref<16x64xf32, #tpu.memory_space<vmem>>
        %dma_start3A_366 = arith.constant 0 : i32
        %dma_start3A_367 = arith.constant 0 : i32
        %dma_start3A_368 = tpu.memref_slice %arg3[%dma_start3A_366, %dma_start3A_367] : memref<16384x64xf32, #tpu.memory_space<hbm>> -> memref<16384x64xf32, #tpu.memory_space<hbm>>
        tpu.enqueue_indirect_dma source(%dma_start3A_368 : memref<16384x64xf32, #tpu.memory_space<hbm>>) target(%dma_start3A_365 : memref<16x64xf32, #tpu.memory_space<vmem>>) offsets(%get3A_362 : vector<16xi32>) semaphore(%arg14 : memref<!tpu.dma_semaphore, #tpu.memory_space<semaphore_mem>>)
        %add3A_369 = arith.constant 160 : i32
        %add3A_370 = arith.addi %mul3A_269, %add3A_369 : i32
        %get3A_371 = arith.index_cast %add3A_370 : i32 to index
        %get3A_372 = tpu.vector_load %arg9[%get3A_371] {strides = array<i32>} : memref<8464xi32, #tpu.memory_space<vmem>>, vector<16xi32>,
        %dma_start3A_373 = arith.constant 160 : i32
        %dma_start3A_374 = arith.constant 0 : i32
        %dma_start3A_375 = tpu.memref_slice %arg10[%dma_start3A_373, %dma_start3A_374] : memref<512x64xf32, #tpu.memory_space<vmem>> -> memref<16x64xf32, #tpu.memory_space<vmem>>
        %dma_start3A_376 = arith.constant 0 : i32
        %dma_start3A_377 = arith.constant 0 : i32
        %dma_start3A_378 = tpu.memref_slice %arg3[%dma_start3A_376, %dma_start3A_377] : memref<16384x64xf32, #tpu.memory_space<hbm>> -> memref<16384x64xf32, #tpu.memory_space<hbm>>
        tpu.enqueue_indirect_dma source(%dma_start3A_378 : memref<16384x64xf32, #tpu.memory_space<hbm>>) target(%dma_start3A_375 : memref<16x64xf32, #tpu.memory_space<vmem>>) offsets(%get3A_372 : vector<16xi32>) semaphore(%arg14 : memref<!tpu.dma_semaphore, #tpu.memory_space<semaphore_mem>>)
        %add3A_379 = arith.constant 176 : i32
        %add3A_380 = arith.addi %mul3A_269, %add3A_379 : i32
        %get3A_381 = arith.index_cast %add3A_380 : i32 to index
        %get3A_382 = tpu.vector_load %arg9[%get3A_381] {strides = array<i32>} : memref<8464xi32, #tpu.memory_space<vmem>>, vector<16xi32>,
        %dma_start3A_383 = arith.constant 176 : i32
        %dma_start3A_384 = arith.constant 0 : i32
        %dma_start3A_385 = tpu.memref_slice %arg10[%dma_start3A_383, %dma_start3A_384] : memref<512x64xf32, #tpu.memory_space<vmem>> -> memref<16x64xf32, #tpu.memory_space<vmem>>
        %dma_start3A_386 = arith.constant 0 : i32
        %dma_start3A_387 = arith.constant 0 : i32
        %dma_start3A_388 = tpu.memref_slice %arg3[%dma_start3A_386, %dma_start3A_387] : memref<16384x64xf32, #tpu.memory_space<hbm>> -> memref<16384x64xf32, #tpu.memory_space<hbm>>
        tpu.enqueue_indirect_dma source(%dma_start3A_388 : memref<16384x64xf32, #tpu.memory_space<hbm>>) target(%dma_start3A_385 : memref<16x64xf32, #tpu.memory_space<vmem>>) offsets(%get3A_382 : vector<16xi32>) semaphore(%arg14 : memref<!tpu.dma_semaphore, #tpu.memory_space<semaphore_mem>>)
        %add3A_389 = arith.constant 192 : i32
        %add3A_390 = arith.addi %mul3A_269, %add3A_389 : i32
        %get3A_391 = arith.index_cast %add3A_390 : i32 to index
        %get3A_392 = tpu.vector_load %arg9[%get3A_391] {strides = array<i32>} : memref<8464xi32, #tpu.memory_space<vmem>>, vector<16xi32>,
        %dma_start3A_393 = arith.constant 192 : i32
        %dma_start3A_394 = arith.constant 0 : i32
        %dma_start3A_395 = tpu.memref_slice %arg10[%dma_start3A_393, %dma_start3A_394] : memref<512x64xf32, #tpu.memory_space<vmem>> -> memref<16x64xf32, #tpu.memory_space<vmem>>
        %dma_start3A_396 = arith.constant 0 : i32
        %dma_start3A_397 = arith.constant 0 : i32
        %dma_start3A_398 = tpu.memref_slice %arg3[%dma_start3A_396, %dma_start3A_397] : memref<16384x64xf32, #tpu.memory_space<hbm>> -> memref<16384x64xf32, #tpu.memory_space<hbm>>
        tpu.enqueue_indirect_dma source(%dma_start3A_398 : memref<16384x64xf32, #tpu.memory_space<hbm>>) target(%dma_start3A_395 : memref<16x64xf32, #tpu.memory_space<vmem>>) offsets(%get3A_392 : vector<16xi32>) semaphore(%arg14 : memref<!tpu.dma_semaphore, #tpu.memory_space<semaphore_mem>>)
        %add3A_399 = arith.constant 208 : i32
        %add3A_400 = arith.addi %mul3A_269, %add3A_399 : i32
        %get3A_401 = arith.index_cast %add3A_400 : i32 to index
        %get3A_402 = tpu.vector_load %arg9[%get3A_401] {strides = array<i32>} : memref<8464xi32, #tpu.memory_space<vmem>>, vector<16xi32>,
        %dma_start3A_403 = arith.constant 208 : i32
        %dma_start3A_404 = arith.constant 0 : i32
        %dma_start3A_405 = tpu.memref_slice %arg10[%dma_start3A_403, %dma_start3A_404] : memref<512x64xf32, #tpu.memory_space<vmem>> -> memref<16x64xf32, #tpu.memory_space<vmem>>
        %dma_start3A_406 = arith.constant 0 : i32
        %dma_start3A_407 = arith.constant 0 : i32
        %dma_start3A_408 = tpu.memref_slice %arg3[%dma_start3A_406, %dma_start3A_407] : memref<16384x64xf32, #tpu.memory_space<hbm>> -> memref<16384x64xf32, #tpu.memory_space<hbm>>
        tpu.enqueue_indirect_dma source(%dma_start3A_408 : memref<16384x64xf32, #tpu.memory_space<hbm>>) target(%dma_start3A_405 : memref<16x64xf32, #tpu.memory_space<vmem>>) offsets(%get3A_402 : vector<16xi32>) semaphore(%arg14 : memref<!tpu.dma_semaphore, #tpu.memory_space<semaphore_mem>>)
        %add3A_409 = arith.constant 224 : i32
        %add3A_410 = arith.addi %mul3A_269, %add3A_409 : i32
        %get3A_411 = arith.index_cast %add3A_410 : i32 to index
        %get3A_412 = tpu.vector_load %arg9[%get3A_411] {strides = array<i32>} : memref<8464xi32, #tpu.memory_space<vmem>>, vector<16xi32>,
        %dma_start3A_413 = arith.constant 224 : i32
        %dma_start3A_414 = arith.constant 0 : i32
        %dma_start3A_415 = tpu.memref_slice %arg10[%dma_start3A_413, %dma_start3A_414] : memref<512x64xf32, #tpu.memory_space<vmem>> -> memref<16x64xf32, #tpu.memory_space<vmem>>
        %dma_start3A_416 = arith.constant 0 : i32
        %dma_start3A_417 = arith.constant 0 : i32
        %dma_start3A_418 = tpu.memref_slice %arg3[%dma_start3A_416, %dma_start3A_417] : memref<16384x64xf32, #tpu.memory_space<hbm>> -> memref<16384x64xf32, #tpu.memory_space<hbm>>
        tpu.enqueue_indirect_dma source(%dma_start3A_418 : memref<16384x64xf32, #tpu.memory_space<hbm>>) target(%dma_start3A_415 : memref<16x64xf32, #tpu.memory_space<vmem>>) offsets(%get3A_412 : vector<16xi32>) semaphore(%arg14 : memref<!tpu.dma_semaphore, #tpu.memory_space<semaphore_mem>>)
        %add3A_419 = arith.constant 240 : i32
        %add3A_420 = arith.addi %mul3A_269, %add3A_419 : i32
        %get3A_421 = arith.index_cast %add3A_420 : i32 to index
        %get3A_422 = tpu.vector_load %arg9[%get3A_421] {strides = array<i32>} : memref<8464xi32, #tpu.memory_space<vmem>>, vector<16xi32>,
        %dma_start3A_423 = arith.constant 240 : i32
        %dma_start3A_424 = arith.constant 0 : i32
        %dma_start3A_425 = tpu.memref_slice %arg10[%dma_start3A_423, %dma_start3A_424] : memref<512x64xf32, #tpu.memory_space<vmem>> -> memref<16x64xf32, #tpu.memory_space<vmem>>
        %dma_start3A_426 = arith.constant 0 : i32
        %dma_start3A_427 = arith.constant 0 : i32
        %dma_start3A_428 = tpu.memref_slice %arg3[%dma_start3A_426, %dma_start3A_427] : memref<16384x64xf32, #tpu.memory_space<hbm>> -> memref<16384x64xf32, #tpu.memory_space<hbm>>
        tpu.enqueue_indirect_dma source(%dma_start3A_428 : memref<16384x64xf32, #tpu.memory_space<hbm>>) target(%dma_start3A_425 : memref<16x64xf32, #tpu.memory_space<vmem>>) offsets(%get3A_422 : vector<16xi32>) semaphore(%arg14 : memref<!tpu.dma_semaphore, #tpu.memory_space<semaphore_mem>>)
        %dma_wait3A = arith.constant 0 : i32
        %dma_wait3A_429 = arith.constant 0 : i32
        %dma_wait3A_430 = tpu.memref_slice %arg10[%dma_wait3A, %dma_wait3A_429] : memref<512x64xf32, #tpu.memory_space<vmem>> -> memref<16x64xf32, #tpu.memory_space<vmem>>
        %dma_wait3A_431 = arith.constant 0 : i32
        %dma_wait3A_432 = arith.constant 0 : i32
        %dma_wait3A_433 = tpu.memref_slice %arg3[%dma_wait3A_431, %dma_wait3A_432] : memref<16384x64xf32, #tpu.memory_space<hbm>> -> memref<16384x64xf32, #tpu.memory_space<hbm>>
        tpu.wait_indirect_dma semaphore(%arg14 : memref<!tpu.dma_semaphore, #tpu.memory_space<semaphore_mem>>) src(%dma_wait3A_433 : memref<16384x64xf32, #tpu.memory_space<hbm>>) dst(%dma_wait3A_430 : memref<16x64xf32, #tpu.memory_space<vmem>>)
        %dma_wait3A_434 = arith.constant 16 : i32
        %dma_wait3A_435 = arith.constant 0 : i32
        %dma_wait3A_436 = tpu.memref_slice %arg10[%dma_wait3A_434, %dma_wait3A_435] : memref<512x64xf32, #tpu.memory_space<vmem>> -> memref<16x64xf32, #tpu.memory_space<vmem>>
        %dma_wait3A_437 = arith.constant 0 : i32
        %dma_wait3A_438 = arith.constant 0 : i32
        %dma_wait3A_439 = tpu.memref_slice %arg3[%dma_wait3A_437, %dma_wait3A_438] : memref<16384x64xf32, #tpu.memory_space<hbm>> -> memref<16384x64xf32, #tpu.memory_space<hbm>>
        tpu.wait_indirect_dma semaphore(%arg14 : memref<!tpu.dma_semaphore, #tpu.memory_space<semaphore_mem>>) src(%dma_wait3A_439 : memref<16384x64xf32, #tpu.memory_space<hbm>>) dst(%dma_wait3A_436 : memref<16x64xf32, #tpu.memory_space<vmem>>)
        %dma_wait3A_440 = arith.constant 32 : i32
        %dma_wait3A_441 = arith.constant 0 : i32
        %dma_wait3A_442 = tpu.memref_slice %arg10[%dma_wait3A_440, %dma_wait3A_441] : memref<512x64xf32, #tpu.memory_space<vmem>> -> memref<16x64xf32, #tpu.memory_space<vmem>>
        %dma_wait3A_443 = arith.constant 0 : i32
        %dma_wait3A_444 = arith.constant 0 : i32
        %dma_wait3A_445 = tpu.memref_slice %arg3[%dma_wait3A_443, %dma_wait3A_444] : memref<16384x64xf32, #tpu.memory_space<hbm>> -> memref<16384x64xf32, #tpu.memory_space<hbm>>
        tpu.wait_indirect_dma semaphore(%arg14 : memref<!tpu.dma_semaphore, #tpu.memory_space<semaphore_mem>>) src(%dma_wait3A_445 : memref<16384x64xf32, #tpu.memory_space<hbm>>) dst(%dma_wait3A_442 : memref<16x64xf32, #tpu.memory_space<vmem>>)
        %dma_wait3A_446 = arith.constant 48 : i32
        %dma_wait3A_447 = arith.constant 0 : i32
        %dma_wait3A_448 = tpu.memref_slice %arg10[%dma_wait3A_446, %dma_wait3A_447] : memref<512x64xf32, #tpu.memory_space<vmem>> -> memref<16x64xf32, #tpu.memory_space<vmem>>
        %dma_wait3A_449 = arith.constant 0 : i32
        %dma_wait3A_450 = arith.constant 0 : i32
        %dma_wait3A_451 = tpu.memref_slice %arg3[%dma_wait3A_449, %dma_wait3A_450] : memref<16384x64xf32, #tpu.memory_space<hbm>> -> memref<16384x64xf32, #tpu.memory_space<hbm>>
        tpu.wait_indirect_dma semaphore(%arg14 : memref<!tpu.dma_semaphore, #tpu.memory_space<semaphore_mem>>) src(%dma_wait3A_451 : memref<16384x64xf32, #tpu.memory_space<hbm>>) dst(%dma_wait3A_448 : memref<16x64xf32, #tpu.memory_space<vmem>>)
        %dma_wait3A_452 = arith.constant 64 : i32
        %dma_wait3A_453 = arith.constant 0 : i32
        %dma_wait3A_454 = tpu.memref_slice %arg10[%dma_wait3A_452, %dma_wait3A_453] : memref<512x64xf32, #tpu.memory_space<vmem>> -> memref<16x64xf32, #tpu.memory_space<vmem>>
        %dma_wait3A_455 = arith.constant 0 : i32
        %dma_wait3A_456 = arith.constant 0 : i32
        %dma_wait3A_457 = tpu.memref_slice %arg3[%dma_wait3A_455, %dma_wait3A_456] : memref<16384x64xf32, #tpu.memory_space<hbm>> -> memref<16384x64xf32, #tpu.memory_space<hbm>>
        tpu.wait_indirect_dma semaphore(%arg14 : memref<!tpu.dma_semaphore, #tpu.memory_space<semaphore_mem>>) src(%dma_wait3A_457 : memref<16384x64xf32, #tpu.memory_space<hbm>>) dst(%dma_wait3A_454 : memref<16x64xf32, #tpu.memory_space<vmem>>)
        %dma_wait3A_458 = arith.constant 80 : i32
        %dma_wait3A_459 = arith.constant 0 : i32
        %dma_wait3A_460 = tpu.memref_slice %arg10[%dma_wait3A_458, %dma_wait3A_459] : memref<512x64xf32, #tpu.memory_space<vmem>> -> memref<16x64xf32, #tpu.memory_space<vmem>>
        %dma_wait3A_461 = arith.constant 0 : i32
        %dma_wait3A_462 = arith.constant 0 : i32
        %dma_wait3A_463 = tpu.memref_slice %arg3[%dma_wait3A_461, %dma_wait3A_462] : memref<16384x64xf32, #tpu.memory_space<hbm>> -> memref<16384x64xf32, #tpu.memory_space<hbm>>
        tpu.wait_indirect_dma semaphore(%arg14 : memref<!tpu.dma_semaphore, #tpu.memory_space<semaphore_mem>>) src(%dma_wait3A_463 : memref<16384x64xf32, #tpu.memory_space<hbm>>) dst(%dma_wait3A_460 : memref<16x64xf32, #tpu.memory_space<vmem>>)
        %dma_wait3A_464 = arith.constant 96 : i32
        %dma_wait3A_465 = arith.constant 0 : i32
        %dma_wait3A_466 = tpu.memref_slice %arg10[%dma_wait3A_464, %dma_wait3A_465] : memref<512x64xf32, #tpu.memory_space<vmem>> -> memref<16x64xf32, #tpu.memory_space<vmem>>
        %dma_wait3A_467 = arith.constant 0 : i32
        %dma_wait3A_468 = arith.constant 0 : i32
        %dma_wait3A_469 = tpu.memref_slice %arg3[%dma_wait3A_467, %dma_wait3A_468] : memref<16384x64xf32, #tpu.memory_space<hbm>> -> memref<16384x64xf32, #tpu.memory_space<hbm>>
        tpu.wait_indirect_dma semaphore(%arg14 : memref<!tpu.dma_semaphore, #tpu.memory_space<semaphore_mem>>) src(%dma_wait3A_469 : memref<16384x64xf32, #tpu.memory_space<hbm>>) dst(%dma_wait3A_466 : memref<16x64xf32, #tpu.memory_space<vmem>>)
        %dma_wait3A_470 = arith.constant 112 : i32
        %dma_wait3A_471 = arith.constant 0 : i32
        %dma_wait3A_472 = tpu.memref_slice %arg10[%dma_wait3A_470, %dma_wait3A_471] : memref<512x64xf32, #tpu.memory_space<vmem>> -> memref<16x64xf32, #tpu.memory_space<vmem>>
        %dma_wait3A_473 = arith.constant 0 : i32
        %dma_wait3A_474 = arith.constant 0 : i32
        %dma_wait3A_475 = tpu.memref_slice %arg3[%dma_wait3A_473, %dma_wait3A_474] : memref<16384x64xf32, #tpu.memory_space<hbm>> -> memref<16384x64xf32, #tpu.memory_space<hbm>>
        tpu.wait_indirect_dma semaphore(%arg14 : memref<!tpu.dma_semaphore, #tpu.memory_space<semaphore_mem>>) src(%dma_wait3A_475 : memref<16384x64xf32, #tpu.memory_space<hbm>>) dst(%dma_wait3A_472 : memref<16x64xf32, #tpu.memory_space<vmem>>)
        %dma_wait3A_476 = arith.constant 128 : i32
        %dma_wait3A_477 = arith.constant 0 : i32
        %dma_wait3A_478 = tpu.memref_slice %arg10[%dma_wait3A_476, %dma_wait3A_477] : memref<512x64xf32, #tpu.memory_space<vmem>> -> memref<16x64xf32, #tpu.memory_space<vmem>>
        %dma_wait3A_479 = arith.constant 0 : i32
        %dma_wait3A_480 = arith.constant 0 : i32
        %dma_wait3A_481 = tpu.memref_slice %arg3[%dma_wait3A_479, %dma_wait3A_480] : memref<16384x64xf32, #tpu.memory_space<hbm>> -> memref<16384x64xf32, #tpu.memory_space<hbm>>
        tpu.wait_indirect_dma semaphore(%arg14 : memref<!tpu.dma_semaphore, #tpu.memory_space<semaphore_mem>>) src(%dma_wait3A_481 : memref<16384x64xf32, #tpu.memory_space<hbm>>) dst(%dma_wait3A_478 : memref<16x64xf32, #tpu.memory_space<vmem>>)
        %dma_wait3A_482 = arith.constant 144 : i32
        %dma_wait3A_483 = arith.constant 0 : i32
        %dma_wait3A_484 = tpu.memref_slice %arg10[%dma_wait3A_482, %dma_wait3A_483] : memref<512x64xf32, #tpu.memory_space<vmem>> -> memref<16x64xf32, #tpu.memory_space<vmem>>
        %dma_wait3A_485 = arith.constant 0 : i32
        %dma_wait3A_486 = arith.constant 0 : i32
        %dma_wait3A_487 = tpu.memref_slice %arg3[%dma_wait3A_485, %dma_wait3A_486] : memref<16384x64xf32, #tpu.memory_space<hbm>> -> memref<16384x64xf32, #tpu.memory_space<hbm>>
        tpu.wait_indirect_dma semaphore(%arg14 : memref<!tpu.dma_semaphore, #tpu.memory_space<semaphore_mem>>) src(%dma_wait3A_487 : memref<16384x64xf32, #tpu.memory_space<hbm>>) dst(%dma_wait3A_484 : memref<16x64xf32, #tpu.memory_space<vmem>>)
        %dma_wait3A_488 = arith.constant 160 : i32
        %dma_wait3A_489 = arith.constant 0 : i32
        %dma_wait3A_490 = tpu.memref_slice %arg10[%dma_wait3A_488, %dma_wait3A_489] : memref<512x64xf32, #tpu.memory_space<vmem>> -> memref<16x64xf32, #tpu.memory_space<vmem>>
        %dma_wait3A_491 = arith.constant 0 : i32
        %dma_wait3A_492 = arith.constant 0 : i32
        %dma_wait3A_493 = tpu.memref_slice %arg3[%dma_wait3A_491, %dma_wait3A_492] : memref<16384x64xf32, #tpu.memory_space<hbm>> -> memref<16384x64xf32, #tpu.memory_space<hbm>>
        tpu.wait_indirect_dma semaphore(%arg14 : memref<!tpu.dma_semaphore, #tpu.memory_space<semaphore_mem>>) src(%dma_wait3A_493 : memref<16384x64xf32, #tpu.memory_space<hbm>>) dst(%dma_wait3A_490 : memref<16x64xf32, #tpu.memory_space<vmem>>)
        %dma_wait3A_494 = arith.constant 176 : i32
        %dma_wait3A_495 = arith.constant 0 : i32
        %dma_wait3A_496 = tpu.memref_slice %arg10[%dma_wait3A_494, %dma_wait3A_495] : memref<512x64xf32, #tpu.memory_space<vmem>> -> memref<16x64xf32, #tpu.memory_space<vmem>>
        %dma_wait3A_497 = arith.constant 0 : i32
        %dma_wait3A_498 = arith.constant 0 : i32
        %dma_wait3A_499 = tpu.memref_slice %arg3[%dma_wait3A_497, %dma_wait3A_498] : memref<16384x64xf32, #tpu.memory_space<hbm>> -> memref<16384x64xf32, #tpu.memory_space<hbm>>
        tpu.wait_indirect_dma semaphore(%arg14 : memref<!tpu.dma_semaphore, #tpu.memory_space<semaphore_mem>>) src(%dma_wait3A_499 : memref<16384x64xf32, #tpu.memory_space<hbm>>) dst(%dma_wait3A_496 : memref<16x64xf32, #tpu.memory_space<vmem>>)
        %dma_wait3A_500 = arith.constant 192 : i32
        %dma_wait3A_501 = arith.constant 0 : i32
        %dma_wait3A_502 = tpu.memref_slice %arg10[%dma_wait3A_500, %dma_wait3A_501] : memref<512x64xf32, #tpu.memory_space<vmem>> -> memref<16x64xf32, #tpu.memory_space<vmem>>
        %dma_wait3A_503 = arith.constant 0 : i32
        %dma_wait3A_504 = arith.constant 0 : i32
        %dma_wait3A_505 = tpu.memref_slice %arg3[%dma_wait3A_503, %dma_wait3A_504] : memref<16384x64xf32, #tpu.memory_space<hbm>> -> memref<16384x64xf32, #tpu.memory_space<hbm>>
        tpu.wait_indirect_dma semaphore(%arg14 : memref<!tpu.dma_semaphore, #tpu.memory_space<semaphore_mem>>) src(%dma_wait3A_505 : memref<16384x64xf32, #tpu.memory_space<hbm>>) dst(%dma_wait3A_502 : memref<16x64xf32, #tpu.memory_space<vmem>>)
        %dma_wait3A_506 = arith.constant 208 : i32
        %dma_wait3A_507 = arith.constant 0 : i32
        %dma_wait3A_508 = tpu.memref_slice %arg10[%dma_wait3A_506, %dma_wait3A_507] : memref<512x64xf32, #tpu.memory_space<vmem>> -> memref<16x64xf32, #tpu.memory_space<vmem>>
        %dma_wait3A_509 = arith.constant 0 : i32
        %dma_wait3A_510 = arith.constant 0 : i32
        %dma_wait3A_511 = tpu.memref_slice %arg3[%dma_wait3A_509, %dma_wait3A_510] : memref<16384x64xf32, #tpu.memory_space<hbm>> -> memref<16384x64xf32, #tpu.memory_space<hbm>>
        tpu.wait_indirect_dma semaphore(%arg14 : memref<!tpu.dma_semaphore, #tpu.memory_space<semaphore_mem>>) src(%dma_wait3A_511 : memref<16384x64xf32, #tpu.memory_space<hbm>>) dst(%dma_wait3A_508 : memref<16x64xf32, #tpu.memory_space<vmem>>)
        %dma_wait3A_512 = arith.constant 224 : i32
        %dma_wait3A_513 = arith.constant 0 : i32
        %dma_wait3A_514 = tpu.memref_slice %arg10[%dma_wait3A_512, %dma_wait3A_513] : memref<512x64xf32, #tpu.memory_space<vmem>> -> memref<16x64xf32, #tpu.memory_space<vmem>>
        %dma_wait3A_515 = arith.constant 0 : i32
        %dma_wait3A_516 = arith.constant 0 : i32
        %dma_wait3A_517 = tpu.memref_slice %arg3[%dma_wait3A_515, %dma_wait3A_516] : memref<16384x64xf32, #tpu.memory_space<hbm>> -> memref<16384x64xf32, #tpu.memory_space<hbm>>
        tpu.wait_indirect_dma semaphore(%arg14 : memref<!tpu.dma_semaphore, #tpu.memory_space<semaphore_mem>>) src(%dma_wait3A_517 : memref<16384x64xf32, #tpu.memory_space<hbm>>) dst(%dma_wait3A_514 : memref<16x64xf32, #tpu.memory_space<vmem>>)
        %dma_wait3A_518 = arith.constant 240 : i32
        %dma_wait3A_519 = arith.constant 0 : i32
        %dma_wait3A_520 = tpu.memref_slice %arg10[%dma_wait3A_518, %dma_wait3A_519] : memref<512x64xf32, #tpu.memory_space<vmem>> -> memref<16x64xf32, #tpu.memory_space<vmem>>
        %dma_wait3A_521 = arith.constant 0 : i32
        %dma_wait3A_522 = arith.constant 0 : i32
        %dma_wait3A_523 = tpu.memref_slice %arg3[%dma_wait3A_521, %dma_wait3A_522] : memref<16384x64xf32, #tpu.memory_space<hbm>> -> memref<16384x64xf32, #tpu.memory_space<hbm>>
        tpu.wait_indirect_dma semaphore(%arg14 : memref<!tpu.dma_semaphore, #tpu.memory_space<semaphore_mem>>) src(%dma_wait3A_523 : memref<16384x64xf32, #tpu.memory_space<hbm>>) dst(%dma_wait3A_520 : memref<16x64xf32, #tpu.memory_space<vmem>>)
        %add3A_524 = arith.constant 0 : i32
        %add3A_525 = arith.addi %mul3A_269, %add3A_524 : i32
        %get3A_526 = arith.index_cast %add3A_525 : i32 to index
        %get3A_527 = tpu.vector_load %arg8[%get3A_526] {strides = array<i32>} : memref<8464xi32, #tpu.memory_space<vmem>>, vector<16xi32>,
        %dma_start3A_528 = arith.constant 0 : i32
        %dma_start3A_529 = arith.constant 0 : i32
        %dma_start3A_530 = tpu.memref_slice %arg10[%dma_start3A_528, %dma_start3A_529] : memref<512x64xf32, #tpu.memory_space<vmem>> -> memref<16x64xf32, #tpu.memory_space<vmem>>
        %dma_start3A_531 = arith.constant 0 : i32
        %dma_start3A_532 = arith.constant 0 : i32
        %dma_start3A_533 = tpu.memref_slice %arg5[%dma_start3A_531, %dma_start3A_532] : memref<1000000x64xf32, #tpu.memory_space<hbm>> -> memref<1000000x64xf32, #tpu.memory_space<hbm>>
        tpu.enqueue_indirect_dma source(%dma_start3A_530 : memref<16x64xf32, #tpu.memory_space<vmem>>) target(%dma_start3A_533 : memref<1000000x64xf32, #tpu.memory_space<hbm>>) offsets(%get3A_527 : vector<16xi32>) semaphore(%arg15 : memref<!tpu.dma_semaphore, #tpu.memory_space<semaphore_mem>>)
        %add3A_534 = arith.constant 16 : i32
        %add3A_535 = arith.addi %mul3A_269, %add3A_534 : i32
        %get3A_536 = arith.index_cast %add3A_535 : i32 to index
        %get3A_537 = tpu.vector_load %arg8[%get3A_536] {strides = array<i32>} : memref<8464xi32, #tpu.memory_space<vmem>>, vector<16xi32>,
        %dma_start3A_538 = arith.constant 16 : i32
        %dma_start3A_539 = arith.constant 0 : i32
        %dma_start3A_540 = tpu.memref_slice %arg10[%dma_start3A_538, %dma_start3A_539] : memref<512x64xf32, #tpu.memory_space<vmem>> -> memref<16x64xf32, #tpu.memory_space<vmem>>
        %dma_start3A_541 = arith.constant 0 : i32
        %dma_start3A_542 = arith.constant 0 : i32
        %dma_start3A_543 = tpu.memref_slice %arg5[%dma_start3A_541, %dma_start3A_542] : memref<1000000x64xf32, #tpu.memory_space<hbm>> -> memref<1000000x64xf32, #tpu.memory_space<hbm>>
        tpu.enqueue_indirect_dma source(%dma_start3A_540 : memref<16x64xf32, #tpu.memory_space<vmem>>) target(%dma_start3A_543 : memref<1000000x64xf32, #tpu.memory_space<hbm>>) offsets(%get3A_537 : vector<16xi32>) semaphore(%arg15 : memref<!tpu.dma_semaphore, #tpu.memory_space<semaphore_mem>>)
        %add3A_544 = arith.constant 32 : i32
        %add3A_545 = arith.addi %mul3A_269, %add3A_544 : i32
        %get3A_546 = arith.index_cast %add3A_545 : i32 to index
        %get3A_547 = tpu.vector_load %arg8[%get3A_546] {strides = array<i32>} : memref<8464xi32, #tpu.memory_space<vmem>>, vector<16xi32>,
        %dma_start3A_548 = arith.constant 32 : i32
        %dma_start3A_549 = arith.constant 0 : i32
        %dma_start3A_550 = tpu.memref_slice %arg10[%dma_start3A_548, %dma_start3A_549] : memref<512x64xf32, #tpu.memory_space<vmem>> -> memref<16x64xf32, #tpu.memory_space<vmem>>
        %dma_start3A_551 = arith.constant 0 : i32
        %dma_start3A_552 = arith.constant 0 : i32
        %dma_start3A_553 = tpu.memref_slice %arg5[%dma_start3A_551, %dma_start3A_552] : memref<1000000x64xf32, #tpu.memory_space<hbm>> -> memref<1000000x64xf32, #tpu.memory_space<hbm>>
        tpu.enqueue_indirect_dma source(%dma_start3A_550 : memref<16x64xf32, #tpu.memory_space<vmem>>) target(%dma_start3A_553 : memref<1000000x64xf32, #tpu.memory_space<hbm>>) offsets(%get3A_547 : vector<16xi32>) semaphore(%arg15 : memref<!tpu.dma_semaphore, #tpu.memory_space<semaphore_mem>>)
        %add3A_554 = arith.constant 48 : i32
        %add3A_555 = arith.addi %mul3A_269, %add3A_554 : i32
        %get3A_556 = arith.index_cast %add3A_555 : i32 to index
        %get3A_557 = tpu.vector_load %arg8[%get3A_556] {strides = array<i32>} : memref<8464xi32, #tpu.memory_space<vmem>>, vector<16xi32>,
        %dma_start3A_558 = arith.constant 48 : i32
        %dma_start3A_559 = arith.constant 0 : i32
        %dma_start3A_560 = tpu.memref_slice %arg10[%dma_start3A_558, %dma_start3A_559] : memref<512x64xf32, #tpu.memory_space<vmem>> -> memref<16x64xf32, #tpu.memory_space<vmem>>
        %dma_start3A_561 = arith.constant 0 : i32
        %dma_start3A_562 = arith.constant 0 : i32
        %dma_start3A_563 = tpu.memref_slice %arg5[%dma_start3A_561, %dma_start3A_562] : memref<1000000x64xf32, #tpu.memory_space<hbm>> -> memref<1000000x64xf32, #tpu.memory_space<hbm>>
        tpu.enqueue_indirect_dma source(%dma_start3A_560 : memref<16x64xf32, #tpu.memory_space<vmem>>) target(%dma_start3A_563 : memref<1000000x64xf32, #tpu.memory_space<hbm>>) offsets(%get3A_557 : vector<16xi32>) semaphore(%arg15 : memref<!tpu.dma_semaphore, #tpu.memory_space<semaphore_mem>>)
        %add3A_564 = arith.constant 64 : i32
        %add3A_565 = arith.addi %mul3A_269, %add3A_564 : i32
        %get3A_566 = arith.index_cast %add3A_565 : i32 to index
        %get3A_567 = tpu.vector_load %arg8[%get3A_566] {strides = array<i32>} : memref<8464xi32, #tpu.memory_space<vmem>>, vector<16xi32>,
        %dma_start3A_568 = arith.constant 64 : i32
        %dma_start3A_569 = arith.constant 0 : i32
        %dma_start3A_570 = tpu.memref_slice %arg10[%dma_start3A_568, %dma_start3A_569] : memref<512x64xf32, #tpu.memory_space<vmem>> -> memref<16x64xf32, #tpu.memory_space<vmem>>
        %dma_start3A_571 = arith.constant 0 : i32
        %dma_start3A_572 = arith.constant 0 : i32
        %dma_start3A_573 = tpu.memref_slice %arg5[%dma_start3A_571, %dma_start3A_572] : memref<1000000x64xf32, #tpu.memory_space<hbm>> -> memref<1000000x64xf32, #tpu.memory_space<hbm>>
        tpu.enqueue_indirect_dma source(%dma_start3A_570 : memref<16x64xf32, #tpu.memory_space<vmem>>) target(%dma_start3A_573 : memref<1000000x64xf32, #tpu.memory_space<hbm>>) offsets(%get3A_567 : vector<16xi32>) semaphore(%arg15 : memref<!tpu.dma_semaphore, #tpu.memory_space<semaphore_mem>>)
        %add3A_574 = arith.constant 80 : i32
        %add3A_575 = arith.addi %mul3A_269, %add3A_574 : i32
        %get3A_576 = arith.index_cast %add3A_575 : i32 to index
        %get3A_577 = tpu.vector_load %arg8[%get3A_576] {strides = array<i32>} : memref<8464xi32, #tpu.memory_space<vmem>>, vector<16xi32>,
        %dma_start3A_578 = arith.constant 80 : i32
        %dma_start3A_579 = arith.constant 0 : i32
        %dma_start3A_580 = tpu.memref_slice %arg10[%dma_start3A_578, %dma_start3A_579] : memref<512x64xf32, #tpu.memory_space<vmem>> -> memref<16x64xf32, #tpu.memory_space<vmem>>
        %dma_start3A_581 = arith.constant 0 : i32
        %dma_start3A_582 = arith.constant 0 : i32
        %dma_start3A_583 = tpu.memref_slice %arg5[%dma_start3A_581, %dma_start3A_582] : memref<1000000x64xf32, #tpu.memory_space<hbm>> -> memref<1000000x64xf32, #tpu.memory_space<hbm>>
        tpu.enqueue_indirect_dma source(%dma_start3A_580 : memref<16x64xf32, #tpu.memory_space<vmem>>) target(%dma_start3A_583 : memref<1000000x64xf32, #tpu.memory_space<hbm>>) offsets(%get3A_577 : vector<16xi32>) semaphore(%arg15 : memref<!tpu.dma_semaphore, #tpu.memory_space<semaphore_mem>>)
        %add3A_584 = arith.constant 96 : i32
        %add3A_585 = arith.addi %mul3A_269, %add3A_584 : i32
        %get3A_586 = arith.index_cast %add3A_585 : i32 to index
        %get3A_587 = tpu.vector_load %arg8[%get3A_586] {strides = array<i32>} : memref<8464xi32, #tpu.memory_space<vmem>>, vector<16xi32>,
        %dma_start3A_588 = arith.constant 96 : i32
        %dma_start3A_589 = arith.constant 0 : i32
        %dma_start3A_590 = tpu.memref_slice %arg10[%dma_start3A_588, %dma_start3A_589] : memref<512x64xf32, #tpu.memory_space<vmem>> -> memref<16x64xf32, #tpu.memory_space<vmem>>
        %dma_start3A_591 = arith.constant 0 : i32
        %dma_start3A_592 = arith.constant 0 : i32
        %dma_start3A_593 = tpu.memref_slice %arg5[%dma_start3A_591, %dma_start3A_592] : memref<1000000x64xf32, #tpu.memory_space<hbm>> -> memref<1000000x64xf32, #tpu.memory_space<hbm>>
        tpu.enqueue_indirect_dma source(%dma_start3A_590 : memref<16x64xf32, #tpu.memory_space<vmem>>) target(%dma_start3A_593 : memref<1000000x64xf32, #tpu.memory_space<hbm>>) offsets(%get3A_587 : vector<16xi32>) semaphore(%arg15 : memref<!tpu.dma_semaphore, #tpu.memory_space<semaphore_mem>>)
        %add3A_594 = arith.constant 112 : i32
        %add3A_595 = arith.addi %mul3A_269, %add3A_594 : i32
        %get3A_596 = arith.index_cast %add3A_595 : i32 to index
        %get3A_597 = tpu.vector_load %arg8[%get3A_596] {strides = array<i32>} : memref<8464xi32, #tpu.memory_space<vmem>>, vector<16xi32>,
        %dma_start3A_598 = arith.constant 112 : i32
        %dma_start3A_599 = arith.constant 0 : i32
        %dma_start3A_600 = tpu.memref_slice %arg10[%dma_start3A_598, %dma_start3A_599] : memref<512x64xf32, #tpu.memory_space<vmem>> -> memref<16x64xf32, #tpu.memory_space<vmem>>
        %dma_start3A_601 = arith.constant 0 : i32
        %dma_start3A_602 = arith.constant 0 : i32
        %dma_start3A_603 = tpu.memref_slice %arg5[%dma_start3A_601, %dma_start3A_602] : memref<1000000x64xf32, #tpu.memory_space<hbm>> -> memref<1000000x64xf32, #tpu.memory_space<hbm>>
        tpu.enqueue_indirect_dma source(%dma_start3A_600 : memref<16x64xf32, #tpu.memory_space<vmem>>) target(%dma_start3A_603 : memref<1000000x64xf32, #tpu.memory_space<hbm>>) offsets(%get3A_597 : vector<16xi32>) semaphore(%arg15 : memref<!tpu.dma_semaphore, #tpu.memory_space<semaphore_mem>>)
        %add3A_604 = arith.constant 128 : i32
        %add3A_605 = arith.addi %mul3A_269, %add3A_604 : i32
        %get3A_606 = arith.index_cast %add3A_605 : i32 to index
        %get3A_607 = tpu.vector_load %arg8[%get3A_606] {strides = array<i32>} : memref<8464xi32, #tpu.memory_space<vmem>>, vector<16xi32>,
        %dma_start3A_608 = arith.constant 128 : i32
        %dma_start3A_609 = arith.constant 0 : i32
        %dma_start3A_610 = tpu.memref_slice %arg10[%dma_start3A_608, %dma_start3A_609] : memref<512x64xf32, #tpu.memory_space<vmem>> -> memref<16x64xf32, #tpu.memory_space<vmem>>
        %dma_start3A_611 = arith.constant 0 : i32
        %dma_start3A_612 = arith.constant 0 : i32
        %dma_start3A_613 = tpu.memref_slice %arg5[%dma_start3A_611, %dma_start3A_612] : memref<1000000x64xf32, #tpu.memory_space<hbm>> -> memref<1000000x64xf32, #tpu.memory_space<hbm>>
        tpu.enqueue_indirect_dma source(%dma_start3A_610 : memref<16x64xf32, #tpu.memory_space<vmem>>) target(%dma_start3A_613 : memref<1000000x64xf32, #tpu.memory_space<hbm>>) offsets(%get3A_607 : vector<16xi32>) semaphore(%arg15 : memref<!tpu.dma_semaphore, #tpu.memory_space<semaphore_mem>>)
        %add3A_614 = arith.constant 144 : i32
        %add3A_615 = arith.addi %mul3A_269, %add3A_614 : i32
        %get3A_616 = arith.index_cast %add3A_615 : i32 to index
        %get3A_617 = tpu.vector_load %arg8[%get3A_616] {strides = array<i32>} : memref<8464xi32, #tpu.memory_space<vmem>>, vector<16xi32>,
        %dma_start3A_618 = arith.constant 144 : i32
        %dma_start3A_619 = arith.constant 0 : i32
        %dma_start3A_620 = tpu.memref_slice %arg10[%dma_start3A_618, %dma_start3A_619] : memref<512x64xf32, #tpu.memory_space<vmem>> -> memref<16x64xf32, #tpu.memory_space<vmem>>
        %dma_start3A_621 = arith.constant 0 : i32
        %dma_start3A_622 = arith.constant 0 : i32
        %dma_start3A_623 = tpu.memref_slice %arg5[%dma_start3A_621, %dma_start3A_622] : memref<1000000x64xf32, #tpu.memory_space<hbm>> -> memref<1000000x64xf32, #tpu.memory_space<hbm>>
        tpu.enqueue_indirect_dma source(%dma_start3A_620 : memref<16x64xf32, #tpu.memory_space<vmem>>) target(%dma_start3A_623 : memref<1000000x64xf32, #tpu.memory_space<hbm>>) offsets(%get3A_617 : vector<16xi32>) semaphore(%arg15 : memref<!tpu.dma_semaphore, #tpu.memory_space<semaphore_mem>>)
        %add3A_624 = arith.constant 160 : i32
        %add3A_625 = arith.addi %mul3A_269, %add3A_624 : i32
        %get3A_626 = arith.index_cast %add3A_625 : i32 to index
        %get3A_627 = tpu.vector_load %arg8[%get3A_626] {strides = array<i32>} : memref<8464xi32, #tpu.memory_space<vmem>>, vector<16xi32>,
        %dma_start3A_628 = arith.constant 160 : i32
        %dma_start3A_629 = arith.constant 0 : i32
        %dma_start3A_630 = tpu.memref_slice %arg10[%dma_start3A_628, %dma_start3A_629] : memref<512x64xf32, #tpu.memory_space<vmem>> -> memref<16x64xf32, #tpu.memory_space<vmem>>
        %dma_start3A_631 = arith.constant 0 : i32
        %dma_start3A_632 = arith.constant 0 : i32
        %dma_start3A_633 = tpu.memref_slice %arg5[%dma_start3A_631, %dma_start3A_632] : memref<1000000x64xf32, #tpu.memory_space<hbm>> -> memref<1000000x64xf32, #tpu.memory_space<hbm>>
        tpu.enqueue_indirect_dma source(%dma_start3A_630 : memref<16x64xf32, #tpu.memory_space<vmem>>) target(%dma_start3A_633 : memref<1000000x64xf32, #tpu.memory_space<hbm>>) offsets(%get3A_627 : vector<16xi32>) semaphore(%arg15 : memref<!tpu.dma_semaphore, #tpu.memory_space<semaphore_mem>>)
        %add3A_634 = arith.constant 176 : i32
        %add3A_635 = arith.addi %mul3A_269, %add3A_634 : i32
        %get3A_636 = arith.index_cast %add3A_635 : i32 to index
        %get3A_637 = tpu.vector_load %arg8[%get3A_636] {strides = array<i32>} : memref<8464xi32, #tpu.memory_space<vmem>>, vector<16xi32>,
        %dma_start3A_638 = arith.constant 176 : i32
        %dma_start3A_639 = arith.constant 0 : i32
        %dma_start3A_640 = tpu.memref_slice %arg10[%dma_start3A_638, %dma_start3A_639] : memref<512x64xf32, #tpu.memory_space<vmem>> -> memref<16x64xf32, #tpu.memory_space<vmem>>
        %dma_start3A_641 = arith.constant 0 : i32
        %dma_start3A_642 = arith.constant 0 : i32
        %dma_start3A_643 = tpu.memref_slice %arg5[%dma_start3A_641, %dma_start3A_642] : memref<1000000x64xf32, #tpu.memory_space<hbm>> -> memref<1000000x64xf32, #tpu.memory_space<hbm>>
        tpu.enqueue_indirect_dma source(%dma_start3A_640 : memref<16x64xf32, #tpu.memory_space<vmem>>) target(%dma_start3A_643 : memref<1000000x64xf32, #tpu.memory_space<hbm>>) offsets(%get3A_637 : vector<16xi32>) semaphore(%arg15 : memref<!tpu.dma_semaphore, #tpu.memory_space<semaphore_mem>>)
        %add3A_644 = arith.constant 192 : i32
        %add3A_645 = arith.addi %mul3A_269, %add3A_644 : i32
        %get3A_646 = arith.index_cast %add3A_645 : i32 to index
        %get3A_647 = tpu.vector_load %arg8[%get3A_646] {strides = array<i32>} : memref<8464xi32, #tpu.memory_space<vmem>>, vector<16xi32>,
        %dma_start3A_648 = arith.constant 192 : i32
        %dma_start3A_649 = arith.constant 0 : i32
        %dma_start3A_650 = tpu.memref_slice %arg10[%dma_start3A_648, %dma_start3A_649] : memref<512x64xf32, #tpu.memory_space<vmem>> -> memref<16x64xf32, #tpu.memory_space<vmem>>
        %dma_start3A_651 = arith.constant 0 : i32
        %dma_start3A_652 = arith.constant 0 : i32
        %dma_start3A_653 = tpu.memref_slice %arg5[%dma_start3A_651, %dma_start3A_652] : memref<1000000x64xf32, #tpu.memory_space<hbm>> -> memref<1000000x64xf32, #tpu.memory_space<hbm>>
        tpu.enqueue_indirect_dma source(%dma_start3A_650 : memref<16x64xf32, #tpu.memory_space<vmem>>) target(%dma_start3A_653 : memref<1000000x64xf32, #tpu.memory_space<hbm>>) offsets(%get3A_647 : vector<16xi32>) semaphore(%arg15 : memref<!tpu.dma_semaphore, #tpu.memory_space<semaphore_mem>>)
        %add3A_654 = arith.constant 208 : i32
        %add3A_655 = arith.addi %mul3A_269, %add3A_654 : i32
        %get3A_656 = arith.index_cast %add3A_655 : i32 to index
        %get3A_657 = tpu.vector_load %arg8[%get3A_656] {strides = array<i32>} : memref<8464xi32, #tpu.memory_space<vmem>>, vector<16xi32>,
        %dma_start3A_658 = arith.constant 208 : i32
        %dma_start3A_659 = arith.constant 0 : i32
        %dma_start3A_660 = tpu.memref_slice %arg10[%dma_start3A_658, %dma_start3A_659] : memref<512x64xf32, #tpu.memory_space<vmem>> -> memref<16x64xf32, #tpu.memory_space<vmem>>
        %dma_start3A_661 = arith.constant 0 : i32
        %dma_start3A_662 = arith.constant 0 : i32
        %dma_start3A_663 = tpu.memref_slice %arg5[%dma_start3A_661, %dma_start3A_662] : memref<1000000x64xf32, #tpu.memory_space<hbm>> -> memref<1000000x64xf32, #tpu.memory_space<hbm>>
        tpu.enqueue_indirect_dma source(%dma_start3A_660 : memref<16x64xf32, #tpu.memory_space<vmem>>) target(%dma_start3A_663 : memref<1000000x64xf32, #tpu.memory_space<hbm>>) offsets(%get3A_657 : vector<16xi32>) semaphore(%arg15 : memref<!tpu.dma_semaphore, #tpu.memory_space<semaphore_mem>>)
        %add3A_664 = arith.constant 224 : i32
        %add3A_665 = arith.addi %mul3A_269, %add3A_664 : i32
        %get3A_666 = arith.index_cast %add3A_665 : i32 to index
        %get3A_667 = tpu.vector_load %arg8[%get3A_666] {strides = array<i32>} : memref<8464xi32, #tpu.memory_space<vmem>>, vector<16xi32>,
        %dma_start3A_668 = arith.constant 224 : i32
        %dma_start3A_669 = arith.constant 0 : i32
        %dma_start3A_670 = tpu.memref_slice %arg10[%dma_start3A_668, %dma_start3A_669] : memref<512x64xf32, #tpu.memory_space<vmem>> -> memref<16x64xf32, #tpu.memory_space<vmem>>
        %dma_start3A_671 = arith.constant 0 : i32
        %dma_start3A_672 = arith.constant 0 : i32
        %dma_start3A_673 = tpu.memref_slice %arg5[%dma_start3A_671, %dma_start3A_672] : memref<1000000x64xf32, #tpu.memory_space<hbm>> -> memref<1000000x64xf32, #tpu.memory_space<hbm>>
        tpu.enqueue_indirect_dma source(%dma_start3A_670 : memref<16x64xf32, #tpu.memory_space<vmem>>) target(%dma_start3A_673 : memref<1000000x64xf32, #tpu.memory_space<hbm>>) offsets(%get3A_667 : vector<16xi32>) semaphore(%arg15 : memref<!tpu.dma_semaphore, #tpu.memory_space<semaphore_mem>>)
        %add3A_674 = arith.constant 240 : i32
        %add3A_675 = arith.addi %mul3A_269, %add3A_674 : i32
        %get3A_676 = arith.index_cast %add3A_675 : i32 to index
        %get3A_677 = tpu.vector_load %arg8[%get3A_676] {strides = array<i32>} : memref<8464xi32, #tpu.memory_space<vmem>>, vector<16xi32>,
        %dma_start3A_678 = arith.constant 240 : i32
        %dma_start3A_679 = arith.constant 0 : i32
        %dma_start3A_680 = tpu.memref_slice %arg10[%dma_start3A_678, %dma_start3A_679] : memref<512x64xf32, #tpu.memory_space<vmem>> -> memref<16x64xf32, #tpu.memory_space<vmem>>
        %dma_start3A_681 = arith.constant 0 : i32
        %dma_start3A_682 = arith.constant 0 : i32
        %dma_start3A_683 = tpu.memref_slice %arg5[%dma_start3A_681, %dma_start3A_682] : memref<1000000x64xf32, #tpu.memory_space<hbm>> -> memref<1000000x64xf32, #tpu.memory_space<hbm>>
        tpu.enqueue_indirect_dma source(%dma_start3A_680 : memref<16x64xf32, #tpu.memory_space<vmem>>) target(%dma_start3A_683 : memref<1000000x64xf32, #tpu.memory_space<hbm>>) offsets(%get3A_677 : vector<16xi32>) semaphore(%arg15 : memref<!tpu.dma_semaphore, #tpu.memory_space<semaphore_mem>>)
        %dma_wait3A_684 = arith.constant 0 : i32
        %dma_wait3A_685 = arith.constant 0 : i32
        %dma_wait3A_686 = tpu.memref_slice %arg10[%dma_wait3A_684, %dma_wait3A_685] : memref<512x64xf32, #tpu.memory_space<vmem>> -> memref<16x64xf32, #tpu.memory_space<vmem>>
        %dma_wait3A_687 = arith.constant 0 : i32
        %dma_wait3A_688 = arith.constant 0 : i32
        %dma_wait3A_689 = tpu.memref_slice %arg5[%dma_wait3A_687, %dma_wait3A_688] : memref<1000000x64xf32, #tpu.memory_space<hbm>> -> memref<1000000x64xf32, #tpu.memory_space<hbm>>
        tpu.wait_indirect_dma semaphore(%arg15 : memref<!tpu.dma_semaphore, #tpu.memory_space<semaphore_mem>>) src(%dma_wait3A_686 : memref<16x64xf32, #tpu.memory_space<vmem>>) dst(%dma_wait3A_689 : memref<1000000x64xf32, #tpu.memory_space<hbm>>)
        %dma_wait3A_690 = arith.constant 16 : i32
        %dma_wait3A_691 = arith.constant 0 : i32
        %dma_wait3A_692 = tpu.memref_slice %arg10[%dma_wait3A_690, %dma_wait3A_691] : memref<512x64xf32, #tpu.memory_space<vmem>> -> memref<16x64xf32, #tpu.memory_space<vmem>>
        %dma_wait3A_693 = arith.constant 0 : i32
        %dma_wait3A_694 = arith.constant 0 : i32
        %dma_wait3A_695 = tpu.memref_slice %arg5[%dma_wait3A_693, %dma_wait3A_694] : memref<1000000x64xf32, #tpu.memory_space<hbm>> -> memref<1000000x64xf32, #tpu.memory_space<hbm>>
        tpu.wait_indirect_dma semaphore(%arg15 : memref<!tpu.dma_semaphore, #tpu.memory_space<semaphore_mem>>) src(%dma_wait3A_692 : memref<16x64xf32, #tpu.memory_space<vmem>>) dst(%dma_wait3A_695 : memref<1000000x64xf32, #tpu.memory_space<hbm>>)
        %dma_wait3A_696 = arith.constant 32 : i32
        %dma_wait3A_697 = arith.constant 0 : i32
        %dma_wait3A_698 = tpu.memref_slice %arg10[%dma_wait3A_696, %dma_wait3A_697] : memref<512x64xf32, #tpu.memory_space<vmem>> -> memref<16x64xf32, #tpu.memory_space<vmem>>
        %dma_wait3A_699 = arith.constant 0 : i32
        %dma_wait3A_700 = arith.constant 0 : i32
        %dma_wait3A_701 = tpu.memref_slice %arg5[%dma_wait3A_699, %dma_wait3A_700] : memref<1000000x64xf32, #tpu.memory_space<hbm>> -> memref<1000000x64xf32, #tpu.memory_space<hbm>>
        tpu.wait_indirect_dma semaphore(%arg15 : memref<!tpu.dma_semaphore, #tpu.memory_space<semaphore_mem>>) src(%dma_wait3A_698 : memref<16x64xf32, #tpu.memory_space<vmem>>) dst(%dma_wait3A_701 : memref<1000000x64xf32, #tpu.memory_space<hbm>>)
        %dma_wait3A_702 = arith.constant 48 : i32
        %dma_wait3A_703 = arith.constant 0 : i32
        %dma_wait3A_704 = tpu.memref_slice %arg10[%dma_wait3A_702, %dma_wait3A_703] : memref<512x64xf32, #tpu.memory_space<vmem>> -> memref<16x64xf32, #tpu.memory_space<vmem>>
        %dma_wait3A_705 = arith.constant 0 : i32
        %dma_wait3A_706 = arith.constant 0 : i32
        %dma_wait3A_707 = tpu.memref_slice %arg5[%dma_wait3A_705, %dma_wait3A_706] : memref<1000000x64xf32, #tpu.memory_space<hbm>> -> memref<1000000x64xf32, #tpu.memory_space<hbm>>
        tpu.wait_indirect_dma semaphore(%arg15 : memref<!tpu.dma_semaphore, #tpu.memory_space<semaphore_mem>>) src(%dma_wait3A_704 : memref<16x64xf32, #tpu.memory_space<vmem>>) dst(%dma_wait3A_707 : memref<1000000x64xf32, #tpu.memory_space<hbm>>)
        %dma_wait3A_708 = arith.constant 64 : i32
        %dma_wait3A_709 = arith.constant 0 : i32
        %dma_wait3A_710 = tpu.memref_slice %arg10[%dma_wait3A_708, %dma_wait3A_709] : memref<512x64xf32, #tpu.memory_space<vmem>> -> memref<16x64xf32, #tpu.memory_space<vmem>>
        %dma_wait3A_711 = arith.constant 0 : i32
        %dma_wait3A_712 = arith.constant 0 : i32
        %dma_wait3A_713 = tpu.memref_slice %arg5[%dma_wait3A_711, %dma_wait3A_712] : memref<1000000x64xf32, #tpu.memory_space<hbm>> -> memref<1000000x64xf32, #tpu.memory_space<hbm>>
        tpu.wait_indirect_dma semaphore(%arg15 : memref<!tpu.dma_semaphore, #tpu.memory_space<semaphore_mem>>) src(%dma_wait3A_710 : memref<16x64xf32, #tpu.memory_space<vmem>>) dst(%dma_wait3A_713 : memref<1000000x64xf32, #tpu.memory_space<hbm>>)
        %dma_wait3A_714 = arith.constant 80 : i32
        %dma_wait3A_715 = arith.constant 0 : i32
        %dma_wait3A_716 = tpu.memref_slice %arg10[%dma_wait3A_714, %dma_wait3A_715] : memref<512x64xf32, #tpu.memory_space<vmem>> -> memref<16x64xf32, #tpu.memory_space<vmem>>
        %dma_wait3A_717 = arith.constant 0 : i32
        %dma_wait3A_718 = arith.constant 0 : i32
        %dma_wait3A_719 = tpu.memref_slice %arg5[%dma_wait3A_717, %dma_wait3A_718] : memref<1000000x64xf32, #tpu.memory_space<hbm>> -> memref<1000000x64xf32, #tpu.memory_space<hbm>>
        tpu.wait_indirect_dma semaphore(%arg15 : memref<!tpu.dma_semaphore, #tpu.memory_space<semaphore_mem>>) src(%dma_wait3A_716 : memref<16x64xf32, #tpu.memory_space<vmem>>) dst(%dma_wait3A_719 : memref<1000000x64xf32, #tpu.memory_space<hbm>>)
        %dma_wait3A_720 = arith.constant 96 : i32
        %dma_wait3A_721 = arith.constant 0 : i32
        %dma_wait3A_722 = tpu.memref_slice %arg10[%dma_wait3A_720, %dma_wait3A_721] : memref<512x64xf32, #tpu.memory_space<vmem>> -> memref<16x64xf32, #tpu.memory_space<vmem>>
        %dma_wait3A_723 = arith.constant 0 : i32
        %dma_wait3A_724 = arith.constant 0 : i32
        %dma_wait3A_725 = tpu.memref_slice %arg5[%dma_wait3A_723, %dma_wait3A_724] : memref<1000000x64xf32, #tpu.memory_space<hbm>> -> memref<1000000x64xf32, #tpu.memory_space<hbm>>
        tpu.wait_indirect_dma semaphore(%arg15 : memref<!tpu.dma_semaphore, #tpu.memory_space<semaphore_mem>>) src(%dma_wait3A_722 : memref<16x64xf32, #tpu.memory_space<vmem>>) dst(%dma_wait3A_725 : memref<1000000x64xf32, #tpu.memory_space<hbm>>)
        %dma_wait3A_726 = arith.constant 112 : i32
        %dma_wait3A_727 = arith.constant 0 : i32
        %dma_wait3A_728 = tpu.memref_slice %arg10[%dma_wait3A_726, %dma_wait3A_727] : memref<512x64xf32, #tpu.memory_space<vmem>> -> memref<16x64xf32, #tpu.memory_space<vmem>>
        %dma_wait3A_729 = arith.constant 0 : i32
        %dma_wait3A_730 = arith.constant 0 : i32
        %dma_wait3A_731 = tpu.memref_slice %arg5[%dma_wait3A_729, %dma_wait3A_730] : memref<1000000x64xf32, #tpu.memory_space<hbm>> -> memref<1000000x64xf32, #tpu.memory_space<hbm>>
        tpu.wait_indirect_dma semaphore(%arg15 : memref<!tpu.dma_semaphore, #tpu.memory_space<semaphore_mem>>) src(%dma_wait3A_728 : memref<16x64xf32, #tpu.memory_space<vmem>>) dst(%dma_wait3A_731 : memref<1000000x64xf32, #tpu.memory_space<hbm>>)
        %dma_wait3A_732 = arith.constant 128 : i32
        %dma_wait3A_733 = arith.constant 0 : i32
        %dma_wait3A_734 = tpu.memref_slice %arg10[%dma_wait3A_732, %dma_wait3A_733] : memref<512x64xf32, #tpu.memory_space<vmem>> -> memref<16x64xf32, #tpu.memory_space<vmem>>
        %dma_wait3A_735 = arith.constant 0 : i32
        %dma_wait3A_736 = arith.constant 0 : i32
        %dma_wait3A_737 = tpu.memref_slice %arg5[%dma_wait3A_735, %dma_wait3A_736] : memref<1000000x64xf32, #tpu.memory_space<hbm>> -> memref<1000000x64xf32, #tpu.memory_space<hbm>>
        tpu.wait_indirect_dma semaphore(%arg15 : memref<!tpu.dma_semaphore, #tpu.memory_space<semaphore_mem>>) src(%dma_wait3A_734 : memref<16x64xf32, #tpu.memory_space<vmem>>) dst(%dma_wait3A_737 : memref<1000000x64xf32, #tpu.memory_space<hbm>>)
        %dma_wait3A_738 = arith.constant 144 : i32
        %dma_wait3A_739 = arith.constant 0 : i32
        %dma_wait3A_740 = tpu.memref_slice %arg10[%dma_wait3A_738, %dma_wait3A_739] : memref<512x64xf32, #tpu.memory_space<vmem>> -> memref<16x64xf32, #tpu.memory_space<vmem>>
        %dma_wait3A_741 = arith.constant 0 : i32
        %dma_wait3A_742 = arith.constant 0 : i32
        %dma_wait3A_743 = tpu.memref_slice %arg5[%dma_wait3A_741, %dma_wait3A_742] : memref<1000000x64xf32, #tpu.memory_space<hbm>> -> memref<1000000x64xf32, #tpu.memory_space<hbm>>
        tpu.wait_indirect_dma semaphore(%arg15 : memref<!tpu.dma_semaphore, #tpu.memory_space<semaphore_mem>>) src(%dma_wait3A_740 : memref<16x64xf32, #tpu.memory_space<vmem>>) dst(%dma_wait3A_743 : memref<1000000x64xf32, #tpu.memory_space<hbm>>)
        %dma_wait3A_744 = arith.constant 160 : i32
        %dma_wait3A_745 = arith.constant 0 : i32
        %dma_wait3A_746 = tpu.memref_slice %arg10[%dma_wait3A_744, %dma_wait3A_745] : memref<512x64xf32, #tpu.memory_space<vmem>> -> memref<16x64xf32, #tpu.memory_space<vmem>>
        %dma_wait3A_747 = arith.constant 0 : i32
        %dma_wait3A_748 = arith.constant 0 : i32
        %dma_wait3A_749 = tpu.memref_slice %arg5[%dma_wait3A_747, %dma_wait3A_748] : memref<1000000x64xf32, #tpu.memory_space<hbm>> -> memref<1000000x64xf32, #tpu.memory_space<hbm>>
        tpu.wait_indirect_dma semaphore(%arg15 : memref<!tpu.dma_semaphore, #tpu.memory_space<semaphore_mem>>) src(%dma_wait3A_746 : memref<16x64xf32, #tpu.memory_space<vmem>>) dst(%dma_wait3A_749 : memref<1000000x64xf32, #tpu.memory_space<hbm>>)
        %dma_wait3A_750 = arith.constant 176 : i32
        %dma_wait3A_751 = arith.constant 0 : i32
        %dma_wait3A_752 = tpu.memref_slice %arg10[%dma_wait3A_750, %dma_wait3A_751] : memref<512x64xf32, #tpu.memory_space<vmem>> -> memref<16x64xf32, #tpu.memory_space<vmem>>
        %dma_wait3A_753 = arith.constant 0 : i32
        %dma_wait3A_754 = arith.constant 0 : i32
        %dma_wait3A_755 = tpu.memref_slice %arg5[%dma_wait3A_753, %dma_wait3A_754] : memref<1000000x64xf32, #tpu.memory_space<hbm>> -> memref<1000000x64xf32, #tpu.memory_space<hbm>>
        tpu.wait_indirect_dma semaphore(%arg15 : memref<!tpu.dma_semaphore, #tpu.memory_space<semaphore_mem>>) src(%dma_wait3A_752 : memref<16x64xf32, #tpu.memory_space<vmem>>) dst(%dma_wait3A_755 : memref<1000000x64xf32, #tpu.memory_space<hbm>>)
        %dma_wait3A_756 = arith.constant 192 : i32
        %dma_wait3A_757 = arith.constant 0 : i32
        %dma_wait3A_758 = tpu.memref_slice %arg10[%dma_wait3A_756, %dma_wait3A_757] : memref<512x64xf32, #tpu.memory_space<vmem>> -> memref<16x64xf32, #tpu.memory_space<vmem>>
        %dma_wait3A_759 = arith.constant 0 : i32
        %dma_wait3A_760 = arith.constant 0 : i32
        %dma_wait3A_761 = tpu.memref_slice %arg5[%dma_wait3A_759, %dma_wait3A_760] : memref<1000000x64xf32, #tpu.memory_space<hbm>> -> memref<1000000x64xf32, #tpu.memory_space<hbm>>
        tpu.wait_indirect_dma semaphore(%arg15 : memref<!tpu.dma_semaphore, #tpu.memory_space<semaphore_mem>>) src(%dma_wait3A_758 : memref<16x64xf32, #tpu.memory_space<vmem>>) dst(%dma_wait3A_761 : memref<1000000x64xf32, #tpu.memory_space<hbm>>)
        %dma_wait3A_762 = arith.constant 208 : i32
        %dma_wait3A_763 = arith.constant 0 : i32
        %dma_wait3A_764 = tpu.memref_slice %arg10[%dma_wait3A_762, %dma_wait3A_763] : memref<512x64xf32, #tpu.memory_space<vmem>> -> memref<16x64xf32, #tpu.memory_space<vmem>>
        %dma_wait3A_765 = arith.constant 0 : i32
        %dma_wait3A_766 = arith.constant 0 : i32
        %dma_wait3A_767 = tpu.memref_slice %arg5[%dma_wait3A_765, %dma_wait3A_766] : memref<1000000x64xf32, #tpu.memory_space<hbm>> -> memref<1000000x64xf32, #tpu.memory_space<hbm>>
        tpu.wait_indirect_dma semaphore(%arg15 : memref<!tpu.dma_semaphore, #tpu.memory_space<semaphore_mem>>) src(%dma_wait3A_764 : memref<16x64xf32, #tpu.memory_space<vmem>>) dst(%dma_wait3A_767 : memref<1000000x64xf32, #tpu.memory_space<hbm>>)
        %dma_wait3A_768 = arith.constant 224 : i32
        %dma_wait3A_769 = arith.constant 0 : i32
        %dma_wait3A_770 = tpu.memref_slice %arg10[%dma_wait3A_768, %dma_wait3A_769] : memref<512x64xf32, #tpu.memory_space<vmem>> -> memref<16x64xf32, #tpu.memory_space<vmem>>
        %dma_wait3A_771 = arith.constant 0 : i32
        %dma_wait3A_772 = arith.constant 0 : i32
        %dma_wait3A_773 = tpu.memref_slice %arg5[%dma_wait3A_771, %dma_wait3A_772] : memref<1000000x64xf32, #tpu.memory_space<hbm>> -> memref<1000000x64xf32, #tpu.memory_space<hbm>>
        tpu.wait_indirect_dma semaphore(%arg15 : memref<!tpu.dma_semaphore, #tpu.memory_space<semaphore_mem>>) src(%dma_wait3A_770 : memref<16x64xf32, #tpu.memory_space<vmem>>) dst(%dma_wait3A_773 : memref<1000000x64xf32, #tpu.memory_space<hbm>>)
        %dma_wait3A_774 = arith.constant 240 : i32
        %dma_wait3A_775 = arith.constant 0 : i32
        %dma_wait3A_776 = tpu.memref_slice %arg10[%dma_wait3A_774, %dma_wait3A_775] : memref<512x64xf32, #tpu.memory_space<vmem>> -> memref<16x64xf32, #tpu.memory_space<vmem>>
        %dma_wait3A_777 = arith.constant 0 : i32
        %dma_wait3A_778 = arith.constant 0 : i32
        %dma_wait3A_779 = tpu.memref_slice %arg5[%dma_wait3A_777, %dma_wait3A_778] : memref<1000000x64xf32, #tpu.memory_space<hbm>> -> memref<1000000x64xf32, #tpu.memory_space<hbm>>
        tpu.wait_indirect_dma semaphore(%arg15 : memref<!tpu.dma_semaphore, #tpu.memory_space<semaphore_mem>>) src(%dma_wait3A_776 : memref<16x64xf32, #tpu.memory_space<vmem>>) dst(%dma_wait3A_779 : memref<1000000x64xf32, #tpu.memory_space<hbm>>)
        %while3A_780 = arith.constant 0 : i32
        scf.yield %while3A_780 : i32
      }
    } else {
    }
    return
  }
}

</mosaic_0001>

<sc_bundles>
// kernel: kernel.3.cloned.1.call-start
scs
__scs_entry_jumppad:
0x0: {  	(pc) =	sbr.rel $0x88, $3  }
0x1: {  	(tag) =	ssettag $0x0;
	lr =	simm.s32 $0x1  }
0x2: {  	[smem:$0x3F9E] =	sst lr;
	_ =	strace $0xD0000000  }
0x3: {  	_ = 	snop  }
0x4: {  	_ = 	snop  }
0x5: {  	_ = 	snop  }
0x6: {  	_ = 	snop  }
0x7: {  	_ = 	snop  }
__scs_overlays_trampoline_lowered:
0x8: {  	[smem:$0x3FAD] =	sst s0  }
0x9: {  	[smem:$0x3FAE] =	sst s1  }
0xa: {  	[smem:$0x3FAF] =	sst s2  }
0xb: {  	[smem:$0x3FB0] =	sst s3  }
0xc: {  	[smem:$0x3FB1] =	sst s4  }
0xd: {  	[smem:$0x3FB2] =	sst s5  }
0xe: {  	[smem:$0x3FB3] =	sst s6  }
0xf: {  	[smem:$0x3FB4] =	sst s7  }
0x10: {  	[smem:$0x3FB5] =	sst s8  }
0x11: {  	[smem:$0x3FB6] =	sst s9;
	s0 =	simm.s32 @!p0 $0x0  }
0x12: {  	s1 =	sld [smem:$0x3F9C];
	s0 =	simm.s32 @p0 $0x1  }
0x13: {  	[smem:$0x3FB7] =	sst s0;
	s0 =	simm.s32 @!p1 $0x0  }
0x14: {  	s2 =	sld [smem:$0x3F9B];
	s0 =	simm.s32 @p1 $0x1  }
0x15: {  	[smem:$0x3FB8] =	sst s0;
	s0 =	simm.s32 @!p2 $0x0  }
0x16: {  	s3 =	sld [smem:$0x3FDB];
	s0 =	simm.s32 @p2 $0x1  }
0x17: {  	s4 =	simm.s32 $0x1BF5;
	[smem:$0x3FBA] =	sst s0  }
0x18: {  	s0 =	sld [smem:$0x3F9D];
	_ =	swait.ge [sflag:s4], $0x0  }
0x19: {  	s7 =	sld [smem:$0x3F9E]  }
0x1a: {  	s8 =	sadd.s32 $0xFFFFE003, lr  }
0x1b: {  	s9 =	sadd.s32 $0xFFFFFEF7, lr;
	s5 =	simm.s32 $0xFFFFFFFF;
	p2 =	slt.u32 s8, $0xFFFFF086  }
0x1c: {  	p1 =	slt.u32 s9, $0xF7A;
	s5 =	simm.s32 @!p2 $0x0  }
0x1d: {  	s5 =	simm.s32 @p1 $0x1;
	p0 =	seq.s32 s7, s2  }
0x1e: {  	s7 =	smul.u32 @!p0 $0xF7A, s2;
	p2 =	seq.s32 @!p0 s5, $0x0  }
0x1f: {  	s9 =	smul.u32 $0xF7A, s1;
	s8 =	simm.s32 @!p0 $0x1BF5;
	p2 =	por !p2, p0  }
0x20: {  	[sflag:s8] =	ssyncset.s32 @!p0 $0xFFFFF086;
	s6 =	sadd.s32 @!p0 s3, s7;
	s7 =	simm.s32 @!p0 $0x108  }
0x21: {  	s3 =	sadd.s32 s3, s9;
	s6 =	sadd.s32 @!p0 $0x88, s6;
	s7 =	simm.s32 @p2 $0x1082  }
0x22: {  	[simem:s7], [sflag:s8] =	dma.local @!p0 [hbm:s6], $0xF7A  }
0x23: {  	s9 =	sor.u32 $0xD0000000, s2;
	s6 =	simm.s32 $0x108;
	_ =	swait.ge @!p0 [sflag:s8], $0x0  }
0x24: {  	s3 =	sadd.s32 $0x88, s3;
	s6 =	simm.s32 @!p1 $0x1082;
	[sflag:s4] =	ssyncset.s32 $0xFFFFF086  }
0x25: {  	[simem:s6], [sflag:s4] =	dma.local [hbm:s3], $0xF7A  }
0x26: {  	[smem:$0x3F9E] =	sst s1;
	(tag) =	ssettag s2;
	_ =	strace s9  }
0x27: {  	s1 =	sld [smem:$0x3FAE]  }
0x28: {  	s2 =	sld [smem:$0x3FAF]  }
0x29: {  	s4 =	sld [smem:$0x3FB1]  }
0x2a: {  	p0 =	seq.s32 s5, $0x0;
	s5 =	sld [smem:$0x3FB2]  }
0x2b: {  	s6 =	sld [smem:$0x3FB3]  }
0x2c: {  	s7 =	sld [smem:$0x3FB4]  }
0x2d: {  	s3 =	simm.s32 $0x108;
	s8 =	sld [smem:$0x3FB5]  }
0x2e: {  	s3 =	simm.s32 @!p0 $0x1082;
	s9 =	sld [smem:$0x3FB6]  }
0x2f: {  	lr =	sadd.s32 s0, s3;
	s0 =	sld [smem:$0x3FAD]  }
0x30: {  	s3 =	sld [smem:$0x3FB0]  }
0x31: {  	[smem:$0x3FB9] =	sst s10  }
0x32: {  	s10 =	sld [smem:$0x3FB7];
	_ =	sdelay $0x3  }
0x33: {  	p0 =	seq.s32 s10, $0x1;
	s10 =	sld [smem:$0x3FB9];
	_ =	sdelay $0x3  }
0x34: {  	[smem:$0x3FB9] =	sst s10  }
0x35: {  	s10 =	sld [smem:$0x3FB8];
	_ =	sdelay $0x3  }
0x36: {  	p1 =	seq.s32 s10, $0x1;
	s10 =	sld [smem:$0x3FB9];
	_ =	sdelay $0x3  }
0x37: {  	[smem:$0x3FB9] =	sst s10  }
0x38: {  	s10 =	sld [smem:$0x3FBA]  }
0x39: {  	_ = 	snop;
	(pc) =	sbr.ind lr, $3  }
0x3a: {  	_ = 	snop  }
0x3b: {  	_ = 	snop  }
0x3c: {  	p2 =	seq.s32 s10, $0x1;
	s10 =	sld [smem:$0x3FB9]  }
0x3d: {  	_ =	shalt  }
0x3e: {  	_ =	shalt  }
0x3f: {  	_ =	shalt  }
0x40: {  	_ =	shalt  }
0x41: {  	_ =	shalt  }
0x42: {  	_ =	shalt  }
0x43: {  	_ =	shalt  }
0x44: {  	_ =	shalt  }
0x45: {  	_ =	shalt  }
0x46: {  	_ =	shalt  }
0x47: {  	_ =	shalt  }
0x48: {  	_ =	shalt  }
0x49: {  	_ =	shalt  }
0x4a: {  	_ =	shalt  }
0x4b: {  	_ =	shalt  }
0x4c: {  	_ =	shalt  }
0x4d: {  	_ =	shalt  }
0x4e: {  	_ =	shalt  }
0x4f: {  	_ =	shalt  }
0x50: {  	_ =	shalt  }
0x51: {  	_ =	shalt  }
0x52: {  	_ =	shalt  }
0x53: {  	_ =	shalt  }
0x54: {  	_ =	shalt  }
0x55: {  	_ =	shalt  }
0x56: {  	_ =	shalt  }
0x57: {  	_ =	shalt  }
0x58: {  	_ =	shalt  }
0x59: {  	_ =	shalt  }
0x5a: {  	_ =	shalt  }
0x5b: {  	_ =	shalt  }
0x5c: {  	_ =	shalt  }
0x5d: {  	_ =	shalt  }
0x5e: {  	_ =	shalt  }
0x5f: {  	_ =	shalt  }
0x60: {  	_ =	shalt  }
0x61: {  	_ =	shalt  }
0x62: {  	_ =	shalt  }
0x63: {  	_ =	shalt  }
0x64: {  	_ =	shalt  }
0x65: {  	_ =	shalt  }
0x66: {  	_ =	shalt  }
0x67: {  	_ =	shalt  }
0x68: {  	_ =	shalt  }
0x69: {  	_ =	shalt  }
0x6a: {  	_ =	shalt  }
0x6b: {  	_ =	shalt  }
0x6c: {  	_ =	shalt  }
0x6d: {  	_ =	shalt  }
0x6e: {  	_ =	shalt  }
0x6f: {  	_ =	shalt  }
0x70: {  	_ =	shalt  }
0x71: {  	_ =	shalt  }
0x72: {  	_ =	shalt  }
0x73: {  	_ =	shalt  }
0x74: {  	_ =	shalt  }
0x75: {  	_ =	shalt  }
0x76: {  	_ =	shalt  }
0x77: {  	_ =	shalt  }
0x78: {  	_ =	shalt  }
0x79: {  	_ =	shalt  }
0x7a: {  	_ =	shalt  }
0x7b: {  	_ =	shalt  }
0x7c: {  	_ =	shalt  }
0x7d: {  	_ =	shalt  }
0x7e: {  	_ =	shalt  }
0x7f: {  	_ =	shalt  }
0x80: {  	_ =	shalt  }
0x81: {  	_ =	shalt  }
0x82: {  	_ =	shalt  }
0x83: {  	_ =	shalt  }
0x84: {  	_ =	shalt  }
0x85: {  	_ =	shalt  }
0x86: {  	_ =	shalt  }
0x87: {  	_ =	shalt  }
.Lfunc_end0:
.L_simem_size_0:
called_computation.1_lowered:
.L_overlay_start_0:
0x88: {  	s2 =	sld [smem:$0x3FD9]  }
0x89: {  	s3 =	sld [smem:$0x3FFE];
	_ =	sdelay $0x1  }
0x8a: {  	s1 =	srdreg.scid  }
0x8b: {  	s0 =	sand.u32 $0x1, s1  }
0x8c: {  	s17 =	sshll.u32 s0, $0xA;
	s2 =	sadd.s32 s3, s2  }
0x8d: {  	s2 =	sadd.s32 s2, s17  }
0x8e: {  	[smem:$0x3FC5] =	sst s2  }
0x8f: {  	_ = 	snop  }
0x90: {  	s2 =	sld [smem:$0x3FC8]  }
0x91: {  	s18 =	sld [smem:$0x3FD0];
	(tm) =	ssettm $0x1  }
0x92: {  	s4 =	sld [smem:$0x3FFB];
	_ =	sdelay $0x3  }
0x93: {  	_ =	strace s4  }
0x94: {  	s4 =	sld [smem:$0x3FFC];
	_ =	sdelay $0x3  }
0x95: {  	_ =	strace s4  }
0x96: {  	s4 =	sld [smem:$0x3FFD];
	_ =	sdelay $0x3  }
0x97: {  	_ =	strace s4  }
0x98: {  	_ =	strace $0x8FFFFFFF  }
0x99: {  	s19 =	sld [smem:$0x3FDB];
	_ =	sdelay $0x1  }
0x9a: {  	s5 =	simm.s32 $_scs_section_size  }
0x9b: {  	s6 =	simm.s32 $_size__tile_overlayer_lowered;
	s7 =	simm.s32 $_tile_overlayer_lowered  }
0x9c: {  	s22 =	simm.s32 $0x1BFF;
	s21 =	sshll.u32 s7, $0x1;
	s4 =	sadd.s32 s5, s19  }
0x9d: {  	s8 =	simm.s32 $0x0;
	s20 =	sshll.u32 s6, $0x1;
	s6 =	sadd.s32 s21, s4  }
0x9e: {  	[timem:s8], [sflag:s22] =	dma.local [hbm:s6], s20  }
0x9f: {  	_ =	swait.ge [sflag:s22], s20  }
0xa0: {  	s5 =	ssub.s32 $0x0, s20;
	[sflag:s22] =	ssyncset.done $0x0  }
0xa1: {  	[sflag:s22] =	ssyncadd.s32 s5;
	_ =	sdelay $0x1  }
0xa2: {  	s23 =	simm.s32 $0x1B8B  }
0xa3: {  	_ =	swait.ge [sflag:s23], $0x1  }
0xa4: {  	[sflag:s23] =	ssyncset.done $0x0  }
0xa5: {  	s25 =	simm.s32 $0x1B8E;
	s24 =	sld [smem:$0x3FFE];
	[sflag:s23] =	ssyncadd.s32 $0xFFFFFFFF  }
0xa6: {  	s26 =	simm.s32 $execute0_lowered;
	[smem:$0x3FD2] =	sst s25  }
0xa7: {  	s6 =	sshll.u32 s26, $0x1;
	_ =	strace $0x80000046;
	[dreg:$0x1] =	wrdreg $0xFFFFFFFF  }
0xa8: {  	s28 =	simm.s32 $_size_execute0_lowered;
	s4 =	sadd.s32 s4, s6;
	[dreg:$0x0] =	wrdreg $0x0  }
0xa9: {  	s6 =	sshll.u32 s28, $0x1;
	[dreg:$0x2] =	wrdreg s4  }
0xaa: {  	[dreg:$0x3] =	wrdreg s6  }
0xab: {  	[dreg:$0x4] =	wrdreg $0xC0  }
0xac: {  	_ =	task [dreg:s8], $0x5FFFF  }
0xad: {  	[dreg:$0x1] =	wrdreg $0xFFFFFFFF  }
0xae: {  	[dreg:$0x0] =	wrdreg $0x60  }
0xaf: {  	[dreg:$0x2] =	wrdreg s2  }
0xb0: {  	[dreg:$0x3] =	wrdreg s24  }
0xb1: {  	[dreg:$0x4] =	wrdreg s18  }
0xb2: {  	[dreg:$0x5] =	wrdreg $0x9  }
0xb3: {  	_ =	task.clear_ibuf [dreg:s8], $0x6FFFF;
	_ =	strace $0x90000046  }
0xb4: {  	s29 =	simm.s32 $0x9;
	_ =	strace $0x80000048  }
0xb5: {  	_ =	swait.ge [sflag:s29], $0x1  }
0xb6: {  	[sflag:s29] =	ssyncadd.s32 $0xFFFFFFFF  }
0xb7: {  	_ =	strace $0x90000048  }
0xb8: {  	_ =	sfence  }
0xb9: {  	s30 =	sld [smem:$0x0];
	_ =	sdelay $0x2  }
0xba: {  	s31 =	sshll.u32 s1, $0xD;
	s1 =	sshrl.u32 s1, $0x2  }
0xbb: {  	s3 =	sand.u32 $0x4000, s31;
	s1 =	sadd.s32 s1, s30  }
0xbc: {  	s0 =	sor.u32 s3, s0;
	s1 =	sshll.u32 s1, $0x11  }
0xbd: {  	s0 =	sor.u32 s1, s0  }
0xbe: {  	s0 =	sadd.s32 $0x8F2B, s0  }
0xbf: {  	[sflag:s0] =	ssyncadd.remote.s32 $0x1  }
0xc0: {  	_ =	sfence.sel $0xFFFF  }
0xc1: {  	[dreg:$0x0] =	wrdreg $0xFFFFFFFF;
	(pc) =	sbr.abs _section_cstart, $3  }
0xc2: {  	[dreg:$0x1] =	wrdreg $0xFFFFFFFF  }
0xc3: {  	_ =	task.clear_ibuf [dreg:s8], $0x2FFFF;
	_ =	strace $0x9FFFFFFF  }
0xc4: {  	(tm) =	ssettm $0x7FFFFFFF  }
0xc5: {  	_ =	shalt  }
tec
execute0_lowered:
.L_overlay_start_1:
0x0: {  	(tag) =	ssettag $0x1  }
0x1: {  	s0 =	rddreg [dreg:$0x1];
	s1 =	srdreg.scid  }
0x2: {  	s11 =	stileid.u32;
	s2 =	rddreg [dreg:$0x2];
	s3 =	simm.s32 $0x0  }
0x3: {  	s28 =	simm.s32 $0x11040;
	s29 =	simm.s32 $0x11440;
	s30 =	simm.s32 $0x11840  }
0x4: {  	s31 =	simm.s32 $0x11C40;
	s13 =	simm.s32 $0x0;
	s1 =	sand.u32 $0x1, s1  }
0x5: {  	s4 =	sshll.u32 s11, $0x1;
	[smem:$0x7FF] =	sst s3;
	s18 =	smul.u32 $0xF440, s11  }
0x6: {  	s5 =	sadd.s32 $0x20A00, s0;
	s21 =	sadd.s32 $0x7A0F00, s2;
	s22 =	smul.u32 $0x7A200, s11  }
0x7: {  	s11 =	simm.s32 $0x3;
	s6 =	sor.u32 s1, s4;
	_ =	strace $0x80000047  }
0x8: {  	s4 =	sadd.s32 $0xA00, s0;
	s8 =	ssub.s32 $0x2, s1;
	s20 =	smul.u32 $0x7A20, s1  }
0x9: {  	[dreg:$0x9] =	wrdreg s21;
	s0 =	sadd.s32 $0x7C1900, s0;
	s24 =	smul.u32 $0x3D100, s1  }
0xa: {  	s21 =	simm.s32 $0x1;
	s1 =	simm.s32 $0x12840;
	s7 =	smul.u32 $0x1E8800, s6  }
0xb: {  	s9 =	sshrl.u32 s8, $0x1;
	s12 =	smul.u32 $0x7A20, s6;
	[dreg:$0xa] =	wrdreg s0  }
0xc: {  	s26 =	sadd.s32 s22, s5;
	p0 =	seq.s32 s6, $0x1F;
	s0 =	simm.s32 $0x12440  }
0xd: {  	s8 =	ssub.s32 s8, s9;
	s25 =	sadd.s32 s20, s18;
	s15 =	sadd.s32 s24, s26  }
0xe: {  	s18 =	simm.s32 $0x4000;
	s20 =	simm.s32 $0x17C40;
	s26 =	simm.s32 $0x10C40  }
0xf: {  	s7 =	sshrl.u32 s7, $0x3;
	s23 =	smax.u32 s8, $0x1;
	[dreg:$0xc] =	wrdreg s25  }
0x10: {  	s25 =	simm.s32 $0x10840;
	[dreg:$0x4] =	wrdreg s12;
	s17 =	sadd.s32 $0x3C000, s7  }
0x11: {  	s8 =	simm.s32 $0x13040;
	[dreg:$0xb] =	wrdreg s23;
	s10 =	sadd.s32 s2, s17  }
0x12: {  	s7 =	sadd.s32 $0x3D000, s7;
	s9 =	sadd.s32 s5, s17;
	[dreg:$0x5] =	wrdreg s10  }
.Ltmp0:
0x13: {  	s19 =	sadd.s32 s2, s7;
	[dreg:$0x6] =	wrdreg s9;
	(pc) =	sbr.rel .LBB2_1-.Ltmp0, $4  }
0x14: {  	v0 =	vmov s12;
	s12 =	simm.s32 $0x4;
	s7 =	sadd.s32 s5, s7;
	[dreg:$0x7] =	wrdreg s19  }
0x15: {  	s2 =	sadd.s32 s22, s2;
	s22 =	simm.s32 $0x2;
	[dreg:$0x8] =	wrdreg s7  }
0x16: {  	v1 =	vlaneseq.u32;
	s16 =	sadd.s32 s24, s2;
	s19 =	simm.s32 $0xFC40;
	s2 =	simm.s32 $0x12040  }
0x17: {  	v2 =	vimm.s32 $0x0;
	vm0 =	vmmov $0xffff;
	v3 =	vadd.s32 $0x1, v1;
	s7 =	simm.s32 $0x12C40;
	s9 =	simm.s32 $0x13440;
	s10 =	simm.s32 $0x13840  }
.LBB2_12:
0x18: {  	s13 =	rddreg [dreg:$0xd]  }
0x19: {  	s6 =	rddreg [dreg:$0xb];
	s13 =	sadd.s32 $0x1, s13  }
0x1a: {  	p1 =	sne.s32 s13, s6  }
.Ltmp1:
0x1b: {  	_ = 	snop;
	(pc) =	sbr.rel @!p1 .LBB2_13-.Ltmp1, $1  }
0x1c: {  	_ =	sdelay $0x3  }
.LBB2_1:
0x1d: {  	[dreg:$0xd] =	wrdreg s13  }
0x1e: {  	s6 =	rddreg [dreg:$0x0];
	s24 =	simm.s32 $0x5  }
0x1f: {  	[tilespmem:s3], [sflag:$0x5] =	stream.linear.gather [hbm4b:s6+s3], $0x4000, $0x38;
	[tilespmem:$0x1FC40] =	vst v63  }
0x20: {  	_ =	swait.ge [sflag:s24], $0x4000  }
0x21: {  	[sflag:s24] =	ssyncset.done $0x0  }
0x22: {  	s13 =	simm.s32 $0x0;
	s6 =	simm.s32 $0x40;
	[sflag:s24] =	ssyncadd.s32 $0xFFFFC000  }
.LBB2_2:
0x23: {  	p1 =	sne.s32 s6, $0x1E840;
	[tilespmem:s13+$0x4000] =	vst v2;
	s13 =	smov.u32 s6;
	s6 =	sadd.s32 $0x40, s6  }
.Ltmp2:
0x24: {  	(pc) =	sbr.rel @p1 .LBB2_2-.Ltmp2, $2  }
0x25: {  	_ =	sdelay $0x2  }
0x26: {  	s13 =	sshra.s32 s13, $0x2  }
0x27: {  	[tilespmem:s13+$0x4000] =	vst v2;
	s6 =	simm.s32 $0x0  }
0x28: {  	s17 =	simm.s32 $0x10;
	s14 =	simm.s32 $0x0;
	s13 =	simm.s32 $0x0;
	v4 =	vld [tilespmem:s6+$0x0]  }
.LBB2_4:
0x29: {  	p1 =	sne.s32 s17, $0x3FF0;
	_ =	sdelay $0x3  }
0x2a: {  	v4 =	vsub.s32 v4, v0  }
0x2b: {  	vm1 =	vlt.u32 v4, $0x7A20  }
0x2c: {  	v4 =	vnsel vm1, $0x0, v4;
	_ =	sdelay $0x1  }
.Ltmp3:
0x2d: {  	(pc) =	sbr.rel @p1 .LBB2_4-.Ltmp3, $4  }
0x2e: {  	_ = 	snop  }
0x2f: {  	v5 =	vadd.s32 s14, v3;
	s14 =	smov.u32 s17  }
0x30: {  	s13 =	sadd.s32 $0x10, s13;
	[tilespmem:v4+s18+$0x0] =	vst.idx.msk vm1, v5  }
0x31: {  	s17 =	sadd.s32 $0x10, s17;
	v4 =	vld [tilespmem:s13+$0x0]  }
0x32: {  	_ =	sdelay $0x3  }
0x33: {  	v4 =	vsub.s32 v4, v0  }
0x34: {  	vm1 =	vlt.u32 v4, $0x7A20  }
0x35: {  	v4 =	vnsel vm1, $0x0, v4;
	_ =	sdelay $0x3  }
0x36: {  	v5 =	vadd.s32 s14, v3  }
0x37: {  	s13 =	simm.s32 $0x0;
	[tilespmem:v4+s18+$0x0] =	vst.idx.msk vm1, v5  }
0x38: {  	v4 =	vld [tilespmem:s13+$0x4000];
	_ =	sdelay $0x4  }
0x39: {  	vm1 =	vgt.s32 v4, $0x0  }
0x3a: {  	v5 =	vsel vm1, $0x1, v2  }
0x3b: {  	(xrf0) =	vadd.scan.msk.s32 $0xffff, v5;
	_ =	sdelay $0x5  }
0x3c: {  	v6, _, _ =	vpop (xrf0)  }
0x3d: {  	p1 =	por $0x1, $0x1;
	s14 =	rddreg [dreg:$0xc];
	s13 =	simm.s32 $0x0;
	(v2sf) =	vpush v6, $0xF  }
0x3e: {  	s13 =	simm.s32 @!p1 $0x2000;
	v5 =	vor.u32 s14, v1  }
0x3f: {  	v4 =	vadd.s32 $0xFFFFFFFF, v4;
	[tilespmem:s13+$0xBA20] =	vst.msk vm1, v5  }
0x40: {  	s17 =	simm.s32 $0x80;
	[tilespmem:s13+$0xDB30] =	vst.msk vm1, v4;
	s13 =	simm.s32 $0x10  }
.LBB2_6:
0x41: {  	p1 =	sne.s32 s17, $0x1E840;
	v4 =	vld [tilespmem:s13+$0x4000];
	_ =	sdelay $0x4  }
0x42: {  	vm1 =	vgt.s32 v4, $0x0;
	v4 =	vadd.s32 $0xFFFFFFFF, v4  }
0x43: {  	v5 =	vsel vm1, $0x1, v2  }
0x44: {  	(xrf0) =	vadd.scan.msk.s32 $0xffff, v5;
	_ =	sdelay $0x3  }
0x45: {  	s13 =	spop (v2sf)  }
0x46: {  	s14 =	sadd.s32 $0x10, s14;
	s6 =	sadd.s32 s6, s13  }
.Ltmp4:
0x47: {  	p2 =	slt.s32 s6, $0x2000;
	v5, _, _ =	vpop (xrf0);
	s13 =	smov.u32 s6;
	(pc) =	sbr.rel @p1 .LBB2_6-.Ltmp4, $4  }
0x48: {  	v6 =	vor.u32 s14, v1;
	s13 =	simm.s32 @!p2 $0x2000;
	(v2sf) =	vpush v5, $0xF  }
0x49: {  	[tilespmem:s13+$0xBA20] =	vst.msk vm1, v6  }
0x4a: {  	[tilespmem:s13+$0xDB30] =	vst.msk vm1, v4  }
0x4b: {  	s13 =	sshra.s32 s17, $0x2;
	s17 =	sadd.s32 $0x40, s17  }
0x4c: {  	v4 =	vld [tilespmem:s13+$0x4000];
	_ =	sdelay $0x4  }
0x4d: {  	vm1 =	vgt.s32 v4, $0x0  }
0x4e: {  	v5 =	vsel vm1, $0x1, v2  }
0x4f: {  	(xrf0) =	vadd.scan.msk.s32 $0xffff, v5;
	_ =	sdelay $0x5  }
0x50: {  	v5, _, _ =	vpop (xrf0)  }
0x51: {  	(v2sf) =	vpush v5, $0xF;
	_ =	sdelay $0x5  }
0x52: {  	s23 =	spop (v2sf)  }
0x53: {  	s6 =	sadd.s32 s6, s23  }
0x54: {  	s24 =	sadd.s32 $0x10, s14;
	p1 =	slt.s32 s6, $0x2000;
	s14 =	smov.u32 s6  }
0x55: {  	v5 =	vor.u32 s24, v1;
	s14 =	simm.s32 @!p1 $0x2000  }
0x56: {  	v4 =	vadd.s32 $0xFFFFFFFF, v4;
	[tilespmem:s14+$0xBA20] =	vst.msk vm1, v5  }
0x57: {  	s17 =	sadd.s32 $0x0, s16;
	[tilespmem:s14+$0xDB30] =	vst.msk vm1, v4  }
0x58: {  	[tilespmem:s19], [sflag:$0x1] =	stream.linear.gather [hbm4b:s17+s3], $0x8000, $0x38;
	[tilespmem:$0x1FC40] =	vst v63  }
0x59: {  	s13 =	sadd.s32 $0x1000, s17  }
0x5a: {  	[tilespmem:s20], [sflag:$0x1] =	stream.linear.gather [hbm4b:s13+s3], $0x8000, $0x38;
	[tilespmem:$0x1FC40] =	vst v63  }
0x5b: {  	s23 =	spop (v2sf)  }
0x5c: {  	_ =	swait.ge [sflag:s21], $0x8000  }
0x5d: {  	[sflag:s21] =	ssyncset.done $0x0  }
0x5e: {  	s24 =	sadd.s32 $0x0, s15;
	[sflag:s21] =	ssyncadd.s32 $0xFFFF8000  }
0x5f: {  	[hbm4b:s24+s3] =	stream.linear.scatter [tilespmem:s19], [sflag:$0x2], $0x8000, $0x38;
	[tilespmem:$0x1FC40] =	vst v63  }
0x60: {  	_ =	swait.ge [sflag:s21], $0x8000  }
0x61: {  	[sflag:s21] =	ssyncset.done $0x0  }
0x62: {  	s13 =	sadd.s32 $0x1000, s24;
	[sflag:s21] =	ssyncadd.s32 $0xFFFF8000  }
0x63: {  	[hbm4b:s13+s3] =	stream.linear.scatter [tilespmem:s20], [sflag:$0x2], $0x8000, $0x38;
	[tilespmem:$0x1FC40] =	vst v63  }
0x64: {  	_ =	swait.ge [sflag:s22], $0x8000  }
0x65: {  	[sflag:s22] =	ssyncset.done $0x0  }
0x66: {  	[sflag:s22] =	ssyncadd.s32 $0xFFFF8000  }
0x67: {  	s14 =	simm.s32 $0x2000;
	_ =	swait.ge [sflag:s22], $0x8000  }
0x68: {  	s6 =	sadd.s32 s6, s23;
	s13 =	simm.s32 $0x4000;
	[sflag:s22] =	ssyncset.done $0x0  }
.LBB2_8:
0x69: {  	s17 =	sadd.s32 s14, s16  }
0x6a: {  	[sflag:s22] =	ssyncadd.s32 $0xFFFF8000;
	s23 =	smov.u32 s13;
	s24 =	sadd.s32 $0x2000, s13  }
0x6b: {  	[tilespmem:s19], [sflag:$0x1] =	stream.linear.gather [hbm4b:s17+s3], $0x8000, $0x38;
	[tilespmem:$0x1FC40] =	vst v63  }
0x6c: {  	p1 =	sne.s32 s13, $0x3A000;
	s13 =	sadd.s32 $0x1000, s17  }
0x6d: {  	[tilespmem:s20], [sflag:$0x1] =	stream.linear.gather [hbm4b:s13+s3], $0x8000, $0x38;
	[tilespmem:$0x1FC40] =	vst v63  }
0x6e: {  	_ =	swait.ge [sflag:s21], $0x8000  }
0x6f: {  	[sflag:s21] =	ssyncset.done $0x0  }
0x70: {  	s13 =	sadd.s32 s14, s15;
	s14 =	smov.u32 s23;
	[sflag:s21] =	ssyncadd.s32 $0xFFFF8000  }
0x71: {  	[hbm4b:s13+s3] =	stream.linear.scatter [tilespmem:s19], [sflag:$0x2], $0x8000, $0x38;
	[tilespmem:$0x1FC40] =	vst v63  }
0x72: {  	_ =	swait.ge [sflag:s21], $0x8000  }
0x73: {  	[sflag:s21] =	ssyncset.done $0x0  }
0x74: {  	s13 =	sadd.s32 $0x1000, s13;
	[sflag:s21] =	ssyncadd.s32 $0xFFFF8000  }
0x75: {  	[hbm4b:s13+s3] =	stream.linear.scatter [tilespmem:s20], [sflag:$0x2], $0x8000, $0x38;
	[tilespmem:$0x1FC40] =	vst v63  }
.Ltmp5:
0x76: {  	_ =	swait.ge [sflag:s22], $0x8000;
	(pc) =	sbr.rel @p1 .LBB2_8-.Ltmp5, $4  }
0x77: {  	[sflag:s22] =	ssyncset.done $0x0  }
0x78: {  	[sflag:s22] =	ssyncadd.s32 $0xFFFF8000  }
0x79: {  	_ =	swait.ge [sflag:s22], $0x8000  }
0x7a: {  	s13 =	smov.u32 s24;
	[sflag:s22] =	ssyncset.done $0x0  }
0x7b: {  	s13 =	sadd.s32 s14, s16;
	[sflag:s22] =	ssyncadd.s32 $0xFFFF8000  }
0x7c: {  	[tilespmem:s19], [sflag:$0x1] =	stream.linear.gather [hbm4b:s13+s3], $0x8000, $0x38;
	[tilespmem:$0x1FC40] =	vst v63  }
0x7d: {  	s13 =	sadd.s32 $0x1000, s13  }
0x7e: {  	[tilespmem:s20], [sflag:$0x1] =	stream.linear.gather [hbm4b:s13+s3], $0x8000, $0x38;
	[tilespmem:$0x1FC40] =	vst v63  }
0x7f: {  	_ =	swait.ge [sflag:s21], $0x8000  }
0x80: {  	[sflag:s21] =	ssyncset.done $0x0  }
0x81: {  	s24 =	sadd.s32 s14, s15;
	[sflag:s21] =	ssyncadd.s32 $0xFFFF8000  }
0x82: {  	[hbm4b:s24+s3] =	stream.linear.scatter [tilespmem:s19], [sflag:$0x2], $0x8000, $0x38;
	[tilespmem:$0x1FC40] =	vst v63  }
0x83: {  	_ =	swait.ge [sflag:s21], $0x8000  }
0x84: {  	[sflag:s21] =	ssyncset.done $0x0  }
0x85: {  	s13 =	sadd.s32 $0x1000, s24;
	[sflag:s21] =	ssyncadd.s32 $0xFFFF8000  }
0x86: {  	[hbm4b:s13+s3] =	stream.linear.scatter [tilespmem:s20], [sflag:$0x2], $0x8000, $0x38;
	[tilespmem:$0x1FC40] =	vst v63  }
0x87: {  	_ =	swait.ge [sflag:s22], $0x8000  }
0x88: {  	[sflag:s22] =	ssyncset.done $0x0  }
0x89: {  	[sflag:s22] =	ssyncadd.s32 $0xFFFF8000  }
0x8a: {  	_ =	swait.ge [sflag:s22], $0x8000  }
0x8b: {  	s14 =	simm.s32 @p0 $0xFC40;
	[sflag:s22] =	ssyncset.done $0x0  }
0x8c: {  	s13 =	simm.s32 @p0 $0x0;
	s17 =	rddreg [dreg:$0x9];
	[sflag:s22] =	ssyncadd.s32 $0xFFFF8000  }
0x8d: {  	[tilespmem:s14], [sflag:$0x5] =	stream.linear.gather @p0 [hbm4b:s17+s13], $0x1800, $0x38;
	[tilespmem:$0x1FC40] =	vst v63  }
0x8e: {  	s17 =	simm.s32 @p0 $0x5  }
0x8f: {  	_ =	swait.ge @p0 [sflag:s17], $0x1800  }
0x90: {  	[sflag:s17] =	ssyncset.done @p0 $0x0  }
0x91: {  	s23 =	rddreg [dreg:$0xa];
	[sflag:s17] =	ssyncadd.s32 @p0 $0xFFFFE800  }
0x92: {  	[hbm4b:s23+s13] =	stream.linear.scatter @p0 [tilespmem:s14], [sflag:$0x5], $0x1800, $0x38;
	[tilespmem:$0x1FC40] =	vst v63  }
0x93: {  	_ =	swait.ge @p0 [sflag:s17], $0x1800  }
0x94: {  	s13 =	simm.s32 @!p0 $0x0;
	[sflag:s17] =	ssyncset.done @p0 $0x0  }
0x95: {  	s14 =	simm.s32 @!p0 $0xFC40;
	[sflag:s17] =	ssyncadd.s32 @p0 $0xFFFFE800;
	s17 =	rddreg [dreg:$0x5]  }
0x96: {  	[tilespmem:s14], [sflag:$0x5] =	stream.linear.gather @!p0 [hbm4b:s17+s13], $0x8000, $0x38;
	[tilespmem:$0x1FC40] =	vst v63  }
0x97: {  	s17 =	simm.s32 @!p0 $0x5  }
0x98: {  	_ =	swait.ge @!p0 [sflag:s17], $0x8000  }
0x99: {  	[sflag:s17] =	ssyncset.done @!p0 $0x0  }
0x9a: {  	s23 =	rddreg [dreg:$0x6];
	[sflag:s17] =	ssyncadd.s32 @!p0 $0xFFFF8000  }
0x9b: {  	[hbm4b:s23+s13] =	stream.linear.scatter @!p0 [tilespmem:s14], [sflag:$0x5], $0x8000, $0x38;
	[tilespmem:$0x1FC40] =	vst v63  }
0x9c: {  	_ =	swait.ge @!p0 [sflag:s17], $0x8000  }
0x9d: {  	[sflag:s17] =	ssyncset.done @!p0 $0x0  }
0x9e: {  	s23 =	rddreg [dreg:$0x7];
	[sflag:s17] =	ssyncadd.s32 @!p0 $0xFFFF8000  }
0x9f: {  	[tilespmem:s14], [sflag:$0x5] =	stream.linear.gather @!p0 [hbm4b:s23+s13], $0x800, $0x38;
	[tilespmem:$0x1FC40] =	vst v63  }
0xa0: {  	_ =	swait.ge @!p0 [sflag:s17], $0x800  }
0xa1: {  	[sflag:s17] =	ssyncset.done @!p0 $0x0  }
0xa2: {  	s23 =	rddreg [dreg:$0x8];
	[sflag:s17] =	ssyncadd.s32 @!p0 $0xFFFFF800  }
0xa3: {  	[hbm4b:s23+s13] =	stream.linear.scatter @!p0 [tilespmem:s14], [sflag:$0x5], $0x800, $0x38;
	[tilespmem:$0x1FC40] =	vst v63  }
0xa4: {  	_ =	swait.ge @!p0 [sflag:s17], $0x800  }
0xa5: {  	[sflag:s17] =	ssyncset.done @!p0 $0x0  }
0xa6: {  	p1 =	slt.s32 s6, $0x1;
	[sflag:s17] =	ssyncadd.s32 @!p0 $0xFFFFF800  }
0xa7: {  	v4 =	vld @!p1 [tilespmem:$0xBA20];
	_ =	sdelay $0x1  }
0xa8: {  	v5 =	vld @!p1 [tilespmem:$0xDB30];
	_ =	sdelay $0x2  }
0xa9: {  	v4 =	vsub.s32 @!p1 v4, v0  }
0xaa: {  	s13 =	smin.u32 @!p1 s6, $0x10;
	v4 =	vshll.u32 @!p1 v4, $0xE  }
0xab: {  	v7 =	vlaneseq.u32 @!p1;
	v6 =	vmov @!p1 s13;
	v4 =	vadd.s32 @!p1 v5, v4  }
0xac: {  	vm1 =	vgt.u32 @!p1 v6, v7;
	v4 =	vxor.u32 @!p1 $0x80000000, v4  }
0xad: {  	v4 =	vnsel @!p1 vm1, $0x7FFFFFFF, v4  }
0xae: {  	(xrf0) =	vmax.scan.msk.u32 @!p1 $0xffff, v4;
	_ =	sdelay $0x5  }
0xaf: {  	v4, _, _ =	vpop @!p1 (xrf0)  }
0xb0: {  	(v2sf) =	vpush @!p1 v4, $0xF;
	_ =	sdelay $0xe  }
0xb1: {  	s13 =	spop @!p1 (v2sf)  }
0xb2: {  	s14 =	sxor.u32 @!p1 $0x80000000, s13  }
0xb3: {  	s17 =	sshra.s32 @!p1 s14, $0x1F  }
0xb4: {  	s17 =	sshrl.u32 @!p1 s17, $0x12  }
0xb5: {  	s17 =	sadd.s32 @!p1 s17, s14  }
0xb6: {  	p3 =	sgt.s32 @!p1 s13, $0xFFFFFFFF;
	p2 =	slt.s32 @!p1 s14, $0x1;
	s23 =	sand.u32 @!p1 $0xFFFFC000, s17  }
0xb7: {  	p2 =	por @!p1 p3, p2;
	p3 =	sne.s32 @!p1 s14, s23  }
0xb8: {  	p2 =	por @!p1 !p2, !p3  }
0xb9: {  	s14 =	sshra.s32 @!p1 s17, $0xE;
	p2 =	por @!p1 !p2, !p2  }
0xba: {  	s17 =	simm.s32 @!p1 $0x1;
	s23 =	rddreg [dreg:$0x4];
	p2 =	por !p2, p1  }
0xbb: {  	p3 =	slt.s32 s6, $0x2000;
	s14 =	sadd.s32 @!p1 s23, s14;
	s17 =	simm.s32 @p2 $0x0  }
0xbc: {  	s13 =	sand.u32 @!p1 $0x3FFF, s13;
	s6 =	simm.s32 @!p3 $0x2000;
	s14 =	ssub.s32 @!p1 s14, s17  }
0xbd: {  	v5 =	vmov @!p1 s13;
	v4 =	vmov @!p1 s14;
	s14 =	sadd.s32 @!p1 $0x10, s6  }
0xbe: {  	[tilespmem:s6+$0xDB30] =	vst @!p1 v5;
	s13 =	sand.u32 @!p1 $0x7FF8, s14;
	s14 =	sand.u32 @!p1 $0x7, s6  }
0xbf: {  	s17 =	sadd.s32 @!p1 $0x20, s6;
	[tilespmem:s6+$0xBA20] =	vst @!p1 v4;
	s13 =	sor.u32 @!p1 s14, s13  }
0xc0: {  	s17 =	sand.u32 @!p1 $0x7FF8, s17;
	[tilespmem:s13+$0xBA20] =	vst @!p1 v4  }
0xc1: {  	[tilespmem:s13+$0xDB30] =	vst @!p1 v5;
	s13 =	sor.u32 @!p1 s14, s17;
	s17 =	sadd.s32 @!p1 $0x30, s6  }
0xc2: {  	[tilespmem:s13+$0xBA20] =	vst @!p1 v4;
	s17 =	sand.u32 @!p1 $0x7FF8, s17  }
0xc3: {  	[tilespmem:s13+$0xDB30] =	vst @!p1 v5;
	s13 =	sor.u32 @!p1 s14, s17;
	s17 =	sadd.s32 @!p1 $0x40, s6  }
0xc4: {  	[tilespmem:s13+$0xBA20] =	vst @!p1 v4;
	s17 =	sand.u32 @!p1 $0x7FF8, s17  }
0xc5: {  	[tilespmem:s13+$0xDB30] =	vst @!p1 v5;
	s13 =	sor.u32 @!p1 s14, s17;
	s17 =	sadd.s32 @!p1 $0x50, s6  }
0xc6: {  	[tilespmem:s13+$0xBA20] =	vst @!p1 v4;
	s17 =	sand.u32 @!p1 $0x7FF8, s17  }
0xc7: {  	[tilespmem:s13+$0xDB30] =	vst @!p1 v5;
	s13 =	sor.u32 @!p1 s14, s17;
	s17 =	sadd.s32 @!p1 $0x60, s6  }
0xc8: {  	[tilespmem:s13+$0xBA20] =	vst @!p1 v4;
	s17 =	sand.u32 @!p1 $0x7FF8, s17  }
0xc9: {  	[tilespmem:s13+$0xDB30] =	vst @!p1 v5;
	s13 =	sor.u32 @!p1 s14, s17;
	s17 =	sadd.s32 @!p1 $0x70, s6  }
0xca: {  	[tilespmem:s13+$0xBA20] =	vst @!p1 v4;
	s17 =	sand.u32 @!p1 $0x7FF8, s17  }
0xcb: {  	[tilespmem:s13+$0xDB30] =	vst @!p1 v5;
	s13 =	sor.u32 @!p1 s14, s17;
	s17 =	sadd.s32 @!p1 $0x80, s6  }
0xcc: {  	[tilespmem:s13+$0xBA20] =	vst @!p1 v4;
	s17 =	sand.u32 @!p1 $0x7FF8, s17  }
0xcd: {  	[tilespmem:s13+$0xDB30] =	vst @!p1 v5;
	s13 =	sor.u32 @!p1 s14, s17;
	s17 =	sadd.s32 @!p1 $0x90, s6  }
0xce: {  	[tilespmem:s13+$0xBA20] =	vst @!p1 v4;
	s17 =	sand.u32 @!p1 $0x7FF8, s17  }
0xcf: {  	[tilespmem:s13+$0xDB30] =	vst @!p1 v5;
	s13 =	sor.u32 @!p1 s14, s17;
	s17 =	sadd.s32 @!p1 $0xA0, s6  }
0xd0: {  	[tilespmem:s13+$0xBA20] =	vst @!p1 v4;
	s17 =	sand.u32 @!p1 $0x7FF8, s17  }
0xd1: {  	[tilespmem:s13+$0xDB30] =	vst @!p1 v5;
	s13 =	sor.u32 @!p1 s14, s17;
	s17 =	sadd.s32 @!p1 $0xB0, s6  }
0xd2: {  	[tilespmem:s13+$0xBA20] =	vst @!p1 v4;
	s17 =	sand.u32 @!p1 $0x7FF8, s17  }
0xd3: {  	[tilespmem:s13+$0xDB30] =	vst @!p1 v5;
	s13 =	sor.u32 @!p1 s14, s17;
	s17 =	sadd.s32 @!p1 $0xC0, s6  }
0xd4: {  	[tilespmem:s13+$0xBA20] =	vst @!p1 v4;
	s17 =	sand.u32 @!p1 $0x7FF8, s17  }
0xd5: {  	[tilespmem:s13+$0xDB30] =	vst @!p1 v5;
	s13 =	sor.u32 @!p1 s14, s17;
	s17 =	sadd.s32 @!p1 $0xD0, s6  }
0xd6: {  	[tilespmem:s13+$0xBA20] =	vst @!p1 v4;
	s17 =	sand.u32 @!p1 $0x7FF8, s17  }
0xd7: {  	[tilespmem:s13+$0xDB30] =	vst @!p1 v5;
	s13 =	sor.u32 @!p1 s14, s17;
	s17 =	sadd.s32 @!p1 $0xE0, s6  }
0xd8: {  	[tilespmem:s13+$0xBA20] =	vst @!p1 v4;
	s17 =	sand.u32 @!p1 $0x7FF8, s17  }
0xd9: {  	[tilespmem:s13+$0xDB30] =	vst @!p1 v5;
	s13 =	sor.u32 @!p1 s14, s17;
	s17 =	sadd.s32 @!p1 $0xF0, s6;
	s6 =	sadd.s32 @!p1 $0xFF, s6  }
0xda: {  	s6 =	sshrl.u32 @!p1 s6, $0x8  }
0xdb: {  	p2 =	seq.s32 @!p1 s6, $0x0  }
0xdc: {  	p2 =	por p1, p2  }
.Ltmp6:
0xdd: {  	_ = 	snop;
	(pc) =	sbr.rel @p2 .LBB2_12-.Ltmp6, $4  }
0xde: {  	[tilespmem:s13+$0xBA20] =	vst @!p1 v4;
	s17 =	sand.u32 @!p1 $0x7FF8, s17  }
0xdf: {  	[tilespmem:s13+$0xDB30] =	vst @!p1 v5;
	s13 =	sor.u32 @!p1 s14, s17  }
0xe0: {  	[tilespmem:s13+$0xBA20] =	vst @!p1 v4  }
0xe1: {  	s23 =	simm.s32 $0x10440;
	[tilespmem:s13+$0xDB30] =	vst @!p1 v5;
	s13 =	simm.s32 $0x10040  }
0xe2: {  	s17 =	simm.s32 @!p1 $0xDBB0;
	s14 =	simm.s32 @!p1 $0xBAA0  }
.LBB2_11:
0xe3: {  	v4 =	vld [tilespmem:s17+$0xFFFFFF80];
	_ =	sdelay $0x7  }
0xe4: {  	[tilespmem:s19], [sflag:$0x3] =	stream.indirect_vreg.gather [hbm4b:s4+s3], $0x40, v4, vm0, $0xb8;
	[tilespmem:$0x1FC40] =	vst v63  }
0xe5: {  	v4 =	vld [tilespmem:s17+$0xFFFFFF90];
	_ =	sdelay $0x7  }
0xe6: {  	[tilespmem:s13], [sflag:$0x3] =	stream.indirect_vreg.gather [hbm4b:s4+s3], $0x40, v4, vm0, $0xb8;
	[tilespmem:$0x1FC40] =	vst v63  }
0xe7: {  	v4 =	vld [tilespmem:s17+$0xFFFFFFA0];
	_ =	sdelay $0x7  }
0xe8: {  	[tilespmem:s23], [sflag:$0x3] =	stream.indirect_vreg.gather [hbm4b:s4+s3], $0x40, v4, vm0, $0xb8;
	[tilespmem:$0x1FC40] =	vst v63  }
0xe9: {  	v4 =	vld [tilespmem:s17+$0xFFFFFFB0];
	_ =	sdelay $0x7  }
0xea: {  	[tilespmem:s25], [sflag:$0x3] =	stream.indirect_vreg.gather [hbm4b:s4+s3], $0x40, v4, vm0, $0xb8;
	[tilespmem:$0x1FC40] =	vst v63  }
0xeb: {  	v4 =	vld [tilespmem:s17+$0xFFFFFFC0];
	_ =	sdelay $0x7  }
0xec: {  	[tilespmem:s26], [sflag:$0x3] =	stream.indirect_vreg.gather [hbm4b:s4+s3], $0x40, v4, vm0, $0xb8;
	[tilespmem:$0x1FC40] =	vst v63  }
0xed: {  	v4 =	vld [tilespmem:s17+$0xFFFFFFD0];
	_ =	sdelay $0x7  }
0xee: {  	[tilespmem:s28], [sflag:$0x3] =	stream.indirect_vreg.gather [hbm4b:s4+s3], $0x40, v4, vm0, $0xb8;
	[tilespmem:$0x1FC40] =	vst v63  }
0xef: {  	v4 =	vld [tilespmem:s17+$0xFFFFFFE0];
	_ =	sdelay $0x7  }
0xf0: {  	[tilespmem:s29], [sflag:$0x3] =	stream.indirect_vreg.gather [hbm4b:s4+s3], $0x40, v4, vm0, $0xb8;
	[tilespmem:$0x1FC40] =	vst v63  }
0xf1: {  	v4 =	vld [tilespmem:s17+$0xFFFFFFF0];
	_ =	sdelay $0x7  }
0xf2: {  	[tilespmem:s30], [sflag:$0x3] =	stream.indirect_vreg.gather [hbm4b:s4+s3], $0x40, v4, vm0, $0xb8;
	[tilespmem:$0x1FC40] =	vst v63  }
0xf3: {  	v4 =	vld [tilespmem:s17+$0x0];
	_ =	sdelay $0x7  }
0xf4: {  	[tilespmem:s31], [sflag:$0x3] =	stream.indirect_vreg.gather [hbm4b:s4+s3], $0x40, v4, vm0, $0xb8;
	[tilespmem:$0x1FC40] =	vst v63  }
0xf5: {  	v4 =	vld [tilespmem:s17+$0x10];
	_ =	sdelay $0x7  }
0xf6: {  	[tilespmem:s2], [sflag:$0x3] =	stream.indirect_vreg.gather [hbm4b:s4+s3], $0x40, v4, vm0, $0xb8;
	[tilespmem:$0x1FC40] =	vst v63  }
0xf7: {  	v4 =	vld [tilespmem:s17+$0x20];
	_ =	sdelay $0x7  }
0xf8: {  	[tilespmem:s0], [sflag:$0x3] =	stream.indirect_vreg.gather [hbm4b:s4+s3], $0x40, v4, vm0, $0xb8;
	[tilespmem:$0x1FC40] =	vst v63  }
0xf9: {  	v4 =	vld [tilespmem:s17+$0x30];
	_ =	sdelay $0x7  }
0xfa: {  	[tilespmem:s1], [sflag:$0x3] =	stream.indirect_vreg.gather [hbm4b:s4+s3], $0x40, v4, vm0, $0xb8;
	[tilespmem:$0x1FC40] =	vst v63  }
0xfb: {  	v4 =	vld [tilespmem:s17+$0x40];
	_ =	sdelay $0x7  }
0xfc: {  	[tilespmem:s7], [sflag:$0x3] =	stream.indirect_vreg.gather [hbm4b:s4+s3], $0x40, v4, vm0, $0xb8;
	[tilespmem:$0x1FC40] =	vst v63  }
0xfd: {  	v4 =	vld [tilespmem:s17+$0x50];
	_ =	sdelay $0x7  }
0xfe: {  	[tilespmem:s8], [sflag:$0x3] =	stream.indirect_vreg.gather [hbm4b:s4+s3], $0x40, v4, vm0, $0xb8;
	[tilespmem:$0x1FC40] =	vst v63  }
0xff: {  	v4 =	vld [tilespmem:s17+$0x60];
	_ =	sdelay $0x7  }
0x100: {  	[tilespmem:s9], [sflag:$0x3] =	stream.indirect_vreg.gather [hbm4b:s4+s3], $0x40, v4, vm0, $0xb8;
	[tilespmem:$0x1FC40] =	vst v63  }
0x101: {  	v4 =	vld [tilespmem:s17+$0x70];
	_ =	sdelay $0x7  }
0x102: {  	[tilespmem:s10], [sflag:$0x3] =	stream.indirect_vreg.gather [hbm4b:s4+s3], $0x40, v4, vm0, $0xb8;
	[tilespmem:$0x1FC40] =	vst v63  }
0x103: {  	_ =	swait.ge [sflag:s11], $0x400  }
0x104: {  	[sflag:s11] =	ssyncset.done $0x0  }
0x105: {  	[sflag:s11] =	ssyncadd.s32 $0xFFFFFC00  }
0x106: {  	_ =	swait.ge [sflag:s11], $0x400  }
0x107: {  	[sflag:s11] =	ssyncset.done $0x0  }
0x108: {  	[sflag:s11] =	ssyncadd.s32 $0xFFFFFC00  }
0x109: {  	_ =	swait.ge [sflag:s11], $0x400  }
0x10a: {  	[sflag:s11] =	ssyncset.done $0x0  }
0x10b: {  	[sflag:s11] =	ssyncadd.s32 $0xFFFFFC00  }
0x10c: {  	_ =	swait.ge [sflag:s11], $0x400  }
0x10d: {  	[sflag:s11] =	ssyncset.done $0x0  }
0x10e: {  	[sflag:s11] =	ssyncadd.s32 $0xFFFFFC00  }
0x10f: {  	_ =	swait.ge [sflag:s11], $0x400  }
0x110: {  	[sflag:s11] =	ssyncset.done $0x0  }
0x111: {  	[sflag:s11] =	ssyncadd.s32 $0xFFFFFC00  }
0x112: {  	_ =	swait.ge [sflag:s11], $0x400  }
0x113: {  	[sflag:s11] =	ssyncset.done $0x0  }
0x114: {  	[sflag:s11] =	ssyncadd.s32 $0xFFFFFC00  }
0x115: {  	_ =	swait.ge [sflag:s11], $0x400  }
0x116: {  	[sflag:s11] =	ssyncset.done $0x0  }
0x117: {  	[sflag:s11] =	ssyncadd.s32 $0xFFFFFC00  }
0x118: {  	_ =	swait.ge [sflag:s11], $0x400  }
0x119: {  	[sflag:s11] =	ssyncset.done $0x0  }
0x11a: {  	[sflag:s11] =	ssyncadd.s32 $0xFFFFFC00  }
0x11b: {  	_ =	swait.ge [sflag:s11], $0x400  }
0x11c: {  	[sflag:s11] =	ssyncset.done $0x0  }
0x11d: {  	[sflag:s11] =	ssyncadd.s32 $0xFFFFFC00  }
0x11e: {  	_ =	swait.ge [sflag:s11], $0x400  }
0x11f: {  	[sflag:s11] =	ssyncset.done $0x0  }
0x120: {  	[sflag:s11] =	ssyncadd.s32 $0xFFFFFC00  }
0x121: {  	_ =	swait.ge [sflag:s11], $0x400  }
0x122: {  	[sflag:s11] =	ssyncset.done $0x0  }
0x123: {  	[sflag:s11] =	ssyncadd.s32 $0xFFFFFC00  }
0x124: {  	_ =	swait.ge [sflag:s11], $0x400  }
0x125: {  	[sflag:s11] =	ssyncset.done $0x0  }
0x126: {  	[sflag:s11] =	ssyncadd.s32 $0xFFFFFC00  }
0x127: {  	_ =	swait.ge [sflag:s11], $0x400  }
0x128: {  	[sflag:s11] =	ssyncset.done $0x0  }
0x129: {  	[sflag:s11] =	ssyncadd.s32 $0xFFFFFC00  }
0x12a: {  	_ =	swait.ge [sflag:s11], $0x400  }
0x12b: {  	[sflag:s11] =	ssyncset.done $0x0  }
0x12c: {  	[sflag:s11] =	ssyncadd.s32 $0xFFFFFC00  }
0x12d: {  	_ =	swait.ge [sflag:s11], $0x400  }
0x12e: {  	[sflag:s11] =	ssyncset.done $0x0  }
0x12f: {  	[sflag:s11] =	ssyncadd.s32 $0xFFFFFC00  }
0x130: {  	_ =	swait.ge [sflag:s11], $0x400  }
0x131: {  	[sflag:s11] =	ssyncset.done $0x0  }
0x132: {  	[sflag:s11] =	ssyncadd.s32 $0xFFFFFC00  }
0x133: {  	v4 =	vld [tilespmem:s14+$0xFFFFFF80];
	_ =	sdelay $0x7  }
0x134: {  	[hbm4b:s5+s3] =	stream.indirect_vreg.scatter [tilespmem:s19], [sflag:$0x4], $0x40, v4, vm0, $0xb8;
	[tilespmem:$0x1FC40] =	vst v63  }
0x135: {  	v4 =	vld [tilespmem:s14+$0xFFFFFF90];
	_ =	sdelay $0x7  }
0x136: {  	[hbm4b:s5+s3] =	stream.indirect_vreg.scatter [tilespmem:s13], [sflag:$0x4], $0x40, v4, vm0, $0xb8;
	[tilespmem:$0x1FC40] =	vst v63  }
0x137: {  	v4 =	vld [tilespmem:s14+$0xFFFFFFA0];
	_ =	sdelay $0x7  }
0x138: {  	[hbm4b:s5+s3] =	stream.indirect_vreg.scatter [tilespmem:s23], [sflag:$0x4], $0x40, v4, vm0, $0xb8;
	[tilespmem:$0x1FC40] =	vst v63  }
0x139: {  	v4 =	vld [tilespmem:s14+$0xFFFFFFB0];
	_ =	sdelay $0x7  }
0x13a: {  	[hbm4b:s5+s3] =	stream.indirect_vreg.scatter [tilespmem:s25], [sflag:$0x4], $0x40, v4, vm0, $0xb8;
	[tilespmem:$0x1FC40] =	vst v63  }
0x13b: {  	v4 =	vld [tilespmem:s14+$0xFFFFFFC0];
	_ =	sdelay $0x7  }
0x13c: {  	[hbm4b:s5+s3] =	stream.indirect_vreg.scatter [tilespmem:s26], [sflag:$0x4], $0x40, v4, vm0, $0xb8;
	[tilespmem:$0x1FC40] =	vst v63  }
0x13d: {  	v4 =	vld [tilespmem:s14+$0xFFFFFFD0];
	_ =	sdelay $0x7  }
0x13e: {  	[hbm4b:s5+s3] =	stream.indirect_vreg.scatter [tilespmem:s28], [sflag:$0x4], $0x40, v4, vm0, $0xb8;
	[tilespmem:$0x1FC40] =	vst v63  }
0x13f: {  	v4 =	vld [tilespmem:s14+$0xFFFFFFE0];
	_ =	sdelay $0x7  }
0x140: {  	[hbm4b:s5+s3] =	stream.indirect_vreg.scatter [tilespmem:s29], [sflag:$0x4], $0x40, v4, vm0, $0xb8;
	[tilespmem:$0x1FC40] =	vst v63  }
0x141: {  	v4 =	vld [tilespmem:s14+$0xFFFFFFF0];
	_ =	sdelay $0x7  }
0x142: {  	[hbm4b:s5+s3] =	stream.indirect_vreg.scatter [tilespmem:s30], [sflag:$0x4], $0x40, v4, vm0, $0xb8;
	[tilespmem:$0x1FC40] =	vst v63  }
0x143: {  	v4 =	vld [tilespmem:s14+$0x0];
	_ =	sdelay $0x7  }
0x144: {  	[hbm4b:s5+s3] =	stream.indirect_vreg.scatter [tilespmem:s31], [sflag:$0x4], $0x40, v4, vm0, $0xb8;
	[tilespmem:$0x1FC40] =	vst v63  }
0x145: {  	v4 =	vld [tilespmem:s14+$0x10];
	_ =	sdelay $0x7  }
0x146: {  	[hbm4b:s5+s3] =	stream.indirect_vreg.scatter [tilespmem:s2], [sflag:$0x4], $0x40, v4, vm0, $0xb8;
	[tilespmem:$0x1FC40] =	vst v63  }
0x147: {  	v4 =	vld [tilespmem:s14+$0x20];
	_ =	sdelay $0x7  }
0x148: {  	[hbm4b:s5+s3] =	stream.indirect_vreg.scatter [tilespmem:s0], [sflag:$0x4], $0x40, v4, vm0, $0xb8;
	[tilespmem:$0x1FC40] =	vst v63  }
0x149: {  	v4 =	vld [tilespmem:s14+$0x30];
	_ =	sdelay $0x7  }
0x14a: {  	[hbm4b:s5+s3] =	stream.indirect_vreg.scatter [tilespmem:s1], [sflag:$0x4], $0x40, v4, vm0, $0xb8;
	[tilespmem:$0x1FC40] =	vst v63  }
0x14b: {  	v4 =	vld [tilespmem:s14+$0x40];
	_ =	sdelay $0x7  }
0x14c: {  	[hbm4b:s5+s3] =	stream.indirect_vreg.scatter [tilespmem:s7], [sflag:$0x4], $0x40, v4, vm0, $0xb8;
	[tilespmem:$0x1FC40] =	vst v63  }
0x14d: {  	v4 =	vld [tilespmem:s14+$0x50];
	_ =	sdelay $0x7  }
0x14e: {  	[hbm4b:s5+s3] =	stream.indirect_vreg.scatter [tilespmem:s8], [sflag:$0x4], $0x40, v4, vm0, $0xb8;
	[tilespmem:$0x1FC40] =	vst v63  }
0x14f: {  	v4 =	vld [tilespmem:s14+$0x60];
	_ =	sdelay $0x7  }
0x150: {  	[hbm4b:s5+s3] =	stream.indirect_vreg.scatter [tilespmem:s9], [sflag:$0x4], $0x40, v4, vm0, $0xb8;
	[tilespmem:$0x1FC40] =	vst v63  }
0x151: {  	v4 =	vld [tilespmem:s14+$0x70];
	_ =	sdelay $0x7  }
0x152: {  	[hbm4b:s5+s3] =	stream.indirect_vreg.scatter [tilespmem:s10], [sflag:$0x4], $0x40, v4, vm0, $0xb8;
	[tilespmem:$0x1FC40] =	vst v63  }
0x153: {  	_ =	swait.ge [sflag:s12], $0x400  }
0x154: {  	[sflag:s12] =	ssyncset.done $0x0  }
0x155: {  	[sflag:s12] =	ssyncadd.s32 $0xFFFFFC00  }
0x156: {  	_ =	swait.ge [sflag:s12], $0x400  }
0x157: {  	[sflag:s12] =	ssyncset.done $0x0  }
0x158: {  	[sflag:s12] =	ssyncadd.s32 $0xFFFFFC00  }
0x159: {  	_ =	swait.ge [sflag:s12], $0x400  }
0x15a: {  	[sflag:s12] =	ssyncset.done $0x0  }
0x15b: {  	[sflag:s12] =	ssyncadd.s32 $0xFFFFFC00  }
0x15c: {  	_ =	swait.ge [sflag:s12], $0x400  }
0x15d: {  	[sflag:s12] =	ssyncset.done $0x0  }
0x15e: {  	[sflag:s12] =	ssyncadd.s32 $0xFFFFFC00  }
0x15f: {  	_ =	swait.ge [sflag:s12], $0x400  }
0x160: {  	[sflag:s12] =	ssyncset.done $0x0  }
0x161: {  	[sflag:s12] =	ssyncadd.s32 $0xFFFFFC00  }
0x162: {  	_ =	swait.ge [sflag:s12], $0x400  }
0x163: {  	[sflag:s12] =	ssyncset.done $0x0  }
0x164: {  	[sflag:s12] =	ssyncadd.s32 $0xFFFFFC00  }
0x165: {  	_ =	swait.ge [sflag:s12], $0x400  }
0x166: {  	[sflag:s12] =	ssyncset.done $0x0  }
0x167: {  	[sflag:s12] =	ssyncadd.s32 $0xFFFFFC00  }
0x168: {  	_ =	swait.ge [sflag:s12], $0x400  }
0x169: {  	[sflag:s12] =	ssyncset.done $0x0  }
0x16a: {  	[sflag:s12] =	ssyncadd.s32 $0xFFFFFC00  }
0x16b: {  	_ =	swait.ge [sflag:s12], $0x400  }
0x16c: {  	[sflag:s12] =	ssyncset.done $0x0  }
0x16d: {  	[sflag:s12] =	ssyncadd.s32 $0xFFFFFC00  }
0x16e: {  	_ =	swait.ge [sflag:s12], $0x400  }
0x16f: {  	[sflag:s12] =	ssyncset.done $0x0  }
0x170: {  	[sflag:s12] =	ssyncadd.s32 $0xFFFFFC00  }
0x171: {  	_ =	swait.ge [sflag:s12], $0x400  }
0x172: {  	[sflag:s12] =	ssyncset.done $0x0  }
0x173: {  	[sflag:s12] =	ssyncadd.s32 $0xFFFFFC00  }
0x174: {  	_ =	swait.ge [sflag:s12], $0x400  }
0x175: {  	[sflag:s12] =	ssyncset.done $0x0  }
0x176: {  	[sflag:s12] =	ssyncadd.s32 $0xFFFFFC00  }
0x177: {  	_ =	swait.ge [sflag:s12], $0x400  }
0x178: {  	[sflag:s12] =	ssyncset.done $0x0  }
0x179: {  	[sflag:s12] =	ssyncadd.s32 $0xFFFFFC00  }
0x17a: {  	_ =	swait.ge [sflag:s12], $0x400  }
0x17b: {  	[sflag:s12] =	ssyncset.done $0x0  }
0x17c: {  	[sflag:s12] =	ssyncadd.s32 $0xFFFFFC00  }
0x17d: {  	p1 =	sne.s32 s6, $0x1;
	_ =	swait.ge [sflag:s12], $0x400  }
.Ltmp7:
0x17e: {  	[sflag:s12] =	ssyncset.done $0x0;
	(pc) =	sbr.rel @p1 .LBB2_11-.Ltmp7, $4  }
0x17f: {  	[sflag:s12] =	ssyncadd.s32 $0xFFFFFC00  }
0x180: {  	_ =	swait.ge [sflag:s12], $0x400  }
0x181: {  	s6 =	sadd.s32 $0xFFFFFFFF, s6;
	[sflag:s12] =	ssyncset.done $0x0  }
0x182: {  	s17 =	sadd.s32 $0x100, s17;
	s14 =	sadd.s32 $0x100, s14;
	[sflag:s12] =	ssyncadd.s32 $0xFFFFFC00  }
.Ltmp8:
0x183: {  	_ = 	snop;
	(pc) =	sbr.rel .LBB2_12-.Ltmp8, $1  }
0x184: {  	_ =	sdelay $0x3  }
.LBB2_13:
0x185: {  	_ =	sfence.sel $0x180000  }
0x186: {  	[bflag:$0x0] =	sbarrier.arrive $0xFFFF  }
0x187: {  	_ =	strace $0x90000047  }
0x188: {  	s0 =	stileid.u32;
	[bflag:$0x2] =	sbarrier.arrive $0xFFFF  }
0x189: {  	p0 =	sne.s32 s0, $0x0;
	s0 =	rddreg [dreg:$0x3]  }
0x18a: {  	s0 =	sadd.s32 @!p0 $0x100000, s0  }
0x18b: {  	[sflag:s0] =	ssyncadd.tile.s32 @!p0 $0x1;
	_ =	shalt  }
.Lfunc_end2:
_tile_overlayer_lowered:
.L_overlay_start_2:
0x18c: {  	(tag) =	ssettag $0x2  }
0x18d: {  	s0 =	rddreg [dreg:$0x0];
	s2 =	stileid.u32  }
0x18e: {  	s1 =	rddreg [dreg:$0x1];
	p0 =	sne.s32 s2, $0x0  }
0x18f: {  	s3 =	rddreg [dreg:$0x2];
	[bflag:$0x3] =	sbarrier.arrive $0xFFFF;
	s2 =	simm.s32 @!p0 $0x1C05  }
0x190: {  	[timem:s3], [sflag:s2] =	dma.local @!p0 [hbm:s0], s1  }
0x191: {  	s0 =	simm.s32 @!p0 $0x5  }
0x192: {  	_ =	swait.ge @!p0 [sflag:s0], s1  }
0x193: {  	s1 =	ssub.s32 @!p0 $0x0, s1;
	[sflag:s0] =	ssyncset.done @!p0 $0x0  }
0x194: {  	[sflag:s0] =	ssyncadd.s32 @!p0 s1  }
0x195: {  	[bflag:$0x3] =	sbarrier.arrive $0xFFFF  }
0x196: {  	_ =	shalt  }

// kernel: sparse-core-data-format-call.cloned.1.call-start
scs
called_computation_lowered:
.L_overlay_start_0:
0x0: {  	s2 =	sld [smem:$0x3FD9]  }
0x1: {  	s3 =	sld [smem:$0x3FFE];
	_ =	sdelay $0x1  }
0x2: {  	s1 =	srdreg.scid  }
0x3: {  	s0 =	sand.u32 $0x1, s1  }
0x4: {  	s18 =	sshll.u32 s0, $0xA;
	s2 =	sadd.s32 s3, s2  }
0x5: {  	s2 =	sadd.s32 s2, s18  }
0x6: {  	[smem:$0x3FC5] =	sst s2  }
0x7: {  	_ = 	snop  }
0x8: {  	s2 =	sld [smem:$0x3FD0];
	(tm) =	ssettm $0x1  }
0x9: {  	s19 =	sld [smem:$0x3FFB];
	_ =	sdelay $0x3  }
0xa: {  	_ =	strace s19  }
0xb: {  	s3 =	sld [smem:$0x3FFC];
	_ =	sdelay $0x3  }
0xc: {  	_ =	strace s3  }
0xd: {  	s3 =	sld [smem:$0x3FFD];
	_ =	sdelay $0x3  }
0xe: {  	_ =	strace s3  }
0xf: {  	_ =	strace $0x8FFFFFFF  }
0x10: {  	s20 =	sld [smem:$0x3FDB];
	_ =	sdelay $0x1  }
0x11: {  	s4 =	simm.s32 $_scs_section_size  }
0x12: {  	s5 =	simm.s32 $_size__tile_overlayer_lowered;
	s6 =	simm.s32 $_tile_overlayer_lowered  }
0x13: {  	s23 =	simm.s32 $0x1BFF;
	s22 =	sshll.u32 s6, $0x1;
	s3 =	sadd.s32 s4, s20  }
0x14: {  	s7 =	simm.s32 $0x0;
	s21 =	sshll.u32 s5, $0x1;
	s5 =	sadd.s32 s22, s3  }
0x15: {  	[timem:s7], [sflag:s23] =	dma.local [hbm:s5], s21  }
0x16: {  	_ =	swait.ge [sflag:s23], s21  }
0x17: {  	s4 =	ssub.s32 $0x0, s21;
	[sflag:s23] =	ssyncset.done $0x0  }
0x18: {  	[sflag:s23] =	ssyncadd.s32 s4;
	_ =	sdelay $0x1  }
0x19: {  	s24 =	simm.s32 $0x1B8B  }
0x1a: {  	_ =	swait.ge [sflag:s24], $0x1  }
0x1b: {  	[sflag:s24] =	ssyncset.done $0x0  }
0x1c: {  	s26 =	simm.s32 $0x1B8E;
	s25 =	sld [smem:$0x3FFE];
	[sflag:s24] =	ssyncadd.s32 $0xFFFFFFFF  }
0x1d: {  	s27 =	simm.s32 $execute0_lowered;
	[smem:$0x3FD2] =	sst s26  }
0x1e: {  	s5 =	sshll.u32 s27, $0x1;
	_ =	strace $0x80000049;
	[dreg:$0x1] =	wrdreg $0xFFFFFFFF  }
0x1f: {  	s28 =	simm.s32 $_size_execute0_lowered;
	s3 =	sadd.s32 s3, s5;
	[dreg:$0x0] =	wrdreg $0x0  }
0x20: {  	s5 =	sshll.u32 s28, $0x1;
	[dreg:$0x2] =	wrdreg s3  }
0x21: {  	[dreg:$0x3] =	wrdreg s5  }
0x22: {  	[dreg:$0x4] =	wrdreg $0xC0  }
0x23: {  	_ =	task [dreg:s7], $0x5FFFF  }
0x24: {  	[dreg:$0x1] =	wrdreg $0xFFFFFFFF  }
0x25: {  	[dreg:$0x0] =	wrdreg $0x60  }
0x26: {  	[dreg:$0x2] =	wrdreg s25  }
0x27: {  	[dreg:$0x3] =	wrdreg s2  }
0x28: {  	[dreg:$0x4] =	wrdreg $0x9  }
0x29: {  	_ =	task.clear_ibuf [dreg:s7], $0x5FFFF;
	_ =	strace $0x90000049  }
0x2a: {  	s29 =	simm.s32 $0x9;
	_ =	strace $0x8000004B  }
0x2b: {  	_ =	swait.ge [sflag:s29], $0x1  }
0x2c: {  	[sflag:s29] =	ssyncadd.s32 $0xFFFFFFFF  }
0x2d: {  	_ =	strace $0x9000004B  }
0x2e: {  	_ =	sfence  }
0x2f: {  	s30 =	sld [smem:$0x0];
	_ =	sdelay $0x2  }
0x30: {  	s31 =	sshll.u32 s1, $0xD;
	s1 =	sshrl.u32 s1, $0x2  }
0x31: {  	s3 =	sand.u32 $0x4000, s31;
	s1 =	sadd.s32 s1, s30  }
0x32: {  	s0 =	sor.u32 s3, s0;
	s1 =	sshll.u32 s1, $0x11  }
0x33: {  	s0 =	sor.u32 s1, s0  }
0x34: {  	s0 =	sadd.s32 $0x8F2B, s0  }
0x35: {  	[sflag:s0] =	ssyncadd.remote.s32 $0x1  }
0x36: {  	_ =	sfence.sel $0xFFFF  }
0x37: {  	[dreg:$0x0] =	wrdreg $0xFFFFFFFF;
	(pc) =	sbr.abs _section_cstart, $3  }
0x38: {  	[dreg:$0x1] =	wrdreg $0xFFFFFFFF  }
0x39: {  	_ =	task.clear_ibuf [dreg:s7], $0x2FFFF;
	_ =	strace $0x9FFFFFFF  }
0x3a: {  	(tm) =	ssettm $0x7FFFFFFF  }
0x3b: {  	_ =	shalt  }
tec
execute0_lowered:
.L_overlay_start_1:
0x0: {  	(tag) =	ssettag $0x1  }
0x1: {  	s4 =	rddreg [dreg:$0x0]  }
0x2: {  	s0 =	srdreg.scid;
	s2 =	rddreg [dreg:$0x1]  }
0x3: {  	s1 =	stileid.u32;
	s5 =	simm.s32 $0x1;
	s0 =	sshll.u32 s0, $0x4  }
0x4: {  	s7 =	simm.s32 $0x2;
	s11 =	simm.s32 $0x0;
	s3 =	sand.u32 $0x10, s0  }
.Ltmp0:
0x5: {  	p0 =	por $0x0, $0x0;
	s3 =	sor.u32 s1, s3;
	(pc) =	sbr.rel .LBB1_1-.Ltmp0, $4  }
0x6: {  	s8 =	simm.s32 $0x7A1400;
	s10 =	simm.s32 $0x0;
	s3 =	sshll.u32 s3, $0x7  }
0x7: {  	s0 =	rddreg [dreg:$0x2];
	_ =	strace $0x8000004A;
	s6 =	ssub.s32 $0xF4200, s3  }
0x8: {  	s4 =	sadd.s32 $0x7C1C00, s4;
	[sflag:s5] =	ssyncpa.u1 $0x0;
	s6 =	sshrl.u32 s6, $0xC  }
0x9: {  	[sflag:s7] =	ssyncpa.u1 $0x0;
	s9 =	smov.u32 s3;
	s7 =	sadd.s32 $0x2, s6  }
.LBB1_5:
0xa: {  	s13 =	sadd.s32 $0x1000, s9  }
0xb: {  	p2 =	sgt.s32 s13, $0xF423F  }
0xc: {  	s13 =	smov.u32 @p2 s3;
	p2 =	sne.s32 s10, s7  }
.Ltmp1:
0xd: {  	p1 =	slt.u32 s10, $0x2;
	(pc) =	sbr.rel @!p2 .LBB1_6-.Ltmp1, $4  }
0xe: {  	s12 =	simm.s32 @!p1 $0x2  }
0xf: {  	s14 =	sadd.s32 $0x1, s10;
	_ =	swait.ge @!p1 [sflag:s12], $0x2000  }
0x10: {  	s11 =	smov.u32 s9;
	p0 =	por !p0, !p0;
	[sflag:s12] =	ssyncset.done @!p1 $0x0  }
0x11: {  	s10 =	smov.u32 s14;
	s9 =	smov.u32 s13;
	[sflag:s12] =	ssyncadd.s32 @!p1 $0xFFFFE000  }
.LBB1_1:
0x12: {  	p1 =	sgt.u32 s10, s6  }
0x13: {  	s13 =	smov.u32 s9;
	p2 =	sgt.s32 @!p1 s9, $0xF41C0  }
0x14: {  	s12 =	sand.u32 @!p1 $0x1FFFFFF, s9;
	s14 =	sshra.s32 @!p1 s9, $0x1F;
	p2 =	por !p2, p1  }
0x15: {  	s15 =	smulhi.u32 @!p1 $0x218DEF5, s12;
	s14 =	sand.u32 @!p1 s14, s9;
	s13 =	simm.s32 @p2 $0xF41C0  }
0x16: {  	s13 =	ssub.s32 @!p1 s13, s14  }
0x17: {  	s14 =	sshrl.u32 @!p1 s15, $0xD;
	s13 =	sadd.s32 @!p1 $0xFFF0BE40, s13  }
0x18: {  	s15 =	sxor.u32 @!p1 $0xFFFFFFFF, s10;
	s14 =	smul.u32 @!p1 $0xF4240, s14;
	s16 =	sshll.u32 @!p1 s13, $0x8  }
0x19: {  	s15 =	sshll.u32 @!p1 s15, $0xD;
	p2 =	sgt.s32 @!p1 s13, $0x7F;
	s13 =	ssub.s32 @!p1 $0x8000, s16  }
0x1a: {  	s12 =	ssub.s32 @!p1 s12, s14;
	p2 =	por !p2, p1;
	s14 =	sand.u32 @!p1 $0x2000, s15  }
0x1b: {  	s15 =	simm.s32 @!p1 $0x40;
	s13 =	sshrl.u32 @!p1 s13, $0x2;
	s12 =	sshll.u32 @!p1 s12, $0x4  }
0x1c: {  	s16 =	simm.s32 @!p1 $0x80;
	s13 =	simm.s32 @!p2 $0x0;
	s12 =	sadd.s32 @!p1 s4, s12  }
0x1d: {  	[tilespmem:s14], [sflag:$0x1] =	stream.strided.gather @!p1 [hbm4b:s12+s15], s13, s16, s15, $0x38;
	[tilespmem:$0x8080] =	vst v63  }
0x1e: {  	p1 =	seq.s32 s10, $0x0  }
0x1f: {  	p2 =	sge.u32 @!p1 s10, s7  }
0x20: {  	p1 =	por p1, p2  }
.Ltmp2:
0x21: {  	_ = 	snop;
	(pc) =	sbr.rel @p1 .LBB1_5-.Ltmp2, $1  }
0x22: {  	_ =	sdelay $0x3  }
0x23: {  	p1 =	sgt.s32 s11, $0xF41C0;
	s12 =	smov.u32 s11;
	s13 =	sshra.s32 s11, $0x1F  }
0x24: {  	s12 =	simm.s32 @!p1 $0xF41C0;
	s13 =	sand.u32 s13, s11  }
0x25: {  	s12 =	ssub.s32 s12, s13  }
0x26: {  	s12 =	sadd.s32 $0xFFF0BE40, s12  }
0x27: {  	s28 =	sshll.u32 s12, $0x8  }
0x28: {  	s13 =	ssub.s32 $0x8000, s28  }
0x29: {  	p1 =	sgt.s32 s12, $0x7F;
	s12 =	sshrl.u32 s13, $0x2  }
0x2a: {  	s13 =	simm.s32 $0x1;
	s12 =	simm.s32 @p1 $0x0  }
0x2b: {  	s13 =	simm.s32 @!p0 $0x0;
	_ =	swait.ge [sflag:s5], s12  }
0x2c: {  	s14 =	sshll.u32 s13, $0xD;
	s12 =	ssub.s32 $0x0, s12;
	[sflag:s5] =	ssyncset.done $0x0  }
0x2d: {  	s16 =	sor.u32 $0x20, s14;
	[sflag:s5] =	ssyncadd.s32 s12  }
0x2e: {  	s29 =	smul.u32 $0x8100, s13;
	v3 =	vld [tilespmem:s16+$0x10]  }
0x2f: {  	s30 =	sand.u32 $0x1, s10;
	v2 =	vld [tilespmem:s16+$0xFFFFFFF0]  }
0x30: {  	s13 =	smul.u32 $0x8100, s30;
	s12 =	sshrl.u32 s29, $0x2;
	v0 =	vld [tilespmem:s16+$0x0]  }
0x31: {  	s14 =	sor.u32 $0x4000, s12;
	v1 =	vld [tilespmem:s16+$0xFFFFFFE0]  }
0x32: {  	s31 =	sshrl.u32 s13, $0x2;
	s13 =	sadd.s32 $0x0, s14  }
0x33: {  	s15 =	simm.s32 $0x4;
	s12 =	sor.u32 $0x4000, s31;
	s16 =	sadd.s32 $0x40, s16;
	[tilespmem:s13+$0x1830 ss:$0x81] =	vst.msk $0xffff, v3  }
.LBB1_3:
0x34: {  	v3 =	vld [tilespmem:s16+$0x10];
	p1 =	sne.s32 s15, $0x1FC;
	[tilespmem:s13+$0x810 ss:$0x81] =	vst.msk $0xffff, v2;
	s17 =	smov.u32 s15;
	s15 =	sadd.s32 $0x4, s15  }
.Ltmp3:
0x35: {  	v2 =	vld [tilespmem:s16+$0xFFFFFFF0];
	[tilespmem:s13+$0x1020 ss:$0x81] =	vst.msk $0xffff, v0;
	(pc) =	sbr.rel @p1 .LBB1_3-.Ltmp3, $4  }
0x36: {  	v0 =	vld [tilespmem:s16+$0x0];
	[tilespmem:s13+$0x0 ss:$0x81] =	vst.msk $0xffff, v1  }
0x37: {  	s13 =	sshra.s32 s17, $0x2;
	v1 =	vld [tilespmem:s16+$0xFFFFFFE0]  }
0x38: {  	s13 =	sadd.s32 s13, s14  }
0x39: {  	s16 =	sadd.s32 $0x40, s16;
	[tilespmem:s13+$0x1830 ss:$0x81] =	vst.msk $0xffff, v3  }
0x3a: {  	s14 =	sshll.u32 s11, $0x3  }
0x3b: {  	s30 =	sand.u32 $0x7F, s11;
	s14 =	sand.u32 $0xFFFFFC00, s14  }
0x3c: {  	s11 =	sor.u32 s30, s14  }
0x3d: {  	s15 =	smulhi.u32 $0x218D6287, s11;
	_ =	sdelay $0x1  }
0x3e: {  	s14 =	smulhi.u32 $0x218D6287, s14;
	s15 =	sshrl.u32 s15, $0x11  }
0x3f: {  	s15 =	smul.u32 $0xF4280, s15  }
0x40: {  	s14 =	sshrl.u32 s14, $0x11  }
.Ltmp4:
0x41: {  	s14 =	sand.u32 $0x3F, s14;
	s11 =	ssub.s32 s11, s15;
	(pc) =	sbr.rel .LBB1_5-.Ltmp4, $4  }
0x42: {  	[tilespmem:s13+$0x810 ss:$0x81] =	vst.msk $0xffff, v2;
	s14 =	smul.u32 $0x1E850, s14;
	s15 =	sshrl.u32 s11, $0x3;
	s11 =	sand.u32 $0x7, s11  }
0x43: {  	[tilespmem:s13+$0x1020 ss:$0x81] =	vst.msk $0xffff, v0;
	s15 =	sadd.s32 s2, s15;
	s11 =	sshll.u32 s11, $0x12  }
0x44: {  	[tilespmem:s13+$0x0 ss:$0x81] =	vst.msk $0xffff, v1;
	s31 =	sadd.s32 s14, s15;
	s11 =	sor.u32 $0x400, s11  }
0x45: {  	[hbm4b:s31+s11] =	stream.strided.scatter [tilespmem:s12], [sflag:$0x2], $0x2000, s8, s11, $0x20;
	[tilespmem:$0x8080] =	vst v63  }
.LBB1_6:
0x46: {  	_ =	sfence.sel $0x180000  }
0x47: {  	s2 =	simm.s32 $0x1;
	[bflag:$0x0] =	sbarrier.arrive $0xFFFF  }
0x48: {  	s31 =	simm.s32 $0x2;
	[sflag:s2] =	ssyncpa.u1 $0x1  }
0x49: {  	[sflag:s31] =	ssyncpa.u1 $0x1  }
0x4a: {  	p0 =	sne.s32 s1, $0x0;
	_ =	strace $0x9000004A  }
0x4b: {  	s0 =	sadd.s32 @!p0 $0x100000, s0;
	[bflag:$0x2] =	sbarrier.arrive $0xFFFF  }
0x4c: {  	[sflag:s0] =	ssyncadd.tile.s32 @!p0 $0x1;
	_ =	shalt  }
.Lfunc_end1:
_tile_overlayer_lowered:
.L_overlay_start_2:
0x4d: {  	(tag) =	ssettag $0x2  }
0x4e: {  	s0 =	rddreg [dreg:$0x0];
	s2 =	stileid.u32  }
0x4f: {  	s1 =	rddreg [dreg:$0x1];
	p0 =	sne.s32 s2, $0x0  }
0x50: {  	s3 =	rddreg [dreg:$0x2];
	[bflag:$0x3] =	sbarrier.arrive $0xFFFF;
	s2 =	simm.s32 @!p0 $0x1C01  }
0x51: {  	[timem:s3], [sflag:s2] =	dma.local @!p0 [hbm:s0], s1  }
0x52: {  	s0 =	simm.s32 @!p0 $0x1  }
0x53: {  	_ =	swait.ge @!p0 [sflag:s0], s1  }
0x54: {  	s1 =	ssub.s32 @!p0 $0x0, s1;
	[sflag:s0] =	ssyncset.done @!p0 $0x0  }
0x55: {  	[sflag:s0] =	ssyncadd.s32 @!p0 s1  }
0x56: {  	[bflag:$0x3] =	sbarrier.arrive $0xFFFF  }
0x57: {  	_ =	shalt  }

</sc_bundles>
